<compile_context>
chip_gen: v7x
topology: tpu7x:2x2x1
jax: 0.10.2.dev20260603
libtpu: 0.0.44.dev20260713+nightly
codegen_flags: <defaults>
</compile_context>

<pallas_src>
import functools

import jax
import jax.numpy as jnp
from jax import lax
from jax.experimental import pallas as pl
from jax.experimental.pallas import tpu as pltpu
from jax.experimental.pallas import tpu_sc as plsc

N_NODES = 10000
NP = 10240
NACC = 10368
D = 128
N_EDGES = 320000

NC = 2
NS = 16
NW = NC * NS
CHUNK = 128
GROUP = 8
ROWS_PER_TILE = NACC // NS

PHASE_ROWS = 2560
PHASE_CPT = PHASE_ROWS // NW
PHASE_E = PHASE_ROWS * CHUNK

_SELU_ALPHA = 1.6732632423543772
_SELU_SCALE = 1.0507009873554805


def _run_phase(table, src2d, dst2d, acc, sidx, didx, rows, gsems, ssems,
               base, nchunks):
    def group_body(g, carry):
        gsl = pl.ds(base + g * GROUP, GROUP)
        pltpu.sync_copy(src2d.at[gsl], sidx)
        pltpu.sync_copy(dst2d.at[gsl], didx)

        gd = [None, None]
        sd = [None, None]
        for i in range(GROUP):
            b = i % 2
            if sd[b] is not None:
                sd[b].wait()
            gd[b] = pltpu.async_copy(table.at[sidx.at[i]], rows[b], gsems[b])
            if i > 0:
                pb = 1 - b
                gd[pb].wait()
                sd[pb] = pltpu.async_copy(
                    rows[pb], acc.at[didx.at[i - 1]], ssems[pb], add=True)
        lb = (GROUP - 1) % 2
        gd[lb].wait()
        sd[lb] = pltpu.async_copy(
            rows[lb], acc.at[didx.at[GROUP - 1]], ssems[lb], add=True)
        sd[0].wait()
        sd[1].wait()
        return carry

    lax.fori_loop(0, nchunks // GROUP, group_body, 0)


def _seg_body(do_deg, *refs):
    if do_deg:
        (table, src2d, dst2d, zrows, eye, out,
         sidx, didx, rows0, rows1, gsem0, gsem1, ssem0, ssem1,
         acc, ohsp) = refs
    else:
        (table, src2d, dst2d, zrows, out,
         sidx, didx, rows0, rows1, gsem0, gsem1, ssem0, ssem1, acc) = refs

    c = lax.axis_index("c")
    s = lax.axis_index("s")
    wid = c * NS + s
    rows = (rows0, rows1)
    gsems = (gsem0, gsem1)
    ssems = (ssem0, ssem1)

    pltpu.sync_copy(zrows, acc.at[pl.ds(s * ROWS_PER_TILE, ROWS_PER_TILE)])
    if do_deg:
        @pl.when(s == 0)
        def _():
            pltpu.sync_copy(eye, ohsp)

    plsc.subcore_barrier()

    _run_phase(table, src2d, dst2d, acc, sidx, didx, rows, gsems, ssems,
               wid * PHASE_CPT, PHASE_CPT)
    if do_deg:
        _run_phase(ohsp, src2d, dst2d, acc, sidx, didx, rows, gsems, ssems,
                   PHASE_ROWS + wid * PHASE_CPT, PHASE_CPT)

    plsc.subcore_barrier()

    sl = pl.ds(s * ROWS_PER_TILE, ROWS_PER_TILE)
    pltpu.sync_copy(acc.at[sl], out.at[c].at[sl])


def _make_seg_kernel(do_deg):
    scratch = [
        pltpu.VMEM((GROUP, CHUNK), jnp.int32),
        pltpu.VMEM((GROUP, CHUNK), jnp.int32),
        pltpu.VMEM((CHUNK, D), jnp.float32),
        pltpu.VMEM((CHUNK, D), jnp.float32),
        pltpu.SemaphoreType.DMA,
        pltpu.SemaphoreType.DMA,
        pltpu.SemaphoreType.DMA,
        pltpu.SemaphoreType.DMA,
        pltpu.VMEM_SHARED((NACC, D), jnp.float32),
    ]
    if do_deg:
        scratch.append(pltpu.VMEM_SHARED((128, D), jnp.float32))
    return pl.kernel(
        functools.partial(_seg_body, do_deg),
        out_type=jax.ShapeDtypeStruct((NC, NACC, D), jnp.float32),
        mesh=plsc.VectorSubcoreMesh(core_axis_name="c", subcore_axis_name="s"),
        scratch_types=scratch,
    )


_seg_deg = _make_seg_kernel(True)
_seg = _make_seg_kernel(False)


def _selu(v):
    return _SELU_SCALE * jnp.where(v > 0, v, _SELU_ALPHA * (jnp.exp(v) - 1.0))


def _tc_body(activation, p_ref, deg_ref, w_ref, b_ref, o_ref):
    p = p_ref[0] + p_ref[1]
    dinv = 1.0 / jnp.maximum(deg_ref[...], 1.0)
    v = jnp.dot(p * dinv, w_ref[...], preferred_element_type=jnp.float32)
    v = v + b_ref[...]
    if activation:
        v = _selu(v)
    o_ref[...] = v


RB = 1024


def _make_tc_kernel(activation):
    return pl.pallas_call(
        functools.partial(_tc_body, activation),
        grid=(NP // RB,),
        in_specs=[
            pl.BlockSpec((NC, RB, D), lambda i: (0, i, 0)),
            pl.BlockSpec((RB, 1), lambda i: (i, 0)),
            pl.BlockSpec((D, D), lambda i: (0, 0)),
            pl.BlockSpec((1, D), lambda i: (0, 0)),
        ],
        out_specs=pl.BlockSpec((RB, D), lambda i: (i, 0)),
        out_shape=jax.ShapeDtypeStruct((NP, D), jnp.float32),
    )


_tc_act = _make_tc_kernel(True)
_tc_lin = _make_tc_kernel(False)


def kernel(x, edge_index, W1, b1, W2, b2):
    ei = edge_index.astype(jnp.int32)
    src, dst = ei[0], ei[1]

    oh_src = dst & 127
    deg_dst = NP + lax.shift_right_logical(dst, 7)
    padn = PHASE_E - N_EDGES
    spad = jnp.zeros((padn,), jnp.int32)
    dpad = jnp.full((padn,), NACC - 1, jnp.int32)
    s1 = jnp.concatenate([src, spad, oh_src, spad])
    d1 = jnp.concatenate([dst, dpad, deg_dst, dpad])
    src2d_1 = s1.reshape(-1, CHUNK)
    dst2d_1 = d1.reshape(-1, CHUNK)

    s2 = jnp.concatenate([src, spad])
    d2 = jnp.concatenate([dst, dpad])
    src2d_2 = s2.reshape(-1, CHUNK)
    dst2d_2 = d2.reshape(-1, CHUNK)

    eye = jnp.eye(D, dtype=jnp.float32)
    z = jnp.zeros((ROWS_PER_TILE, D), jnp.float32)

    p = _seg_deg(x, src2d_1, dst2d_1, z, eye)
    deg = (p[0, NP:NP + 80] + p[1, NP:NP + 80]).reshape(NP, 1)
    h = _tc_act(p, deg, W1, b1.reshape(1, D))
    q = _seg(h, src2d_2, dst2d_2, z)
    out = _tc_lin(q, deg, W2, b2.reshape(1, D))
    return out[:N_NODES]

# --- scband reference (transcript-rebuilt; emitter-appended) ---
"""Pipeline reference for scband-gnn-27960237097139 (READ-ONLY COPY).

The authoritative reference and input builder live on the scoring server;
editing this copy changes nothing except your own understanding.
"""

import jax, jax.numpy as jnp
import numpy as np

N_NODES = 10000
N_EDGES = 320000
D = 128

def setup_inputs(seed: int = 0) -> dict:
    key = jax.random.key(seed)
    k1, k2, k3, k4, k5, k6 = jax.random.split(key, 6)
    x = jax.random.normal(k1, (N_NODES, D), dtype=jnp.float32)
    edge_index = jax.random.randint(k2, (2, N_EDGES), 0, N_NODES, dtype=jnp.int64)
    scale = 1.0 / np.sqrt(D)
    W1 = jax.random.normal(k3, (D, D), dtype=jnp.float32) * scale
    b1 = jnp.zeros((D,), dtype=jnp.float32)
    W2 = jax.random.normal(k4, (D, D), dtype=jnp.float32) * scale
    b2 = jnp.zeros((D,), dtype=jnp.float32)
    return {"x": x, "edge_index": edge_index, "W1": W1, "b1": b1, "W2": W2, "b2": b2}

def _graph_conv(x, src, dst, deg_inv, W, b):
    # gather source node features along edges, mean-aggregate at destination
    msgs = jnp.take(x, src, axis=0)
    agg = jax.ops.segment_sum(msgs, dst, num_segments=N_NODES)
    agg = agg * deg_inv[:, None]
    return agg @ W + b

def reference(x, edge_index, W1, b1, W2, b2):
    src = edge_index[0]
    dst = edge_index[1]
    deg = jax.ops.segment_sum(jnp.ones((N_EDGES,), dtype=jnp.float32), dst, num_segments=N_NODES)
    deg_inv = 1.0 / jnp.maximum(deg, 1.0)
    h = _graph_conv(x, src, dst, deg_inv, W1, b1)
    h = jax.nn.selu(h)
    # Dropout(p=0.1) is identity in eval / deterministic reference mode
    out = _graph_conv(h, src, dst, deg_inv, W2, b2)
    return out

if __name__ == "__main__":
    import jax
    _d = setup_inputs()
    print(jax.jit(kernel)(*tuple(_d.values())))

</pallas_src>

<mosaic_0001>
#map = affine_map<(d0, d1) -> (0, 0)>
#map1 = affine_map<(d0, d1) -> (0, 0, 0)>
module attributes {stable_mosaic.version = 14 : i64} {
  func.func @_seg_body(%arg0: i32, %arg1: i32, %arg2: memref<10240x128xf32, #tpu.memory_space<hbm>>, %arg3: memref<2560x128xi32, #tpu.memory_space<hbm>>, %arg4: memref<2560x128xi32, #tpu.memory_space<hbm>>, %arg5: memref<648x128xf32, #tpu.memory_space<hbm>>, %arg6: memref<2x10368x128xf32, #tpu.memory_space<hbm>>, %arg7: memref<8x128xi32, #tpu.memory_space<vmem>>, %arg8: memref<8x128xi32, #tpu.memory_space<vmem>>, %arg9: memref<128x128xf32, #tpu.memory_space<vmem>>, %arg10: memref<128x128xf32, #tpu.memory_space<vmem>>, %arg11: memref<!tpu.dma_semaphore, #tpu.memory_space<semaphore_mem>>, %arg12: memref<!tpu.dma_semaphore, #tpu.memory_space<semaphore_mem>>, %arg13: memref<!tpu.dma_semaphore, #tpu.memory_space<semaphore_mem>>, %arg14: memref<!tpu.dma_semaphore, #tpu.memory_space<semaphore_mem>>, %arg15: memref<10368x128xf32, #tpu.memory_space<vmem_shared>>) attributes {dimension_semantics = [#tpu.dimension_semantics<core_parallel>, #tpu.dimension_semantics<subcore_parallel>], iteration_bounds = array<i64: 2, 16>, scalar_prefetch = 0 : i64, scratch_operands = 9 : i64, tpu.core_type = #tpu.core_type<sc_vector_subcore>, window_params = [{transform_indices = #map}, {transform_indices = #map}, {transform_indices = #map}, {transform_indices = #map}, {transform_indices = #map1}]} {
    %mul3A = arith.constant 16 : i32
    %mul3A_0 = arith.muli %arg0, %mul3A : i32
    %add3A = arith.addi %mul3A_0, %arg1 : i32
    %mul3A_1 = arith.constant 648 : i32
    %mul3A_2 = arith.muli %arg1, %mul3A_1 : i32
    "tpu.region"() ({
      %run_scoped3A = tpu.sem_alloc : memref<!tpu.dma_semaphore, #tpu.memory_space<semaphore_mem>>
      %dma_start3A = arith.constant 0 : i32
      %dma_start3A_13 = tpu.memref_slice %arg15[%mul3A_2, %dma_start3A] : memref<10368x128xf32, #tpu.memory_space<vmem_shared>> -> memref<648x128xf32, #tpu.memory_space<vmem_shared>>
      tpu.enqueue_dma source(%arg5 : memref<648x128xf32, #tpu.memory_space<hbm>>) target(%dma_start3A_13 : memref<648x128xf32, #tpu.memory_space<vmem_shared>>) target_semaphore(%run_scoped3A : memref<!tpu.dma_semaphore, #tpu.memory_space<semaphore_mem>>)
      %dma_wait3A = arith.constant 0 : i32
      %dma_wait3A_14 = tpu.memref_slice %arg15[%mul3A_2, %dma_wait3A] : memref<10368x128xf32, #tpu.memory_space<vmem_shared>> -> memref<648x128xf32, #tpu.memory_space<vmem_shared>>
      tpu.wait_dma2 semaphore(%run_scoped3A : memref<!tpu.dma_semaphore, #tpu.memory_space<semaphore_mem>>) src(%arg5 : memref<648x128xf32, #tpu.memory_space<hbm>>) dst(%dma_wait3A_14 : memref<648x128xf32, #tpu.memory_space<vmem_shared>>)
      tpu.yield
    }) : () -> ()
    %barrier3A = arith.constant 0 : index
    tpu.barrier barrier_id(%barrier3A)
    %mul3A_3 = arith.constant 80 : i32
    %mul3A_4 = arith.muli %add3A, %mul3A_3 : i32
    %scan3A = arith.constant 0 : i32
    %scan3A_5 = arith.constant 0 : i32
    %scan3A_6 = arith.constant 10 : i32
    %scan3A_7 = arith.addi %scan3A_5, %scan3A_6 : i32
    %scan3A_8 = arith.constant 1 : i32
    scf.for %scan3A_13 = %scan3A_5 to %scan3A_7 step %scan3A_8  : i32 {
      %mul3A_14 = arith.constant 8 : i32
      %mul3A_15 = arith.muli %scan3A_13, %mul3A_14 : i32
      %add3A_16 = arith.addi %mul3A_4, %mul3A_15 : i32
      "tpu.region"() ({
        %run_scoped3A = tpu.sem_alloc : memref<!tpu.dma_semaphore, #tpu.memory_space<semaphore_mem>>
        %dma_start3A_239 = arith.constant 0 : i32
        %dma_start3A_240 = tpu.memref_slice %arg3[%add3A_16, %dma_start3A_239] : memref<2560x128xi32, #tpu.memory_space<hbm>> -> memref<8x128xi32, #tpu.memory_space<hbm>>
        %dma_start3A_241 = arith.constant 0 : i32
        %dma_start3A_242 = tpu.memref_slice %arg3[%add3A_16, %dma_start3A_241] : memref<2560x128xi32, #tpu.memory_space<hbm>> -> memref<8x128xi32, #tpu.memory_space<hbm>>
        tpu.enqueue_dma source(%dma_start3A_242 : memref<8x128xi32, #tpu.memory_space<hbm>>) target(%arg7 : memref<8x128xi32, #tpu.memory_space<vmem>>) target_semaphore(%run_scoped3A : memref<!tpu.dma_semaphore, #tpu.memory_space<semaphore_mem>>)
        %dma_wait3A_243 = arith.constant 0 : i32
        %dma_wait3A_244 = tpu.memref_slice %arg3[%add3A_16, %dma_wait3A_243] : memref<2560x128xi32, #tpu.memory_space<hbm>> -> memref<8x128xi32, #tpu.memory_space<hbm>>
        %dma_wait3A_245 = arith.constant 0 : i32
        %dma_wait3A_246 = tpu.memref_slice %arg3[%add3A_16, %dma_wait3A_245] : memref<2560x128xi32, #tpu.memory_space<hbm>> -> memref<8x128xi32, #tpu.memory_space<hbm>>
        tpu.wait_dma2 semaphore(%run_scoped3A : memref<!tpu.dma_semaphore, #tpu.memory_space<semaphore_mem>>) src(%dma_wait3A_246 : memref<8x128xi32, #tpu.memory_space<hbm>>) dst(%arg7 : memref<8x128xi32, #tpu.memory_space<vmem>>)
        tpu.yield
      }) : () -> ()
      "tpu.region"() ({
        %run_scoped3A = tpu.sem_alloc : memref<!tpu.dma_semaphore, #tpu.memory_space<semaphore_mem>>
        %dma_start3A_239 = arith.constant 0 : i32
        %dma_start3A_240 = tpu.memref_slice %arg4[%add3A_16, %dma_start3A_239] : memref<2560x128xi32, #tpu.memory_space<hbm>> -> memref<8x128xi32, #tpu.memory_space<hbm>>
        %dma_start3A_241 = arith.constant 0 : i32
        %dma_start3A_242 = tpu.memref_slice %arg4[%add3A_16, %dma_start3A_241] : memref<2560x128xi32, #tpu.memory_space<hbm>> -> memref<8x128xi32, #tpu.memory_space<hbm>>
        tpu.enqueue_dma source(%dma_start3A_242 : memref<8x128xi32, #tpu.memory_space<hbm>>) target(%arg8 : memref<8x128xi32, #tpu.memory_space<vmem>>) target_semaphore(%run_scoped3A : memref<!tpu.dma_semaphore, #tpu.memory_space<semaphore_mem>>)
        %dma_wait3A_243 = arith.constant 0 : i32
        %dma_wait3A_244 = tpu.memref_slice %arg4[%add3A_16, %dma_wait3A_243] : memref<2560x128xi32, #tpu.memory_space<hbm>> -> memref<8x128xi32, #tpu.memory_space<hbm>>
        %dma_wait3A_245 = arith.constant 0 : i32
        %dma_wait3A_246 = tpu.memref_slice %arg4[%add3A_16, %dma_wait3A_245] : memref<2560x128xi32, #tpu.memory_space<hbm>> -> memref<8x128xi32, #tpu.memory_space<hbm>>
        tpu.wait_dma2 semaphore(%run_scoped3A : memref<!tpu.dma_semaphore, #tpu.memory_space<semaphore_mem>>) src(%dma_wait3A_246 : memref<8x128xi32, #tpu.memory_space<hbm>>) dst(%arg8 : memref<8x128xi32, #tpu.memory_space<vmem>>)
        tpu.yield
      }) : () -> ()
      %dma_start3A = arith.constant 0 : i32
      %dma_start3A_17 = arith.constant 0 : i32
      %dma_start3A_18 = tpu.memref_slice %arg7[%dma_start3A, %dma_start3A_17] : memref<8x128xi32, #tpu.memory_space<vmem>> -> memref<1x128xi32, #tpu.memory_space<vmem>>
      %dma_start3A_19 = tpu.memref_squeeze %dma_start3A_18 : memref<1x128xi32, #tpu.memory_space<vmem>> -> memref<128xi32, #tpu.memory_space<vmem>>
      %dma_start3A_20 = arith.constant 0 : i32
      %dma_start3A_21 = arith.constant 0 : i32
      %dma_start3A_22 = tpu.memref_slice %arg2[%dma_start3A_20, %dma_start3A_21] : memref<10240x128xf32, #tpu.memory_space<hbm>> -> memref<10240x128xf32, #tpu.memory_space<hbm>>
      tpu.enqueue_indirect_dma source(%dma_start3A_22 : memref<10240x128xf32, #tpu.memory_space<hbm>>) target(%arg9 : memref<128x128xf32, #tpu.memory_space<vmem>>) offsets(%dma_start3A_19 : memref<128xi32, #tpu.memory_space<vmem>>) semaphore(%arg11 : memref<!tpu.dma_semaphore, #tpu.memory_space<semaphore_mem>>)
      %dma_start3A_23 = arith.constant 1 : i32
      %dma_start3A_24 = arith.constant 0 : i32
      %dma_start3A_25 = tpu.memref_slice %arg7[%dma_start3A_23, %dma_start3A_24] : memref<8x128xi32, #tpu.memory_space<vmem>> -> memref<1x128xi32, #tpu.memory_space<vmem>>
      %dma_start3A_26 = tpu.memref_squeeze %dma_start3A_25 : memref<1x128xi32, #tpu.memory_space<vmem>> -> memref<128xi32, #tpu.memory_space<vmem>>
      %dma_start3A_27 = arith.constant 0 : i32
      %dma_start3A_28 = arith.constant 0 : i32
      %dma_start3A_29 = tpu.memref_slice %arg2[%dma_start3A_27, %dma_start3A_28] : memref<10240x128xf32, #tpu.memory_space<hbm>> -> memref<10240x128xf32, #tpu.memory_space<hbm>>
      tpu.enqueue_indirect_dma source(%dma_start3A_29 : memref<10240x128xf32, #tpu.memory_space<hbm>>) target(%arg10 : memref<128x128xf32, #tpu.memory_space<vmem>>) offsets(%dma_start3A_26 : memref<128xi32, #tpu.memory_space<vmem>>) semaphore(%arg12 : memref<!tpu.dma_semaphore, #tpu.memory_space<semaphore_mem>>)
      %dma_wait3A = arith.constant 0 : i32
      %dma_wait3A_30 = arith.constant 0 : i32
      %dma_wait3A_31 = tpu.memref_slice %arg7[%dma_wait3A, %dma_wait3A_30] : memref<8x128xi32, #tpu.memory_space<vmem>> -> memref<1x128xi32, #tpu.memory_space<vmem>>
      %dma_wait3A_32 = tpu.memref_squeeze %dma_wait3A_31 : memref<1x128xi32, #tpu.memory_space<vmem>> -> memref<128xi32, #tpu.memory_space<vmem>>
      %dma_wait3A_33 = arith.constant 0 : i32
      %dma_wait3A_34 = arith.constant 0 : i32
      %dma_wait3A_35 = tpu.memref_slice %arg2[%dma_wait3A_33, %dma_wait3A_34] : memref<10240x128xf32, #tpu.memory_space<hbm>> -> memref<10240x128xf32, #tpu.memory_space<hbm>>
      tpu.wait_indirect_dma semaphore(%arg11 : memref<!tpu.dma_semaphore, #tpu.memory_space<semaphore_mem>>) src(%dma_wait3A_35 : memref<10240x128xf32, #tpu.memory_space<hbm>>) dst(%arg9 : memref<128x128xf32, #tpu.memory_space<vmem>>)
      %dma_start3A_36 = arith.constant 0 : i32
      %dma_start3A_37 = arith.constant 0 : i32
      %dma_start3A_38 = tpu.memref_slice %arg8[%dma_start3A_36, %dma_start3A_37] : memref<8x128xi32, #tpu.memory_space<vmem>> -> memref<1x128xi32, #tpu.memory_space<vmem>>
      %dma_start3A_39 = tpu.memref_squeeze %dma_start3A_38 : memref<1x128xi32, #tpu.memory_space<vmem>> -> memref<128xi32, #tpu.memory_space<vmem>>
      %dma_start3A_40 = arith.constant 0 : i32
      %dma_start3A_41 = arith.constant 0 : i32
      %dma_start3A_42 = tpu.memref_slice %arg15[%dma_start3A_40, %dma_start3A_41] : memref<10368x128xf32, #tpu.memory_space<vmem_shared>> -> memref<10368x128xf32, #tpu.memory_space<vmem_shared>>
      tpu.enqueue_indirect_dma source(%arg9 : memref<128x128xf32, #tpu.memory_space<vmem>>) target(%dma_start3A_42 : memref<10368x128xf32, #tpu.memory_space<vmem_shared>>) offsets(%dma_start3A_39 : memref<128xi32, #tpu.memory_space<vmem>>) semaphore(%arg13 : memref<!tpu.dma_semaphore, #tpu.memory_space<semaphore_mem>>) {add = true}
      %dma_wait3A_43 = arith.constant 0 : i32
      %dma_wait3A_44 = arith.constant 0 : i32
      %dma_wait3A_45 = tpu.memref_slice %arg8[%dma_wait3A_43, %dma_wait3A_44] : memref<8x128xi32, #tpu.memory_space<vmem>> -> memref<1x128xi32, #tpu.memory_space<vmem>>
      %dma_wait3A_46 = tpu.memref_squeeze %dma_wait3A_45 : memref<1x128xi32, #tpu.memory_space<vmem>> -> memref<128xi32, #tpu.memory_space<vmem>>
      %dma_wait3A_47 = arith.constant 0 : i32
      %dma_wait3A_48 = arith.constant 0 : i32
      %dma_wait3A_49 = tpu.memref_slice %arg15[%dma_wait3A_47, %dma_wait3A_48] : memref<10368x128xf32, #tpu.memory_space<vmem_shared>> -> memref<10368x128xf32, #tpu.memory_space<vmem_shared>>
      tpu.wait_indirect_dma semaphore(%arg13 : memref<!tpu.dma_semaphore, #tpu.memory_space<semaphore_mem>>) src(%arg9 : memref<128x128xf32, #tpu.memory_space<vmem>>) dst(%dma_wait3A_49 : memref<10368x128xf32, #tpu.memory_space<vmem_shared>>)
      %dma_start3A_50 = arith.constant 2 : i32
      %dma_start3A_51 = arith.constant 0 : i32
      %dma_start3A_52 = tpu.memref_slice %arg7[%dma_start3A_50, %dma_start3A_51] : memref<8x128xi32, #tpu.memory_space<vmem>> -> memref<1x128xi32, #tpu.memory_space<vmem>>
      %dma_start3A_53 = tpu.memref_squeeze %dma_start3A_52 : memref<1x128xi32, #tpu.memory_space<vmem>> -> memref<128xi32, #tpu.memory_space<vmem>>
      %dma_start3A_54 = arith.constant 0 : i32
      %dma_start3A_55 = arith.constant 0 : i32
      %dma_start3A_56 = tpu.memref_slice %arg2[%dma_start3A_54, %dma_start3A_55] : memref<10240x128xf32, #tpu.memory_space<hbm>> -> memref<10240x128xf32, #tpu.memory_space<hbm>>
      tpu.enqueue_indirect_dma source(%dma_start3A_56 : memref<10240x128xf32, #tpu.memory_space<hbm>>) target(%arg9 : memref<128x128xf32, #tpu.memory_space<vmem>>) offsets(%dma_start3A_53 : memref<128xi32, #tpu.memory_space<vmem>>) semaphore(%arg11 : memref<!tpu.dma_semaphore, #tpu.memory_space<semaphore_mem>>)
      %dma_wait3A_57 = arith.constant 1 : i32
      %dma_wait3A_58 = arith.constant 0 : i32
      %dma_wait3A_59 = tpu.memref_slice %arg7[%dma_wait3A_57, %dma_wait3A_58] : memref<8x128xi32, #tpu.memory_space<vmem>> -> memref<1x128xi32, #tpu.memory_space<vmem>>
      %dma_wait3A_60 = tpu.memref_squeeze %dma_wait3A_59 : memref<1x128xi32, #tpu.memory_space<vmem>> -> memref<128xi32, #tpu.memory_space<vmem>>
      %dma_wait3A_61 = arith.constant 0 : i32
      %dma_wait3A_62 = arith.constant 0 : i32
      %dma_wait3A_63 = tpu.memref_slice %arg2[%dma_wait3A_61, %dma_wait3A_62] : memref<10240x128xf32, #tpu.memory_space<hbm>> -> memref<10240x128xf32, #tpu.memory_space<hbm>>
      tpu.wait_indirect_dma semaphore(%arg12 : memref<!tpu.dma_semaphore, #tpu.memory_space<semaphore_mem>>) src(%dma_wait3A_63 : memref<10240x128xf32, #tpu.memory_space<hbm>>) dst(%arg10 : memref<128x128xf32, #tpu.memory_space<vmem>>)
      %dma_start3A_64 = arith.constant 1 : i32
      %dma_start3A_65 = arith.constant 0 : i32
      %dma_start3A_66 = tpu.memref_slice %arg8[%dma_start3A_64, %dma_start3A_65] : memref<8x128xi32, #tpu.memory_space<vmem>> -> memref<1x128xi32, #tpu.memory_space<vmem>>
      %dma_start3A_67 = tpu.memref_squeeze %dma_start3A_66 : memref<1x128xi32, #tpu.memory_space<vmem>> -> memref<128xi32, #tpu.memory_space<vmem>>
      %dma_start3A_68 = arith.constant 0 : i32
      %dma_start3A_69 = arith.constant 0 : i32
      %dma_start3A_70 = tpu.memref_slice %arg15[%dma_start3A_68, %dma_start3A_69] : memref<10368x128xf32, #tpu.memory_space<vmem_shared>> -> memref<10368x128xf32, #tpu.memory_space<vmem_shared>>
      tpu.enqueue_indirect_dma source(%arg10 : memref<128x128xf32, #tpu.memory_space<vmem>>) target(%dma_start3A_70 : memref<10368x128xf32, #tpu.memory_space<vmem_shared>>) offsets(%dma_start3A_67 : memref<128xi32, #tpu.memory_space<vmem>>) semaphore(%arg14 : memref<!tpu.dma_semaphore, #tpu.memory_space<semaphore_mem>>) {add = true}
      %dma_wait3A_71 = arith.constant 1 : i32
      %dma_wait3A_72 = arith.constant 0 : i32
      %dma_wait3A_73 = tpu.memref_slice %arg8[%dma_wait3A_71, %dma_wait3A_72] : memref<8x128xi32, #tpu.memory_space<vmem>> -> memref<1x128xi32, #tpu.memory_space<vmem>>
      %dma_wait3A_74 = tpu.memref_squeeze %dma_wait3A_73 : memref<1x128xi32, #tpu.memory_space<vmem>> -> memref<128xi32, #tpu.memory_space<vmem>>
      %dma_wait3A_75 = arith.constant 0 : i32
      %dma_wait3A_76 = arith.constant 0 : i32
      %dma_wait3A_77 = tpu.memref_slice %arg15[%dma_wait3A_75, %dma_wait3A_76] : memref<10368x128xf32, #tpu.memory_space<vmem_shared>> -> memref<10368x128xf32, #tpu.memory_space<vmem_shared>>
      tpu.wait_indirect_dma semaphore(%arg14 : memref<!tpu.dma_semaphore, #tpu.memory_space<semaphore_mem>>) src(%arg10 : memref<128x128xf32, #tpu.memory_space<vmem>>) dst(%dma_wait3A_77 : memref<10368x128xf32, #tpu.memory_space<vmem_shared>>)
      %dma_start3A_78 = arith.constant 3 : i32
      %dma_start3A_79 = arith.constant 0 : i32
      %dma_start3A_80 = tpu.memref_slice %arg7[%dma_start3A_78, %dma_start3A_79] : memref<8x128xi32, #tpu.memory_space<vmem>> -> memref<1x128xi32, #tpu.memory_space<vmem>>
      %dma_start3A_81 = tpu.memref_squeeze %dma_start3A_80 : memref<1x128xi32, #tpu.memory_space<vmem>> -> memref<128xi32, #tpu.memory_space<vmem>>
      %dma_start3A_82 = arith.constant 0 : i32
      %dma_start3A_83 = arith.constant 0 : i32
      %dma_start3A_84 = tpu.memref_slice %arg2[%dma_start3A_82, %dma_start3A_83] : memref<10240x128xf32, #tpu.memory_space<hbm>> -> memref<10240x128xf32, #tpu.memory_space<hbm>>
      tpu.enqueue_indirect_dma source(%dma_start3A_84 : memref<10240x128xf32, #tpu.memory_space<hbm>>) target(%arg10 : memref<128x128xf32, #tpu.memory_space<vmem>>) offsets(%dma_start3A_81 : memref<128xi32, #tpu.memory_space<vmem>>) semaphore(%arg12 : memref<!tpu.dma_semaphore, #tpu.memory_space<semaphore_mem>>)
      %dma_wait3A_85 = arith.constant 2 : i32
      %dma_wait3A_86 = arith.constant 0 : i32
      %dma_wait3A_87 = tpu.memref_slice %arg7[%dma_wait3A_85, %dma_wait3A_86] : memref<8x128xi32, #tpu.memory_space<vmem>> -> memref<1x128xi32, #tpu.memory_space<vmem>>
      %dma_wait3A_88 = tpu.memref_squeeze %dma_wait3A_87 : memref<1x128xi32, #tpu.memory_space<vmem>> -> memref<128xi32, #tpu.memory_space<vmem>>
      %dma_wait3A_89 = arith.constant 0 : i32
      %dma_wait3A_90 = arith.constant 0 : i32
      %dma_wait3A_91 = tpu.memref_slice %arg2[%dma_wait3A_89, %dma_wait3A_90] : memref<10240x128xf32, #tpu.memory_space<hbm>> -> memref<10240x128xf32, #tpu.memory_space<hbm>>
      tpu.wait_indirect_dma semaphore(%arg11 : memref<!tpu.dma_semaphore, #tpu.memory_space<semaphore_mem>>) src(%dma_wait3A_91 : memref<10240x128xf32, #tpu.memory_space<hbm>>) dst(%arg9 : memref<128x128xf32, #tpu.memory_space<vmem>>)
      %dma_start3A_92 = arith.constant 2 : i32
      %dma_start3A_93 = arith.constant 0 : i32
      %dma_start3A_94 = tpu.memref_slice %arg8[%dma_start3A_92, %dma_start3A_93] : memref<8x128xi32, #tpu.memory_space<vmem>> -> memref<1x128xi32, #tpu.memory_space<vmem>>
      %dma_start3A_95 = tpu.memref_squeeze %dma_start3A_94 : memref<1x128xi32, #tpu.memory_space<vmem>> -> memref<128xi32, #tpu.memory_space<vmem>>
      %dma_start3A_96 = arith.constant 0 : i32
      %dma_start3A_97 = arith.constant 0 : i32
      %dma_start3A_98 = tpu.memref_slice %arg15[%dma_start3A_96, %dma_start3A_97] : memref<10368x128xf32, #tpu.memory_space<vmem_shared>> -> memref<10368x128xf32, #tpu.memory_space<vmem_shared>>
      tpu.enqueue_indirect_dma source(%arg9 : memref<128x128xf32, #tpu.memory_space<vmem>>) target(%dma_start3A_98 : memref<10368x128xf32, #tpu.memory_space<vmem_shared>>) offsets(%dma_start3A_95 : memref<128xi32, #tpu.memory_space<vmem>>) semaphore(%arg13 : memref<!tpu.dma_semaphore, #tpu.memory_space<semaphore_mem>>) {add = true}
      %dma_wait3A_99 = arith.constant 2 : i32
      %dma_wait3A_100 = arith.constant 0 : i32
      %dma_wait3A_101 = tpu.memref_slice %arg8[%dma_wait3A_99, %dma_wait3A_100] : memref<8x128xi32, #tpu.memory_space<vmem>> -> memref<1x128xi32, #tpu.memory_space<vmem>>
      %dma_wait3A_102 = tpu.memref_squeeze %dma_wait3A_101 : memref<1x128xi32, #tpu.memory_space<vmem>> -> memref<128xi32, #tpu.memory_space<vmem>>
      %dma_wait3A_103 = arith.constant 0 : i32
      %dma_wait3A_104 = arith.constant 0 : i32
      %dma_wait3A_105 = tpu.memref_slice %arg15[%dma_wait3A_103, %dma_wait3A_104] : memref<10368x128xf32, #tpu.memory_space<vmem_shared>> -> memref<10368x128xf32, #tpu.memory_space<vmem_shared>>
      tpu.wait_indirect_dma semaphore(%arg13 : memref<!tpu.dma_semaphore, #tpu.memory_space<semaphore_mem>>) src(%arg9 : memref<128x128xf32, #tpu.memory_space<vmem>>) dst(%dma_wait3A_105 : memref<10368x128xf32, #tpu.memory_space<vmem_shared>>)
      %dma_start3A_106 = arith.constant 4 : i32
      %dma_start3A_107 = arith.constant 0 : i32
      %dma_start3A_108 = tpu.memref_slice %arg7[%dma_start3A_106, %dma_start3A_107] : memref<8x128xi32, #tpu.memory_space<vmem>> -> memref<1x128xi32, #tpu.memory_space<vmem>>
      %dma_start3A_109 = tpu.memref_squeeze %dma_start3A_108 : memref<1x128xi32, #tpu.memory_space<vmem>> -> memref<128xi32, #tpu.memory_space<vmem>>
      %dma_start3A_110 = arith.constant 0 : i32
      %dma_start3A_111 = arith.constant 0 : i32
      %dma_start3A_112 = tpu.memref_slice %arg2[%dma_start3A_110, %dma_start3A_111] : memref<10240x128xf32, #tpu.memory_space<hbm>> -> memref<10240x128xf32, #tpu.memory_space<hbm>>
      tpu.enqueue_indirect_dma source(%dma_start3A_112 : memref<10240x128xf32, #tpu.memory_space<hbm>>) target(%arg9 : memref<128x128xf32, #tpu.memory_space<vmem>>) offsets(%dma_start3A_109 : memref<128xi32, #tpu.memory_space<vmem>>) semaphore(%arg11 : memref<!tpu.dma_semaphore, #tpu.memory_space<semaphore_mem>>)
      %dma_wait3A_113 = arith.constant 3 : i32
      %dma_wait3A_114 = arith.constant 0 : i32
      %dma_wait3A_115 = tpu.memref_slice %arg7[%dma_wait3A_113, %dma_wait3A_114] : memref<8x128xi32, #tpu.memory_space<vmem>> -> memref<1x128xi32, #tpu.memory_space<vmem>>
      %dma_wait3A_116 = tpu.memref_squeeze %dma_wait3A_115 : memref<1x128xi32, #tpu.memory_space<vmem>> -> memref<128xi32, #tpu.memory_space<vmem>>
      %dma_wait3A_117 = arith.constant 0 : i32
      %dma_wait3A_118 = arith.constant 0 : i32
      %dma_wait3A_119 = tpu.memref_slice %arg2[%dma_wait3A_117, %dma_wait3A_118] : memref<10240x128xf32, #tpu.memory_space<hbm>> -> memref<10240x128xf32, #tpu.memory_space<hbm>>
      tpu.wait_indirect_dma semaphore(%arg12 : memref<!tpu.dma_semaphore, #tpu.memory_space<semaphore_mem>>) src(%dma_wait3A_119 : memref<10240x128xf32, #tpu.memory_space<hbm>>) dst(%arg10 : memref<128x128xf32, #tpu.memory_space<vmem>>)
      %dma_start3A_120 = arith.constant 3 : i32
      %dma_start3A_121 = arith.constant 0 : i32
      %dma_start3A_122 = tpu.memref_slice %arg8[%dma_start3A_120, %dma_start3A_121] : memref<8x128xi32, #tpu.memory_space<vmem>> -> memref<1x128xi32, #tpu.memory_space<vmem>>
      %dma_start3A_123 = tpu.memref_squeeze %dma_start3A_122 : memref<1x128xi32, #tpu.memory_space<vmem>> -> memref<128xi32, #tpu.memory_space<vmem>>
      %dma_start3A_124 = arith.constant 0 : i32
      %dma_start3A_125 = arith.constant 0 : i32
      %dma_start3A_126 = tpu.memref_slice %arg15[%dma_start3A_124, %dma_start3A_125] : memref<10368x128xf32, #tpu.memory_space<vmem_shared>> -> memref<10368x128xf32, #tpu.memory_space<vmem_shared>>
      tpu.enqueue_indirect_dma source(%arg10 : memref<128x128xf32, #tpu.memory_space<vmem>>) target(%dma_start3A_126 : memref<10368x128xf32, #tpu.memory_space<vmem_shared>>) offsets(%dma_start3A_123 : memref<128xi32, #tpu.memory_space<vmem>>) semaphore(%arg14 : memref<!tpu.dma_semaphore, #tpu.memory_space<semaphore_mem>>) {add = true}
      %dma_wait3A_127 = arith.constant 3 : i32
      %dma_wait3A_128 = arith.constant 0 : i32
      %dma_wait3A_129 = tpu.memref_slice %arg8[%dma_wait3A_127, %dma_wait3A_128] : memref<8x128xi32, #tpu.memory_space<vmem>> -> memref<1x128xi32, #tpu.memory_space<vmem>>
      %dma_wait3A_130 = tpu.memref_squeeze %dma_wait3A_129 : memref<1x128xi32, #tpu.memory_space<vmem>> -> memref<128xi32, #tpu.memory_space<vmem>>
      %dma_wait3A_131 = arith.constant 0 : i32
      %dma_wait3A_132 = arith.constant 0 : i32
      %dma_wait3A_133 = tpu.memref_slice %arg15[%dma_wait3A_131, %dma_wait3A_132] : memref<10368x128xf32, #tpu.memory_space<vmem_shared>> -> memref<10368x128xf32, #tpu.memory_space<vmem_shared>>
      tpu.wait_indirect_dma semaphore(%arg14 : memref<!tpu.dma_semaphore, #tpu.memory_space<semaphore_mem>>) src(%arg10 : memref<128x128xf32, #tpu.memory_space<vmem>>) dst(%dma_wait3A_133 : memref<10368x128xf32, #tpu.memory_space<vmem_shared>>)
      %dma_start3A_134 = arith.constant 5 : i32
      %dma_start3A_135 = arith.constant 0 : i32
      %dma_start3A_136 = tpu.memref_slice %arg7[%dma_start3A_134, %dma_start3A_135] : memref<8x128xi32, #tpu.memory_space<vmem>> -> memref<1x128xi32, #tpu.memory_space<vmem>>
      %dma_start3A_137 = tpu.memref_squeeze %dma_start3A_136 : memref<1x128xi32, #tpu.memory_space<vmem>> -> memref<128xi32, #tpu.memory_space<vmem>>
      %dma_start3A_138 = arith.constant 0 : i32
      %dma_start3A_139 = arith.constant 0 : i32
      %dma_start3A_140 = tpu.memref_slice %arg2[%dma_start3A_138, %dma_start3A_139] : memref<10240x128xf32, #tpu.memory_space<hbm>> -> memref<10240x128xf32, #tpu.memory_space<hbm>>
      tpu.enqueue_indirect_dma source(%dma_start3A_140 : memref<10240x128xf32, #tpu.memory_space<hbm>>) target(%arg10 : memref<128x128xf32, #tpu.memory_space<vmem>>) offsets(%dma_start3A_137 : memref<128xi32, #tpu.memory_space<vmem>>) semaphore(%arg12 : memref<!tpu.dma_semaphore, #tpu.memory_space<semaphore_mem>>)
      %dma_wait3A_141 = arith.constant 4 : i32
      %dma_wait3A_142 = arith.constant 0 : i32
      %dma_wait3A_143 = tpu.memref_slice %arg7[%dma_wait3A_141, %dma_wait3A_142] : memref<8x128xi32, #tpu.memory_space<vmem>> -> memref<1x128xi32, #tpu.memory_space<vmem>>
      %dma_wait3A_144 = tpu.memref_squeeze %dma_wait3A_143 : memref<1x128xi32, #tpu.memory_space<vmem>> -> memref<128xi32, #tpu.memory_space<vmem>>
      %dma_wait3A_145 = arith.constant 0 : i32
      %dma_wait3A_146 = arith.constant 0 : i32
      %dma_wait3A_147 = tpu.memref_slice %arg2[%dma_wait3A_145, %dma_wait3A_146] : memref<10240x128xf32, #tpu.memory_space<hbm>> -> memref<10240x128xf32, #tpu.memory_space<hbm>>
      tpu.wait_indirect_dma semaphore(%arg11 : memref<!tpu.dma_semaphore, #tpu.memory_space<semaphore_mem>>) src(%dma_wait3A_147 : memref<10240x128xf32, #tpu.memory_space<hbm>>) dst(%arg9 : memref<128x128xf32, #tpu.memory_space<vmem>>)
      %dma_start3A_148 = arith.constant 4 : i32
      %dma_start3A_149 = arith.constant 0 : i32
      %dma_start3A_150 = tpu.memref_slice %arg8[%dma_start3A_148, %dma_start3A_149] : memref<8x128xi32, #tpu.memory_space<vmem>> -> memref<1x128xi32, #tpu.memory_space<vmem>>
      %dma_start3A_151 = tpu.memref_squeeze %dma_start3A_150 : memref<1x128xi32, #tpu.memory_space<vmem>> -> memref<128xi32, #tpu.memory_space<vmem>>
      %dma_start3A_152 = arith.constant 0 : i32
      %dma_start3A_153 = arith.constant 0 : i32
      %dma_start3A_154 = tpu.memref_slice %arg15[%dma_start3A_152, %dma_start3A_153] : memref<10368x128xf32, #tpu.memory_space<vmem_shared>> -> memref<10368x128xf32, #tpu.memory_space<vmem_shared>>
      tpu.enqueue_indirect_dma source(%arg9 : memref<128x128xf32, #tpu.memory_space<vmem>>) target(%dma_start3A_154 : memref<10368x128xf32, #tpu.memory_space<vmem_shared>>) offsets(%dma_start3A_151 : memref<128xi32, #tpu.memory_space<vmem>>) semaphore(%arg13 : memref<!tpu.dma_semaphore, #tpu.memory_space<semaphore_mem>>) {add = true}
      %dma_wait3A_155 = arith.constant 4 : i32
      %dma_wait3A_156 = arith.constant 0 : i32
      %dma_wait3A_157 = tpu.memref_slice %arg8[%dma_wait3A_155, %dma_wait3A_156] : memref<8x128xi32, #tpu.memory_space<vmem>> -> memref<1x128xi32, #tpu.memory_space<vmem>>
      %dma_wait3A_158 = tpu.memref_squeeze %dma_wait3A_157 : memref<1x128xi32, #tpu.memory_space<vmem>> -> memref<128xi32, #tpu.memory_space<vmem>>
      %dma_wait3A_159 = arith.constant 0 : i32
      %dma_wait3A_160 = arith.constant 0 : i32
      %dma_wait3A_161 = tpu.memref_slice %arg15[%dma_wait3A_159, %dma_wait3A_160] : memref<10368x128xf32, #tpu.memory_space<vmem_shared>> -> memref<10368x128xf32, #tpu.memory_space<vmem_shared>>
      tpu.wait_indirect_dma semaphore(%arg13 : memref<!tpu.dma_semaphore, #tpu.memory_space<semaphore_mem>>) src(%arg9 : memref<128x128xf32, #tpu.memory_space<vmem>>) dst(%dma_wait3A_161 : memref<10368x128xf32, #tpu.memory_space<vmem_shared>>)
      %dma_start3A_162 = arith.constant 6 : i32
      %dma_start3A_163 = arith.constant 0 : i32
      %dma_start3A_164 = tpu.memref_slice %arg7[%dma_start3A_162, %dma_start3A_163] : memref<8x128xi32, #tpu.memory_space<vmem>> -> memref<1x128xi32, #tpu.memory_space<vmem>>
      %dma_start3A_165 = tpu.memref_squeeze %dma_start3A_164 : memref<1x128xi32, #tpu.memory_space<vmem>> -> memref<128xi32, #tpu.memory_space<vmem>>
      %dma_start3A_166 = arith.constant 0 : i32
      %dma_start3A_167 = arith.constant 0 : i32
      %dma_start3A_168 = tpu.memref_slice %arg2[%dma_start3A_166, %dma_start3A_167] : memref<10240x128xf32, #tpu.memory_space<hbm>> -> memref<10240x128xf32, #tpu.memory_space<hbm>>
      tpu.enqueue_indirect_dma source(%dma_start3A_168 : memref<10240x128xf32, #tpu.memory_space<hbm>>) target(%arg9 : memref<128x128xf32, #tpu.memory_space<vmem>>) offsets(%dma_start3A_165 : memref<128xi32, #tpu.memory_space<vmem>>) semaphore(%arg11 : memref<!tpu.dma_semaphore, #tpu.memory_space<semaphore_mem>>)
      %dma_wait3A_169 = arith.constant 5 : i32
      %dma_wait3A_170 = arith.constant 0 : i32
      %dma_wait3A_171 = tpu.memref_slice %arg7[%dma_wait3A_169, %dma_wait3A_170] : memref<8x128xi32, #tpu.memory_space<vmem>> -> memref<1x128xi32, #tpu.memory_space<vmem>>
      %dma_wait3A_172 = tpu.memref_squeeze %dma_wait3A_171 : memref<1x128xi32, #tpu.memory_space<vmem>> -> memref<128xi32, #tpu.memory_space<vmem>>
      %dma_wait3A_173 = arith.constant 0 : i32
      %dma_wait3A_174 = arith.constant 0 : i32
      %dma_wait3A_175 = tpu.memref_slice %arg2[%dma_wait3A_173, %dma_wait3A_174] : memref<10240x128xf32, #tpu.memory_space<hbm>> -> memref<10240x128xf32, #tpu.memory_space<hbm>>
      tpu.wait_indirect_dma semaphore(%arg12 : memref<!tpu.dma_semaphore, #tpu.memory_space<semaphore_mem>>) src(%dma_wait3A_175 : memref<10240x128xf32, #tpu.memory_space<hbm>>) dst(%arg10 : memref<128x128xf32, #tpu.memory_space<vmem>>)
      %dma_start3A_176 = arith.constant 5 : i32
      %dma_start3A_177 = arith.constant 0 : i32
      %dma_start3A_178 = tpu.memref_slice %arg8[%dma_start3A_176, %dma_start3A_177] : memref<8x128xi32, #tpu.memory_space<vmem>> -> memref<1x128xi32, #tpu.memory_space<vmem>>
      %dma_start3A_179 = tpu.memref_squeeze %dma_start3A_178 : memref<1x128xi32, #tpu.memory_space<vmem>> -> memref<128xi32, #tpu.memory_space<vmem>>
      %dma_start3A_180 = arith.constant 0 : i32
      %dma_start3A_181 = arith.constant 0 : i32
      %dma_start3A_182 = tpu.memref_slice %arg15[%dma_start3A_180, %dma_start3A_181] : memref<10368x128xf32, #tpu.memory_space<vmem_shared>> -> memref<10368x128xf32, #tpu.memory_space<vmem_shared>>
      tpu.enqueue_indirect_dma source(%arg10 : memref<128x128xf32, #tpu.memory_space<vmem>>) target(%dma_start3A_182 : memref<10368x128xf32, #tpu.memory_space<vmem_shared>>) offsets(%dma_start3A_179 : memref<128xi32, #tpu.memory_space<vmem>>) semaphore(%arg14 : memref<!tpu.dma_semaphore, #tpu.memory_space<semaphore_mem>>) {add = true}
      %dma_wait3A_183 = arith.constant 5 : i32
      %dma_wait3A_184 = arith.constant 0 : i32
      %dma_wait3A_185 = tpu.memref_slice %arg8[%dma_wait3A_183, %dma_wait3A_184] : memref<8x128xi32, #tpu.memory_space<vmem>> -> memref<1x128xi32, #tpu.memory_space<vmem>>
      %dma_wait3A_186 = tpu.memref_squeeze %dma_wait3A_185 : memref<1x128xi32, #tpu.memory_space<vmem>> -> memref<128xi32, #tpu.memory_space<vmem>>
      %dma_wait3A_187 = arith.constant 0 : i32
      %dma_wait3A_188 = arith.constant 0 : i32
      %dma_wait3A_189 = tpu.memref_slice %arg15[%dma_wait3A_187, %dma_wait3A_188] : memref<10368x128xf32, #tpu.memory_space<vmem_shared>> -> memref<10368x128xf32, #tpu.memory_space<vmem_shared>>
      tpu.wait_indirect_dma semaphore(%arg14 : memref<!tpu.dma_semaphore, #tpu.memory_space<semaphore_mem>>) src(%arg10 : memref<128x128xf32, #tpu.memory_space<vmem>>) dst(%dma_wait3A_189 : memref<10368x128xf32, #tpu.memory_space<vmem_shared>>)
      %dma_start3A_190 = arith.constant 7 : i32
      %dma_start3A_191 = arith.constant 0 : i32
      %dma_start3A_192 = tpu.memref_slice %arg7[%dma_start3A_190, %dma_start3A_191] : memref<8x128xi32, #tpu.memory_space<vmem>> -> memref<1x128xi32, #tpu.memory_space<vmem>>
      %dma_start3A_193 = tpu.memref_squeeze %dma_start3A_192 : memref<1x128xi32, #tpu.memory_space<vmem>> -> memref<128xi32, #tpu.memory_space<vmem>>
      %dma_start3A_194 = arith.constant 0 : i32
      %dma_start3A_195 = arith.constant 0 : i32
      %dma_start3A_196 = tpu.memref_slice %arg2[%dma_start3A_194, %dma_start3A_195] : memref<10240x128xf32, #tpu.memory_space<hbm>> -> memref<10240x128xf32, #tpu.memory_space<hbm>>
      tpu.enqueue_indirect_dma source(%dma_start3A_196 : memref<10240x128xf32, #tpu.memory_space<hbm>>) target(%arg10 : memref<128x128xf32, #tpu.memory_space<vmem>>) offsets(%dma_start3A_193 : memref<128xi32, #tpu.memory_space<vmem>>) semaphore(%arg12 : memref<!tpu.dma_semaphore, #tpu.memory_space<semaphore_mem>>)
      %dma_wait3A_197 = arith.constant 6 : i32
      %dma_wait3A_198 = arith.constant 0 : i32
      %dma_wait3A_199 = tpu.memref_slice %arg7[%dma_wait3A_197, %dma_wait3A_198] : memref<8x128xi32, #tpu.memory_space<vmem>> -> memref<1x128xi32, #tpu.memory_space<vmem>>
      %dma_wait3A_200 = tpu.memref_squeeze %dma_wait3A_199 : memref<1x128xi32, #tpu.memory_space<vmem>> -> memref<128xi32, #tpu.memory_space<vmem>>
      %dma_wait3A_201 = arith.constant 0 : i32
      %dma_wait3A_202 = arith.constant 0 : i32
      %dma_wait3A_203 = tpu.memref_slice %arg2[%dma_wait3A_201, %dma_wait3A_202] : memref<10240x128xf32, #tpu.memory_space<hbm>> -> memref<10240x128xf32, #tpu.memory_space<hbm>>
      tpu.wait_indirect_dma semaphore(%arg11 : memref<!tpu.dma_semaphore, #tpu.memory_space<semaphore_mem>>) src(%dma_wait3A_203 : memref<10240x128xf32, #tpu.memory_space<hbm>>) dst(%arg9 : memref<128x128xf32, #tpu.memory_space<vmem>>)
      %dma_start3A_204 = arith.constant 6 : i32
      %dma_start3A_205 = arith.constant 0 : i32
      %dma_start3A_206 = tpu.memref_slice %arg8[%dma_start3A_204, %dma_start3A_205] : memref<8x128xi32, #tpu.memory_space<vmem>> -> memref<1x128xi32, #tpu.memory_space<vmem>>
      %dma_start3A_207 = tpu.memref_squeeze %dma_start3A_206 : memref<1x128xi32, #tpu.memory_space<vmem>> -> memref<128xi32, #tpu.memory_space<vmem>>
      %dma_start3A_208 = arith.constant 0 : i32
      %dma_start3A_209 = arith.constant 0 : i32
      %dma_start3A_210 = tpu.memref_slice %arg15[%dma_start3A_208, %dma_start3A_209] : memref<10368x128xf32, #tpu.memory_space<vmem_shared>> -> memref<10368x128xf32, #tpu.memory_space<vmem_shared>>
      tpu.enqueue_indirect_dma source(%arg9 : memref<128x128xf32, #tpu.memory_space<vmem>>) target(%dma_start3A_210 : memref<10368x128xf32, #tpu.memory_space<vmem_shared>>) offsets(%dma_start3A_207 : memref<128xi32, #tpu.memory_space<vmem>>) semaphore(%arg13 : memref<!tpu.dma_semaphore, #tpu.memory_space<semaphore_mem>>) {add = true}
      %dma_wait3A_211 = arith.constant 7 : i32
      %dma_wait3A_212 = arith.constant 0 : i32
      %dma_wait3A_213 = tpu.memref_slice %arg7[%dma_wait3A_211, %dma_wait3A_212] : memref<8x128xi32, #tpu.memory_space<vmem>> -> memref<1x128xi32, #tpu.memory_space<vmem>>
      %dma_wait3A_214 = tpu.memref_squeeze %dma_wait3A_213 : memref<1x128xi32, #tpu.memory_space<vmem>> -> memref<128xi32, #tpu.memory_space<vmem>>
      %dma_wait3A_215 = arith.constant 0 : i32
      %dma_wait3A_216 = arith.constant 0 : i32
      %dma_wait3A_217 = tpu.memref_slice %arg2[%dma_wait3A_215, %dma_wait3A_216] : memref<10240x128xf32, #tpu.memory_space<hbm>> -> memref<10240x128xf32, #tpu.memory_space<hbm>>
      tpu.wait_indirect_dma semaphore(%arg12 : memref<!tpu.dma_semaphore, #tpu.memory_space<semaphore_mem>>) src(%dma_wait3A_217 : memref<10240x128xf32, #tpu.memory_space<hbm>>) dst(%arg10 : memref<128x128xf32, #tpu.memory_space<vmem>>)
      %dma_start3A_218 = arith.constant 7 : i32
      %dma_start3A_219 = arith.constant 0 : i32
      %dma_start3A_220 = tpu.memref_slice %arg8[%dma_start3A_218, %dma_start3A_219] : memref<8x128xi32, #tpu.memory_space<vmem>> -> memref<1x128xi32, #tpu.memory_space<vmem>>
      %dma_start3A_221 = tpu.memref_squeeze %dma_start3A_220 : memref<1x128xi32, #tpu.memory_space<vmem>> -> memref<128xi32, #tpu.memory_space<vmem>>
      %dma_start3A_222 = arith.constant 0 : i32
      %dma_start3A_223 = arith.constant 0 : i32
      %dma_start3A_224 = tpu.memref_slice %arg15[%dma_start3A_222, %dma_start3A_223] : memref<10368x128xf32, #tpu.memory_space<vmem_shared>> -> memref<10368x128xf32, #tpu.memory_space<vmem_shared>>
      tpu.enqueue_indirect_dma source(%arg10 : memref<128x128xf32, #tpu.memory_space<vmem>>) target(%dma_start3A_224 : memref<10368x128xf32, #tpu.memory_space<vmem_shared>>) offsets(%dma_start3A_221 : memref<128xi32, #tpu.memory_space<vmem>>) semaphore(%arg14 : memref<!tpu.dma_semaphore, #tpu.memory_space<semaphore_mem>>) {add = true}
      %dma_wait3A_225 = arith.constant 6 : i32
      %dma_wait3A_226 = arith.constant 0 : i32
      %dma_wait3A_227 = tpu.memref_slice %arg8[%dma_wait3A_225, %dma_wait3A_226] : memref<8x128xi32, #tpu.memory_space<vmem>> -> memref<1x128xi32, #tpu.memory_space<vmem>>
      %dma_wait3A_228 = tpu.memref_squeeze %dma_wait3A_227 : memref<1x128xi32, #tpu.memory_space<vmem>> -> memref<128xi32, #tpu.memory_space<vmem>>
      %dma_wait3A_229 = arith.constant 0 : i32
      %dma_wait3A_230 = arith.constant 0 : i32
      %dma_wait3A_231 = tpu.memref_slice %arg15[%dma_wait3A_229, %dma_wait3A_230] : memref<10368x128xf32, #tpu.memory_space<vmem_shared>> -> memref<10368x128xf32, #tpu.memory_space<vmem_shared>>
      tpu.wait_indirect_dma semaphore(%arg13 : memref<!tpu.dma_semaphore, #tpu.memory_space<semaphore_mem>>) src(%arg9 : memref<128x128xf32, #tpu.memory_space<vmem>>) dst(%dma_wait3A_231 : memref<10368x128xf32, #tpu.memory_space<vmem_shared>>)
      %dma_wait3A_232 = arith.constant 7 : i32
      %dma_wait3A_233 = arith.constant 0 : i32
      %dma_wait3A_234 = tpu.memref_slice %arg8[%dma_wait3A_232, %dma_wait3A_233] : memref<8x128xi32, #tpu.memory_space<vmem>> -> memref<1x128xi32, #tpu.memory_space<vmem>>
      %dma_wait3A_235 = tpu.memref_squeeze %dma_wait3A_234 : memref<1x128xi32, #tpu.memory_space<vmem>> -> memref<128xi32, #tpu.memory_space<vmem>>
      %dma_wait3A_236 = arith.constant 0 : i32
      %dma_wait3A_237 = arith.constant 0 : i32
      %dma_wait3A_238 = tpu.memref_slice %arg15[%dma_wait3A_236, %dma_wait3A_237] : memref<10368x128xf32, #tpu.memory_space<vmem_shared>> -> memref<10368x128xf32, #tpu.memory_space<vmem_shared>>
      tpu.wait_indirect_dma semaphore(%arg14 : memref<!tpu.dma_semaphore, #tpu.memory_space<semaphore_mem>>) src(%arg10 : memref<128x128xf32, #tpu.memory_space<vmem>>) dst(%dma_wait3A_238 : memref<10368x128xf32, #tpu.memory_space<vmem_shared>>)
    }
    %scan3A_9 = arith.constant 10 : i32
    %barrier3A_10 = arith.constant 0 : index
    tpu.barrier barrier_id(%barrier3A_10)
    %mul3A_11 = arith.constant 648 : i32
    %mul3A_12 = arith.muli %arg1, %mul3A_11 : i32
    "tpu.region"() ({
      %run_scoped3A = tpu.sem_alloc : memref<!tpu.dma_semaphore, #tpu.memory_space<semaphore_mem>>
      %dma_start3A = arith.constant 0 : i32
      %dma_start3A_13 = arith.constant 0 : i32
      %dma_start3A_14 = tpu.memref_slice %arg6[%arg0, %dma_start3A, %dma_start3A_13] : memref<2x10368x128xf32, #tpu.memory_space<hbm>> -> memref<1x10368x128xf32, #tpu.memory_space<hbm>>
      %dma_start3A_15 = tpu.memref_squeeze %dma_start3A_14 : memref<1x10368x128xf32, #tpu.memory_space<hbm>> -> memref<10368x128xf32, #tpu.memory_space<hbm>>
      %dma_start3A_16 = arith.constant 0 : i32
      %dma_start3A_17 = tpu.memref_slice %dma_start3A_15[%mul3A_12, %dma_start3A_16] : memref<10368x128xf32, #tpu.memory_space<hbm>> -> memref<648x128xf32, #tpu.memory_space<hbm>>
      %dma_start3A_18 = arith.constant 0 : i32
      %dma_start3A_19 = tpu.memref_slice %arg15[%mul3A_12, %dma_start3A_18] : memref<10368x128xf32, #tpu.memory_space<vmem_shared>> -> memref<648x128xf32, #tpu.memory_space<vmem_shared>>
      tpu.enqueue_dma source(%dma_start3A_19 : memref<648x128xf32, #tpu.memory_space<vmem_shared>>) target(%dma_start3A_17 : memref<648x128xf32, #tpu.memory_space<hbm>>) target_semaphore(%run_scoped3A : memref<!tpu.dma_semaphore, #tpu.memory_space<semaphore_mem>>)
      %dma_wait3A = arith.constant 0 : i32
      %dma_wait3A_20 = arith.constant 0 : i32
      %dma_wait3A_21 = tpu.memref_slice %arg6[%arg0, %dma_wait3A, %dma_wait3A_20] : memref<2x10368x128xf32, #tpu.memory_space<hbm>> -> memref<1x10368x128xf32, #tpu.memory_space<hbm>>
      %dma_wait3A_22 = tpu.memref_squeeze %dma_wait3A_21 : memref<1x10368x128xf32, #tpu.memory_space<hbm>> -> memref<10368x128xf32, #tpu.memory_space<hbm>>
      %dma_wait3A_23 = arith.constant 0 : i32
      %dma_wait3A_24 = tpu.memref_slice %dma_wait3A_22[%mul3A_12, %dma_wait3A_23] : memref<10368x128xf32, #tpu.memory_space<hbm>> -> memref<648x128xf32, #tpu.memory_space<hbm>>
      %dma_wait3A_25 = arith.constant 0 : i32
      %dma_wait3A_26 = tpu.memref_slice %arg15[%mul3A_12, %dma_wait3A_25] : memref<10368x128xf32, #tpu.memory_space<vmem_shared>> -> memref<648x128xf32, #tpu.memory_space<vmem_shared>>
      tpu.wait_dma2 semaphore(%run_scoped3A : memref<!tpu.dma_semaphore, #tpu.memory_space<semaphore_mem>>) src(%dma_wait3A_26 : memref<648x128xf32, #tpu.memory_space<vmem_shared>>) dst(%dma_wait3A_24 : memref<648x128xf32, #tpu.memory_space<hbm>>)
      tpu.yield
    }) : () -> ()
    return
  }
}

#map = affine_map<(d0, d1) -> (0, 0)>
#map1 = affine_map<(d0, d1) -> (0, 0, 0)>
module attributes {stable_mosaic.version = 14 : i64} {
  func.func @_seg_body(%arg0: i32, %arg1: i32, %arg2: memref<10000x128xf32, #tpu.memory_space<hbm>>, %arg3: memref<5120x128xi32, #tpu.memory_space<hbm>>, %arg4: memref<5120x128xi32, #tpu.memory_space<hbm>>, %arg5: memref<648x128xf32, #tpu.memory_space<hbm>>, %arg6: memref<128x128xf32, #tpu.memory_space<hbm>>, %arg7: memref<2x10368x128xf32, #tpu.memory_space<hbm>>, %arg8: memref<8x128xi32, #tpu.memory_space<vmem>>, %arg9: memref<8x128xi32, #tpu.memory_space<vmem>>, %arg10: memref<128x128xf32, #tpu.memory_space<vmem>>, %arg11: memref<128x128xf32, #tpu.memory_space<vmem>>, %arg12: memref<!tpu.dma_semaphore, #tpu.memory_space<semaphore_mem>>, %arg13: memref<!tpu.dma_semaphore, #tpu.memory_space<semaphore_mem>>, %arg14: memref<!tpu.dma_semaphore, #tpu.memory_space<semaphore_mem>>, %arg15: memref<!tpu.dma_semaphore, #tpu.memory_space<semaphore_mem>>, %arg16: memref<10368x128xf32, #tpu.memory_space<vmem_shared>>, %arg17: memref<128x128xf32, #tpu.memory_space<vmem_shared>>) attributes {dimension_semantics = [#tpu.dimension_semantics<core_parallel>, #tpu.dimension_semantics<subcore_parallel>], iteration_bounds = array<i64: 2, 16>, scalar_prefetch = 0 : i64, scratch_operands = 10 : i64, tpu.core_type = #tpu.core_type<sc_vector_subcore>, window_params = [{transform_indices = #map}, {transform_indices = #map}, {transform_indices = #map}, {transform_indices = #map}, {transform_indices = #map}, {transform_indices = #map1}]} {
    %mul3A = arith.constant 16 : i32
    %mul3A_0 = arith.muli %arg0, %mul3A : i32
    %add3A = arith.addi %mul3A_0, %arg1 : i32
    %mul3A_1 = arith.constant 648 : i32
    %mul3A_2 = arith.muli %arg1, %mul3A_1 : i32
    "tpu.region"() ({
      %run_scoped3A = tpu.sem_alloc : memref<!tpu.dma_semaphore, #tpu.memory_space<semaphore_mem>>
      %dma_start3A = arith.constant 0 : i32
      %dma_start3A_25 = tpu.memref_slice %arg16[%mul3A_2, %dma_start3A] : memref<10368x128xf32, #tpu.memory_space<vmem_shared>> -> memref<648x128xf32, #tpu.memory_space<vmem_shared>>
      tpu.enqueue_dma source(%arg5 : memref<648x128xf32, #tpu.memory_space<hbm>>) target(%dma_start3A_25 : memref<648x128xf32, #tpu.memory_space<vmem_shared>>) target_semaphore(%run_scoped3A : memref<!tpu.dma_semaphore, #tpu.memory_space<semaphore_mem>>)
      %dma_wait3A = arith.constant 0 : i32
      %dma_wait3A_26 = tpu.memref_slice %arg16[%mul3A_2, %dma_wait3A] : memref<10368x128xf32, #tpu.memory_space<vmem_shared>> -> memref<648x128xf32, #tpu.memory_space<vmem_shared>>
      tpu.wait_dma2 semaphore(%run_scoped3A : memref<!tpu.dma_semaphore, #tpu.memory_space<semaphore_mem>>) src(%arg5 : memref<648x128xf32, #tpu.memory_space<hbm>>) dst(%dma_wait3A_26 : memref<648x128xf32, #tpu.memory_space<vmem_shared>>)
      tpu.yield
    }) : () -> ()
    %eq3A = arith.constant 0 : i32
    %eq3A_3 = arith.cmpi eq, %arg1, %eq3A : i32
    %convert_element_type3A = arith.extui %eq3A_3 : i1 to i32
    %cond3A = arith.constant 0 : i32
    %cond3A_4 = arith.cmpi ne, %convert_element_type3A, %cond3A : i32
    scf.if %cond3A_4 {
      "tpu.region"() ({
        %run_scoped3A = tpu.sem_alloc : memref<!tpu.dma_semaphore, #tpu.memory_space<semaphore_mem>>
        tpu.enqueue_dma source(%arg6 : memref<128x128xf32, #tpu.memory_space<hbm>>) target(%arg17 : memref<128x128xf32, #tpu.memory_space<vmem_shared>>) target_semaphore(%run_scoped3A : memref<!tpu.dma_semaphore, #tpu.memory_space<semaphore_mem>>)
        tpu.wait_dma2 semaphore(%run_scoped3A : memref<!tpu.dma_semaphore, #tpu.memory_space<semaphore_mem>>) src(%arg6 : memref<128x128xf32, #tpu.memory_space<hbm>>) dst(%arg17 : memref<128x128xf32, #tpu.memory_space<vmem_shared>>)
        tpu.yield
      }) : () -> ()
    } else {
    }
    %barrier3A = arith.constant 0 : index
    tpu.barrier barrier_id(%barrier3A)
    %mul3A_5 = arith.constant 80 : i32
    %mul3A_6 = arith.muli %add3A, %mul3A_5 : i32
    %scan3A = arith.constant 0 : i32
    %scan3A_7 = arith.constant 0 : i32
    %scan3A_8 = arith.constant 10 : i32
    %scan3A_9 = arith.addi %scan3A_7, %scan3A_8 : i32
    %scan3A_10 = arith.constant 1 : i32
    scf.for %scan3A_25 = %scan3A_7 to %scan3A_9 step %scan3A_10  : i32 {
      %mul3A_26 = arith.constant 8 : i32
      %mul3A_27 = arith.muli %scan3A_25, %mul3A_26 : i32
      %add3A_28 = arith.addi %mul3A_6, %mul3A_27 : i32
      "tpu.region"() ({
        %run_scoped3A = tpu.sem_alloc : memref<!tpu.dma_semaphore, #tpu.memory_space<semaphore_mem>>
        %dma_start3A_251 = arith.constant 0 : i32
        %dma_start3A_252 = tpu.memref_slice %arg3[%add3A_28, %dma_start3A_251] : memref<5120x128xi32, #tpu.memory_space<hbm>> -> memref<8x128xi32, #tpu.memory_space<hbm>>
        %dma_start3A_253 = arith.constant 0 : i32
        %dma_start3A_254 = tpu.memref_slice %arg3[%add3A_28, %dma_start3A_253] : memref<5120x128xi32, #tpu.memory_space<hbm>> -> memref<8x128xi32, #tpu.memory_space<hbm>>
        tpu.enqueue_dma source(%dma_start3A_254 : memref<8x128xi32, #tpu.memory_space<hbm>>) target(%arg8 : memref<8x128xi32, #tpu.memory_space<vmem>>) target_semaphore(%run_scoped3A : memref<!tpu.dma_semaphore, #tpu.memory_space<semaphore_mem>>)
        %dma_wait3A_255 = arith.constant 0 : i32
        %dma_wait3A_256 = tpu.memref_slice %arg3[%add3A_28, %dma_wait3A_255] : memref<5120x128xi32, #tpu.memory_space<hbm>> -> memref<8x128xi32, #tpu.memory_space<hbm>>
        %dma_wait3A_257 = arith.constant 0 : i32
        %dma_wait3A_258 = tpu.memref_slice %arg3[%add3A_28, %dma_wait3A_257] : memref<5120x128xi32, #tpu.memory_space<hbm>> -> memref<8x128xi32, #tpu.memory_space<hbm>>
        tpu.wait_dma2 semaphore(%run_scoped3A : memref<!tpu.dma_semaphore, #tpu.memory_space<semaphore_mem>>) src(%dma_wait3A_258 : memref<8x128xi32, #tpu.memory_space<hbm>>) dst(%arg8 : memref<8x128xi32, #tpu.memory_space<vmem>>)
        tpu.yield
      }) : () -> ()
      "tpu.region"() ({
        %run_scoped3A = tpu.sem_alloc : memref<!tpu.dma_semaphore, #tpu.memory_space<semaphore_mem>>
        %dma_start3A_251 = arith.constant 0 : i32
        %dma_start3A_252 = tpu.memref_slice %arg4[%add3A_28, %dma_start3A_251] : memref<5120x128xi32, #tpu.memory_space<hbm>> -> memref<8x128xi32, #tpu.memory_space<hbm>>
        %dma_start3A_253 = arith.constant 0 : i32
        %dma_start3A_254 = tpu.memref_slice %arg4[%add3A_28, %dma_start3A_253] : memref<5120x128xi32, #tpu.memory_space<hbm>> -> memref<8x128xi32, #tpu.memory_space<hbm>>
        tpu.enqueue_dma source(%dma_start3A_254 : memref<8x128xi32, #tpu.memory_space<hbm>>) target(%arg9 : memref<8x128xi32, #tpu.memory_space<vmem>>) target_semaphore(%run_scoped3A : memref<!tpu.dma_semaphore, #tpu.memory_space<semaphore_mem>>)
        %dma_wait3A_255 = arith.constant 0 : i32
        %dma_wait3A_256 = tpu.memref_slice %arg4[%add3A_28, %dma_wait3A_255] : memref<5120x128xi32, #tpu.memory_space<hbm>> -> memref<8x128xi32, #tpu.memory_space<hbm>>
        %dma_wait3A_257 = arith.constant 0 : i32
        %dma_wait3A_258 = tpu.memref_slice %arg4[%add3A_28, %dma_wait3A_257] : memref<5120x128xi32, #tpu.memory_space<hbm>> -> memref<8x128xi32, #tpu.memory_space<hbm>>
        tpu.wait_dma2 semaphore(%run_scoped3A : memref<!tpu.dma_semaphore, #tpu.memory_space<semaphore_mem>>) src(%dma_wait3A_258 : memref<8x128xi32, #tpu.memory_space<hbm>>) dst(%arg9 : memref<8x128xi32, #tpu.memory_space<vmem>>)
        tpu.yield
      }) : () -> ()
      %dma_start3A = arith.constant 0 : i32
      %dma_start3A_29 = arith.constant 0 : i32
      %dma_start3A_30 = tpu.memref_slice %arg8[%dma_start3A, %dma_start3A_29] : memref<8x128xi32, #tpu.memory_space<vmem>> -> memref<1x128xi32, #tpu.memory_space<vmem>>
      %dma_start3A_31 = tpu.memref_squeeze %dma_start3A_30 : memref<1x128xi32, #tpu.memory_space<vmem>> -> memref<128xi32, #tpu.memory_space<vmem>>
      %dma_start3A_32 = arith.constant 0 : i32
      %dma_start3A_33 = arith.constant 0 : i32
      %dma_start3A_34 = tpu.memref_slice %arg2[%dma_start3A_32, %dma_start3A_33] : memref<10000x128xf32, #tpu.memory_space<hbm>> -> memref<10000x128xf32, #tpu.memory_space<hbm>>
      tpu.enqueue_indirect_dma source(%dma_start3A_34 : memref<10000x128xf32, #tpu.memory_space<hbm>>) target(%arg10 : memref<128x128xf32, #tpu.memory_space<vmem>>) offsets(%dma_start3A_31 : memref<128xi32, #tpu.memory_space<vmem>>) semaphore(%arg12 : memref<!tpu.dma_semaphore, #tpu.memory_space<semaphore_mem>>)
      %dma_start3A_35 = arith.constant 1 : i32
      %dma_start3A_36 = arith.constant 0 : i32
      %dma_start3A_37 = tpu.memref_slice %arg8[%dma_start3A_35, %dma_start3A_36] : memref<8x128xi32, #tpu.memory_space<vmem>> -> memref<1x128xi32, #tpu.memory_space<vmem>>
      %dma_start3A_38 = tpu.memref_squeeze %dma_start3A_37 : memref<1x128xi32, #tpu.memory_space<vmem>> -> memref<128xi32, #tpu.memory_space<vmem>>
      %dma_start3A_39 = arith.constant 0 : i32
      %dma_start3A_40 = arith.constant 0 : i32
      %dma_start3A_41 = tpu.memref_slice %arg2[%dma_start3A_39, %dma_start3A_40] : memref<10000x128xf32, #tpu.memory_space<hbm>> -> memref<10000x128xf32, #tpu.memory_space<hbm>>
      tpu.enqueue_indirect_dma source(%dma_start3A_41 : memref<10000x128xf32, #tpu.memory_space<hbm>>) target(%arg11 : memref<128x128xf32, #tpu.memory_space<vmem>>) offsets(%dma_start3A_38 : memref<128xi32, #tpu.memory_space<vmem>>) semaphore(%arg13 : memref<!tpu.dma_semaphore, #tpu.memory_space<semaphore_mem>>)
      %dma_wait3A = arith.constant 0 : i32
      %dma_wait3A_42 = arith.constant 0 : i32
      %dma_wait3A_43 = tpu.memref_slice %arg8[%dma_wait3A, %dma_wait3A_42] : memref<8x128xi32, #tpu.memory_space<vmem>> -> memref<1x128xi32, #tpu.memory_space<vmem>>
      %dma_wait3A_44 = tpu.memref_squeeze %dma_wait3A_43 : memref<1x128xi32, #tpu.memory_space<vmem>> -> memref<128xi32, #tpu.memory_space<vmem>>
      %dma_wait3A_45 = arith.constant 0 : i32
      %dma_wait3A_46 = arith.constant 0 : i32
      %dma_wait3A_47 = tpu.memref_slice %arg2[%dma_wait3A_45, %dma_wait3A_46] : memref<10000x128xf32, #tpu.memory_space<hbm>> -> memref<10000x128xf32, #tpu.memory_space<hbm>>
      tpu.wait_indirect_dma semaphore(%arg12 : memref<!tpu.dma_semaphore, #tpu.memory_space<semaphore_mem>>) src(%dma_wait3A_47 : memref<10000x128xf32, #tpu.memory_space<hbm>>) dst(%arg10 : memref<128x128xf32, #tpu.memory_space<vmem>>)
      %dma_start3A_48 = arith.constant 0 : i32
      %dma_start3A_49 = arith.constant 0 : i32
      %dma_start3A_50 = tpu.memref_slice %arg9[%dma_start3A_48, %dma_start3A_49] : memref<8x128xi32, #tpu.memory_space<vmem>> -> memref<1x128xi32, #tpu.memory_space<vmem>>
      %dma_start3A_51 = tpu.memref_squeeze %dma_start3A_50 : memref<1x128xi32, #tpu.memory_space<vmem>> -> memref<128xi32, #tpu.memory_space<vmem>>
      %dma_start3A_52 = arith.constant 0 : i32
      %dma_start3A_53 = arith.constant 0 : i32
      %dma_start3A_54 = tpu.memref_slice %arg16[%dma_start3A_52, %dma_start3A_53] : memref<10368x128xf32, #tpu.memory_space<vmem_shared>> -> memref<10368x128xf32, #tpu.memory_space<vmem_shared>>
      tpu.enqueue_indirect_dma source(%arg10 : memref<128x128xf32, #tpu.memory_space<vmem>>) target(%dma_start3A_54 : memref<10368x128xf32, #tpu.memory_space<vmem_shared>>) offsets(%dma_start3A_51 : memref<128xi32, #tpu.memory_space<vmem>>) semaphore(%arg14 : memref<!tpu.dma_semaphore, #tpu.memory_space<semaphore_mem>>) {add = true}
      %dma_wait3A_55 = arith.constant 0 : i32
      %dma_wait3A_56 = arith.constant 0 : i32
      %dma_wait3A_57 = tpu.memref_slice %arg9[%dma_wait3A_55, %dma_wait3A_56] : memref<8x128xi32, #tpu.memory_space<vmem>> -> memref<1x128xi32, #tpu.memory_space<vmem>>
      %dma_wait3A_58 = tpu.memref_squeeze %dma_wait3A_57 : memref<1x128xi32, #tpu.memory_space<vmem>> -> memref<128xi32, #tpu.memory_space<vmem>>
      %dma_wait3A_59 = arith.constant 0 : i32
      %dma_wait3A_60 = arith.constant 0 : i32
      %dma_wait3A_61 = tpu.memref_slice %arg16[%dma_wait3A_59, %dma_wait3A_60] : memref<10368x128xf32, #tpu.memory_space<vmem_shared>> -> memref<10368x128xf32, #tpu.memory_space<vmem_shared>>
      tpu.wait_indirect_dma semaphore(%arg14 : memref<!tpu.dma_semaphore, #tpu.memory_space<semaphore_mem>>) src(%arg10 : memref<128x128xf32, #tpu.memory_space<vmem>>) dst(%dma_wait3A_61 : memref<10368x128xf32, #tpu.memory_space<vmem_shared>>)
      %dma_start3A_62 = arith.constant 2 : i32
      %dma_start3A_63 = arith.constant 0 : i32
      %dma_start3A_64 = tpu.memref_slice %arg8[%dma_start3A_62, %dma_start3A_63] : memref<8x128xi32, #tpu.memory_space<vmem>> -> memref<1x128xi32, #tpu.memory_space<vmem>>
      %dma_start3A_65 = tpu.memref_squeeze %dma_start3A_64 : memref<1x128xi32, #tpu.memory_space<vmem>> -> memref<128xi32, #tpu.memory_space<vmem>>
      %dma_start3A_66 = arith.constant 0 : i32
      %dma_start3A_67 = arith.constant 0 : i32
      %dma_start3A_68 = tpu.memref_slice %arg2[%dma_start3A_66, %dma_start3A_67] : memref<10000x128xf32, #tpu.memory_space<hbm>> -> memref<10000x128xf32, #tpu.memory_space<hbm>>
      tpu.enqueue_indirect_dma source(%dma_start3A_68 : memref<10000x128xf32, #tpu.memory_space<hbm>>) target(%arg10 : memref<128x128xf32, #tpu.memory_space<vmem>>) offsets(%dma_start3A_65 : memref<128xi32, #tpu.memory_space<vmem>>) semaphore(%arg12 : memref<!tpu.dma_semaphore, #tpu.memory_space<semaphore_mem>>)
      %dma_wait3A_69 = arith.constant 1 : i32
      %dma_wait3A_70 = arith.constant 0 : i32
      %dma_wait3A_71 = tpu.memref_slice %arg8[%dma_wait3A_69, %dma_wait3A_70] : memref<8x128xi32, #tpu.memory_space<vmem>> -> memref<1x128xi32, #tpu.memory_space<vmem>>
      %dma_wait3A_72 = tpu.memref_squeeze %dma_wait3A_71 : memref<1x128xi32, #tpu.memory_space<vmem>> -> memref<128xi32, #tpu.memory_space<vmem>>
      %dma_wait3A_73 = arith.constant 0 : i32
      %dma_wait3A_74 = arith.constant 0 : i32
      %dma_wait3A_75 = tpu.memref_slice %arg2[%dma_wait3A_73, %dma_wait3A_74] : memref<10000x128xf32, #tpu.memory_space<hbm>> -> memref<10000x128xf32, #tpu.memory_space<hbm>>
      tpu.wait_indirect_dma semaphore(%arg13 : memref<!tpu.dma_semaphore, #tpu.memory_space<semaphore_mem>>) src(%dma_wait3A_75 : memref<10000x128xf32, #tpu.memory_space<hbm>>) dst(%arg11 : memref<128x128xf32, #tpu.memory_space<vmem>>)
      %dma_start3A_76 = arith.constant 1 : i32
      %dma_start3A_77 = arith.constant 0 : i32
      %dma_start3A_78 = tpu.memref_slice %arg9[%dma_start3A_76, %dma_start3A_77] : memref<8x128xi32, #tpu.memory_space<vmem>> -> memref<1x128xi32, #tpu.memory_space<vmem>>
      %dma_start3A_79 = tpu.memref_squeeze %dma_start3A_78 : memref<1x128xi32, #tpu.memory_space<vmem>> -> memref<128xi32, #tpu.memory_space<vmem>>
      %dma_start3A_80 = arith.constant 0 : i32
      %dma_start3A_81 = arith.constant 0 : i32
      %dma_start3A_82 = tpu.memref_slice %arg16[%dma_start3A_80, %dma_start3A_81] : memref<10368x128xf32, #tpu.memory_space<vmem_shared>> -> memref<10368x128xf32, #tpu.memory_space<vmem_shared>>
      tpu.enqueue_indirect_dma source(%arg11 : memref<128x128xf32, #tpu.memory_space<vmem>>) target(%dma_start3A_82 : memref<10368x128xf32, #tpu.memory_space<vmem_shared>>) offsets(%dma_start3A_79 : memref<128xi32, #tpu.memory_space<vmem>>) semaphore(%arg15 : memref<!tpu.dma_semaphore, #tpu.memory_space<semaphore_mem>>) {add = true}
      %dma_wait3A_83 = arith.constant 1 : i32
      %dma_wait3A_84 = arith.constant 0 : i32
      %dma_wait3A_85 = tpu.memref_slice %arg9[%dma_wait3A_83, %dma_wait3A_84] : memref<8x128xi32, #tpu.memory_space<vmem>> -> memref<1x128xi32, #tpu.memory_space<vmem>>
      %dma_wait3A_86 = tpu.memref_squeeze %dma_wait3A_85 : memref<1x128xi32, #tpu.memory_space<vmem>> -> memref<128xi32, #tpu.memory_space<vmem>>
      %dma_wait3A_87 = arith.constant 0 : i32
      %dma_wait3A_88 = arith.constant 0 : i32
      %dma_wait3A_89 = tpu.memref_slice %arg16[%dma_wait3A_87, %dma_wait3A_88] : memref<10368x128xf32, #tpu.memory_space<vmem_shared>> -> memref<10368x128xf32, #tpu.memory_space<vmem_shared>>
      tpu.wait_indirect_dma semaphore(%arg15 : memref<!tpu.dma_semaphore, #tpu.memory_space<semaphore_mem>>) src(%arg11 : memref<128x128xf32, #tpu.memory_space<vmem>>) dst(%dma_wait3A_89 : memref<10368x128xf32, #tpu.memory_space<vmem_shared>>)
      %dma_start3A_90 = arith.constant 3 : i32
      %dma_start3A_91 = arith.constant 0 : i32
      %dma_start3A_92 = tpu.memref_slice %arg8[%dma_start3A_90, %dma_start3A_91] : memref<8x128xi32, #tpu.memory_space<vmem>> -> memref<1x128xi32, #tpu.memory_space<vmem>>
      %dma_start3A_93 = tpu.memref_squeeze %dma_start3A_92 : memref<1x128xi32, #tpu.memory_space<vmem>> -> memref<128xi32, #tpu.memory_space<vmem>>
      %dma_start3A_94 = arith.constant 0 : i32
      %dma_start3A_95 = arith.constant 0 : i32
      %dma_start3A_96 = tpu.memref_slice %arg2[%dma_start3A_94, %dma_start3A_95] : memref<10000x128xf32, #tpu.memory_space<hbm>> -> memref<10000x128xf32, #tpu.memory_space<hbm>>
      tpu.enqueue_indirect_dma source(%dma_start3A_96 : memref<10000x128xf32, #tpu.memory_space<hbm>>) target(%arg11 : memref<128x128xf32, #tpu.memory_space<vmem>>) offsets(%dma_start3A_93 : memref<128xi32, #tpu.memory_space<vmem>>) semaphore(%arg13 : memref<!tpu.dma_semaphore, #tpu.memory_space<semaphore_mem>>)
      %dma_wait3A_97 = arith.constant 2 : i32
      %dma_wait3A_98 = arith.constant 0 : i32
      %dma_wait3A_99 = tpu.memref_slice %arg8[%dma_wait3A_97, %dma_wait3A_98] : memref<8x128xi32, #tpu.memory_space<vmem>> -> memref<1x128xi32, #tpu.memory_space<vmem>>
      %dma_wait3A_100 = tpu.memref_squeeze %dma_wait3A_99 : memref<1x128xi32, #tpu.memory_space<vmem>> -> memref<128xi32, #tpu.memory_space<vmem>>
      %dma_wait3A_101 = arith.constant 0 : i32
      %dma_wait3A_102 = arith.constant 0 : i32
      %dma_wait3A_103 = tpu.memref_slice %arg2[%dma_wait3A_101, %dma_wait3A_102] : memref<10000x128xf32, #tpu.memory_space<hbm>> -> memref<10000x128xf32, #tpu.memory_space<hbm>>
      tpu.wait_indirect_dma semaphore(%arg12 : memref<!tpu.dma_semaphore, #tpu.memory_space<semaphore_mem>>) src(%dma_wait3A_103 : memref<10000x128xf32, #tpu.memory_space<hbm>>) dst(%arg10 : memref<128x128xf32, #tpu.memory_space<vmem>>)
      %dma_start3A_104 = arith.constant 2 : i32
      %dma_start3A_105 = arith.constant 0 : i32
      %dma_start3A_106 = tpu.memref_slice %arg9[%dma_start3A_104, %dma_start3A_105] : memref<8x128xi32, #tpu.memory_space<vmem>> -> memref<1x128xi32, #tpu.memory_space<vmem>>
      %dma_start3A_107 = tpu.memref_squeeze %dma_start3A_106 : memref<1x128xi32, #tpu.memory_space<vmem>> -> memref<128xi32, #tpu.memory_space<vmem>>
      %dma_start3A_108 = arith.constant 0 : i32
      %dma_start3A_109 = arith.constant 0 : i32
      %dma_start3A_110 = tpu.memref_slice %arg16[%dma_start3A_108, %dma_start3A_109] : memref<10368x128xf32, #tpu.memory_space<vmem_shared>> -> memref<10368x128xf32, #tpu.memory_space<vmem_shared>>
      tpu.enqueue_indirect_dma source(%arg10 : memref<128x128xf32, #tpu.memory_space<vmem>>) target(%dma_start3A_110 : memref<10368x128xf32, #tpu.memory_space<vmem_shared>>) offsets(%dma_start3A_107 : memref<128xi32, #tpu.memory_space<vmem>>) semaphore(%arg14 : memref<!tpu.dma_semaphore, #tpu.memory_space<semaphore_mem>>) {add = true}
      %dma_wait3A_111 = arith.constant 2 : i32
      %dma_wait3A_112 = arith.constant 0 : i32
      %dma_wait3A_113 = tpu.memref_slice %arg9[%dma_wait3A_111, %dma_wait3A_112] : memref<8x128xi32, #tpu.memory_space<vmem>> -> memref<1x128xi32, #tpu.memory_space<vmem>>
      %dma_wait3A_114 = tpu.memref_squeeze %dma_wait3A_113 : memref<1x128xi32, #tpu.memory_space<vmem>> -> memref<128xi32, #tpu.memory_space<vmem>>
      %dma_wait3A_115 = arith.constant 0 : i32
      %dma_wait3A_116 = arith.constant 0 : i32
      %dma_wait3A_117 = tpu.memref_slice %arg16[%dma_wait3A_115, %dma_wait3A_116] : memref<10368x128xf32, #tpu.memory_space<vmem_shared>> -> memref<10368x128xf32, #tpu.memory_space<vmem_shared>>
      tpu.wait_indirect_dma semaphore(%arg14 : memref<!tpu.dma_semaphore, #tpu.memory_space<semaphore_mem>>) src(%arg10 : memref<128x128xf32, #tpu.memory_space<vmem>>) dst(%dma_wait3A_117 : memref<10368x128xf32, #tpu.memory_space<vmem_shared>>)
      %dma_start3A_118 = arith.constant 4 : i32
      %dma_start3A_119 = arith.constant 0 : i32
      %dma_start3A_120 = tpu.memref_slice %arg8[%dma_start3A_118, %dma_start3A_119] : memref<8x128xi32, #tpu.memory_space<vmem>> -> memref<1x128xi32, #tpu.memory_space<vmem>>
      %dma_start3A_121 = tpu.memref_squeeze %dma_start3A_120 : memref<1x128xi32, #tpu.memory_space<vmem>> -> memref<128xi32, #tpu.memory_space<vmem>>
      %dma_start3A_122 = arith.constant 0 : i32
      %dma_start3A_123 = arith.constant 0 : i32
      %dma_start3A_124 = tpu.memref_slice %arg2[%dma_start3A_122, %dma_start3A_123] : memref<10000x128xf32, #tpu.memory_space<hbm>> -> memref<10000x128xf32, #tpu.memory_space<hbm>>
      tpu.enqueue_indirect_dma source(%dma_start3A_124 : memref<10000x128xf32, #tpu.memory_space<hbm>>) target(%arg10 : memref<128x128xf32, #tpu.memory_space<vmem>>) offsets(%dma_start3A_121 : memref<128xi32, #tpu.memory_space<vmem>>) semaphore(%arg12 : memref<!tpu.dma_semaphore, #tpu.memory_space<semaphore_mem>>)
      %dma_wait3A_125 = arith.constant 3 : i32
      %dma_wait3A_126 = arith.constant 0 : i32
      %dma_wait3A_127 = tpu.memref_slice %arg8[%dma_wait3A_125, %dma_wait3A_126] : memref<8x128xi32, #tpu.memory_space<vmem>> -> memref<1x128xi32, #tpu.memory_space<vmem>>
      %dma_wait3A_128 = tpu.memref_squeeze %dma_wait3A_127 : memref<1x128xi32, #tpu.memory_space<vmem>> -> memref<128xi32, #tpu.memory_space<vmem>>
      %dma_wait3A_129 = arith.constant 0 : i32
      %dma_wait3A_130 = arith.constant 0 : i32
      %dma_wait3A_131 = tpu.memref_slice %arg2[%dma_wait3A_129, %dma_wait3A_130] : memref<10000x128xf32, #tpu.memory_space<hbm>> -> memref<10000x128xf32, #tpu.memory_space<hbm>>
      tpu.wait_indirect_dma semaphore(%arg13 : memref<!tpu.dma_semaphore, #tpu.memory_space<semaphore_mem>>) src(%dma_wait3A_131 : memref<10000x128xf32, #tpu.memory_space<hbm>>) dst(%arg11 : memref<128x128xf32, #tpu.memory_space<vmem>>)
      %dma_start3A_132 = arith.constant 3 : i32
      %dma_start3A_133 = arith.constant 0 : i32
      %dma_start3A_134 = tpu.memref_slice %arg9[%dma_start3A_132, %dma_start3A_133] : memref<8x128xi32, #tpu.memory_space<vmem>> -> memref<1x128xi32, #tpu.memory_space<vmem>>
      %dma_start3A_135 = tpu.memref_squeeze %dma_start3A_134 : memref<1x128xi32, #tpu.memory_space<vmem>> -> memref<128xi32, #tpu.memory_space<vmem>>
      %dma_start3A_136 = arith.constant 0 : i32
      %dma_start3A_137 = arith.constant 0 : i32
      %dma_start3A_138 = tpu.memref_slice %arg16[%dma_start3A_136, %dma_start3A_137] : memref<10368x128xf32, #tpu.memory_space<vmem_shared>> -> memref<10368x128xf32, #tpu.memory_space<vmem_shared>>
      tpu.enqueue_indirect_dma source(%arg11 : memref<128x128xf32, #tpu.memory_space<vmem>>) target(%dma_start3A_138 : memref<10368x128xf32, #tpu.memory_space<vmem_shared>>) offsets(%dma_start3A_135 : memref<128xi32, #tpu.memory_space<vmem>>) semaphore(%arg15 : memref<!tpu.dma_semaphore, #tpu.memory_space<semaphore_mem>>) {add = true}
      %dma_wait3A_139 = arith.constant 3 : i32
      %dma_wait3A_140 = arith.constant 0 : i32
      %dma_wait3A_141 = tpu.memref_slice %arg9[%dma_wait3A_139, %dma_wait3A_140] : memref<8x128xi32, #tpu.memory_space<vmem>> -> memref<1x128xi32, #tpu.memory_space<vmem>>
      %dma_wait3A_142 = tpu.memref_squeeze %dma_wait3A_141 : memref<1x128xi32, #tpu.memory_space<vmem>> -> memref<128xi32, #tpu.memory_space<vmem>>
      %dma_wait3A_143 = arith.constant 0 : i32
      %dma_wait3A_144 = arith.constant 0 : i32
      %dma_wait3A_145 = tpu.memref_slice %arg16[%dma_wait3A_143, %dma_wait3A_144] : memref<10368x128xf32, #tpu.memory_space<vmem_shared>> -> memref<10368x128xf32, #tpu.memory_space<vmem_shared>>
      tpu.wait_indirect_dma semaphore(%arg15 : memref<!tpu.dma_semaphore, #tpu.memory_space<semaphore_mem>>) src(%arg11 : memref<128x128xf32, #tpu.memory_space<vmem>>) dst(%dma_wait3A_145 : memref<10368x128xf32, #tpu.memory_space<vmem_shared>>)
      %dma_start3A_146 = arith.constant 5 : i32
      %dma_start3A_147 = arith.constant 0 : i32
      %dma_start3A_148 = tpu.memref_slice %arg8[%dma_start3A_146, %dma_start3A_147] : memref<8x128xi32, #tpu.memory_space<vmem>> -> memref<1x128xi32, #tpu.memory_space<vmem>>
      %dma_start3A_149 = tpu.memref_squeeze %dma_start3A_148 : memref<1x128xi32, #tpu.memory_space<vmem>> -> memref<128xi32, #tpu.memory_space<vmem>>
      %dma_start3A_150 = arith.constant 0 : i32
      %dma_start3A_151 = arith.constant 0 : i32
      %dma_start3A_152 = tpu.memref_slice %arg2[%dma_start3A_150, %dma_start3A_151] : memref<10000x128xf32, #tpu.memory_space<hbm>> -> memref<10000x128xf32, #tpu.memory_space<hbm>>
      tpu.enqueue_indirect_dma source(%dma_start3A_152 : memref<10000x128xf32, #tpu.memory_space<hbm>>) target(%arg11 : memref<128x128xf32, #tpu.memory_space<vmem>>) offsets(%dma_start3A_149 : memref<128xi32, #tpu.memory_space<vmem>>) semaphore(%arg13 : memref<!tpu.dma_semaphore, #tpu.memory_space<semaphore_mem>>)
      %dma_wait3A_153 = arith.constant 4 : i32
      %dma_wait3A_154 = arith.constant 0 : i32
      %dma_wait3A_155 = tpu.memref_slice %arg8[%dma_wait3A_153, %dma_wait3A_154] : memref<8x128xi32, #tpu.memory_space<vmem>> -> memref<1x128xi32, #tpu.memory_space<vmem>>
      %dma_wait3A_156 = tpu.memref_squeeze %dma_wait3A_155 : memref<1x128xi32, #tpu.memory_space<vmem>> -> memref<128xi32, #tpu.memory_space<vmem>>
      %dma_wait3A_157 = arith.constant 0 : i32
      %dma_wait3A_158 = arith.constant 0 : i32
      %dma_wait3A_159 = tpu.memref_slice %arg2[%dma_wait3A_157, %dma_wait3A_158] : memref<10000x128xf32, #tpu.memory_space<hbm>> -> memref<10000x128xf32, #tpu.memory_space<hbm>>
      tpu.wait_indirect_dma semaphore(%arg12 : memref<!tpu.dma_semaphore, #tpu.memory_space<semaphore_mem>>) src(%dma_wait3A_159 : memref<10000x128xf32, #tpu.memory_space<hbm>>) dst(%arg10 : memref<128x128xf32, #tpu.memory_space<vmem>>)
      %dma_start3A_160 = arith.constant 4 : i32
      %dma_start3A_161 = arith.constant 0 : i32
      %dma_start3A_162 = tpu.memref_slice %arg9[%dma_start3A_160, %dma_start3A_161] : memref<8x128xi32, #tpu.memory_space<vmem>> -> memref<1x128xi32, #tpu.memory_space<vmem>>
      %dma_start3A_163 = tpu.memref_squeeze %dma_start3A_162 : memref<1x128xi32, #tpu.memory_space<vmem>> -> memref<128xi32, #tpu.memory_space<vmem>>
      %dma_start3A_164 = arith.constant 0 : i32
      %dma_start3A_165 = arith.constant 0 : i32
      %dma_start3A_166 = tpu.memref_slice %arg16[%dma_start3A_164, %dma_start3A_165] : memref<10368x128xf32, #tpu.memory_space<vmem_shared>> -> memref<10368x128xf32, #tpu.memory_space<vmem_shared>>
      tpu.enqueue_indirect_dma source(%arg10 : memref<128x128xf32, #tpu.memory_space<vmem>>) target(%dma_start3A_166 : memref<10368x128xf32, #tpu.memory_space<vmem_shared>>) offsets(%dma_start3A_163 : memref<128xi32, #tpu.memory_space<vmem>>) semaphore(%arg14 : memref<!tpu.dma_semaphore, #tpu.memory_space<semaphore_mem>>) {add = true}
      %dma_wait3A_167 = arith.constant 4 : i32
      %dma_wait3A_168 = arith.constant 0 : i32
      %dma_wait3A_169 = tpu.memref_slice %arg9[%dma_wait3A_167, %dma_wait3A_168] : memref<8x128xi32, #tpu.memory_space<vmem>> -> memref<1x128xi32, #tpu.memory_space<vmem>>
      %dma_wait3A_170 = tpu.memref_squeeze %dma_wait3A_169 : memref<1x128xi32, #tpu.memory_space<vmem>> -> memref<128xi32, #tpu.memory_space<vmem>>
      %dma_wait3A_171 = arith.constant 0 : i32
      %dma_wait3A_172 = arith.constant 0 : i32
      %dma_wait3A_173 = tpu.memref_slice %arg16[%dma_wait3A_171, %dma_wait3A_172] : memref<10368x128xf32, #tpu.memory_space<vmem_shared>> -> memref<10368x128xf32, #tpu.memory_space<vmem_shared>>
      tpu.wait_indirect_dma semaphore(%arg14 : memref<!tpu.dma_semaphore, #tpu.memory_space<semaphore_mem>>) src(%arg10 : memref<128x128xf32, #tpu.memory_space<vmem>>) dst(%dma_wait3A_173 : memref<10368x128xf32, #tpu.memory_space<vmem_shared>>)
      %dma_start3A_174 = arith.constant 6 : i32
      %dma_start3A_175 = arith.constant 0 : i32
      %dma_start3A_176 = tpu.memref_slice %arg8[%dma_start3A_174, %dma_start3A_175] : memref<8x128xi32, #tpu.memory_space<vmem>> -> memref<1x128xi32, #tpu.memory_space<vmem>>
      %dma_start3A_177 = tpu.memref_squeeze %dma_start3A_176 : memref<1x128xi32, #tpu.memory_space<vmem>> -> memref<128xi32, #tpu.memory_space<vmem>>
      %dma_start3A_178 = arith.constant 0 : i32
      %dma_start3A_179 = arith.constant 0 : i32
      %dma_start3A_180 = tpu.memref_slice %arg2[%dma_start3A_178, %dma_start3A_179] : memref<10000x128xf32, #tpu.memory_space<hbm>> -> memref<10000x128xf32, #tpu.memory_space<hbm>>
      tpu.enqueue_indirect_dma source(%dma_start3A_180 : memref<10000x128xf32, #tpu.memory_space<hbm>>) target(%arg10 : memref<128x128xf32, #tpu.memory_space<vmem>>) offsets(%dma_start3A_177 : memref<128xi32, #tpu.memory_space<vmem>>) semaphore(%arg12 : memref<!tpu.dma_semaphore, #tpu.memory_space<semaphore_mem>>)
      %dma_wait3A_181 = arith.constant 5 : i32
      %dma_wait3A_182 = arith.constant 0 : i32
      %dma_wait3A_183 = tpu.memref_slice %arg8[%dma_wait3A_181, %dma_wait3A_182] : memref<8x128xi32, #tpu.memory_space<vmem>> -> memref<1x128xi32, #tpu.memory_space<vmem>>
      %dma_wait3A_184 = tpu.memref_squeeze %dma_wait3A_183 : memref<1x128xi32, #tpu.memory_space<vmem>> -> memref<128xi32, #tpu.memory_space<vmem>>
      %dma_wait3A_185 = arith.constant 0 : i32
      %dma_wait3A_186 = arith.constant 0 : i32
      %dma_wait3A_187 = tpu.memref_slice %arg2[%dma_wait3A_185, %dma_wait3A_186] : memref<10000x128xf32, #tpu.memory_space<hbm>> -> memref<10000x128xf32, #tpu.memory_space<hbm>>
      tpu.wait_indirect_dma semaphore(%arg13 : memref<!tpu.dma_semaphore, #tpu.memory_space<semaphore_mem>>) src(%dma_wait3A_187 : memref<10000x128xf32, #tpu.memory_space<hbm>>) dst(%arg11 : memref<128x128xf32, #tpu.memory_space<vmem>>)
      %dma_start3A_188 = arith.constant 5 : i32
      %dma_start3A_189 = arith.constant 0 : i32
      %dma_start3A_190 = tpu.memref_slice %arg9[%dma_start3A_188, %dma_start3A_189] : memref<8x128xi32, #tpu.memory_space<vmem>> -> memref<1x128xi32, #tpu.memory_space<vmem>>
      %dma_start3A_191 = tpu.memref_squeeze %dma_start3A_190 : memref<1x128xi32, #tpu.memory_space<vmem>> -> memref<128xi32, #tpu.memory_space<vmem>>
      %dma_start3A_192 = arith.constant 0 : i32
      %dma_start3A_193 = arith.constant 0 : i32
      %dma_start3A_194 = tpu.memref_slice %arg16[%dma_start3A_192, %dma_start3A_193] : memref<10368x128xf32, #tpu.memory_space<vmem_shared>> -> memref<10368x128xf32, #tpu.memory_space<vmem_shared>>
      tpu.enqueue_indirect_dma source(%arg11 : memref<128x128xf32, #tpu.memory_space<vmem>>) target(%dma_start3A_194 : memref<10368x128xf32, #tpu.memory_space<vmem_shared>>) offsets(%dma_start3A_191 : memref<128xi32, #tpu.memory_space<vmem>>) semaphore(%arg15 : memref<!tpu.dma_semaphore, #tpu.memory_space<semaphore_mem>>) {add = true}
      %dma_wait3A_195 = arith.constant 5 : i32
      %dma_wait3A_196 = arith.constant 0 : i32
      %dma_wait3A_197 = tpu.memref_slice %arg9[%dma_wait3A_195, %dma_wait3A_196] : memref<8x128xi32, #tpu.memory_space<vmem>> -> memref<1x128xi32, #tpu.memory_space<vmem>>
      %dma_wait3A_198 = tpu.memref_squeeze %dma_wait3A_197 : memref<1x128xi32, #tpu.memory_space<vmem>> -> memref<128xi32, #tpu.memory_space<vmem>>
      %dma_wait3A_199 = arith.constant 0 : i32
      %dma_wait3A_200 = arith.constant 0 : i32
      %dma_wait3A_201 = tpu.memref_slice %arg16[%dma_wait3A_199, %dma_wait3A_200] : memref<10368x128xf32, #tpu.memory_space<vmem_shared>> -> memref<10368x128xf32, #tpu.memory_space<vmem_shared>>
      tpu.wait_indirect_dma semaphore(%arg15 : memref<!tpu.dma_semaphore, #tpu.memory_space<semaphore_mem>>) src(%arg11 : memref<128x128xf32, #tpu.memory_space<vmem>>) dst(%dma_wait3A_201 : memref<10368x128xf32, #tpu.memory_space<vmem_shared>>)
      %dma_start3A_202 = arith.constant 7 : i32
      %dma_start3A_203 = arith.constant 0 : i32
      %dma_start3A_204 = tpu.memref_slice %arg8[%dma_start3A_202, %dma_start3A_203] : memref<8x128xi32, #tpu.memory_space<vmem>> -> memref<1x128xi32, #tpu.memory_space<vmem>>
      %dma_start3A_205 = tpu.memref_squeeze %dma_start3A_204 : memref<1x128xi32, #tpu.memory_space<vmem>> -> memref<128xi32, #tpu.memory_space<vmem>>
      %dma_start3A_206 = arith.constant 0 : i32
      %dma_start3A_207 = arith.constant 0 : i32
      %dma_start3A_208 = tpu.memref_slice %arg2[%dma_start3A_206, %dma_start3A_207] : memref<10000x128xf32, #tpu.memory_space<hbm>> -> memref<10000x128xf32, #tpu.memory_space<hbm>>
      tpu.enqueue_indirect_dma source(%dma_start3A_208 : memref<10000x128xf32, #tpu.memory_space<hbm>>) target(%arg11 : memref<128x128xf32, #tpu.memory_space<vmem>>) offsets(%dma_start3A_205 : memref<128xi32, #tpu.memory_space<vmem>>) semaphore(%arg13 : memref<!tpu.dma_semaphore, #tpu.memory_space<semaphore_mem>>)
      %dma_wait3A_209 = arith.constant 6 : i32
      %dma_wait3A_210 = arith.constant 0 : i32
      %dma_wait3A_211 = tpu.memref_slice %arg8[%dma_wait3A_209, %dma_wait3A_210] : memref<8x128xi32, #tpu.memory_space<vmem>> -> memref<1x128xi32, #tpu.memory_space<vmem>>
      %dma_wait3A_212 = tpu.memref_squeeze %dma_wait3A_211 : memref<1x128xi32, #tpu.memory_space<vmem>> -> memref<128xi32, #tpu.memory_space<vmem>>
      %dma_wait3A_213 = arith.constant 0 : i32
      %dma_wait3A_214 = arith.constant 0 : i32
      %dma_wait3A_215 = tpu.memref_slice %arg2[%dma_wait3A_213, %dma_wait3A_214] : memref<10000x128xf32, #tpu.memory_space<hbm>> -> memref<10000x128xf32, #tpu.memory_space<hbm>>
      tpu.wait_indirect_dma semaphore(%arg12 : memref<!tpu.dma_semaphore, #tpu.memory_space<semaphore_mem>>) src(%dma_wait3A_215 : memref<10000x128xf32, #tpu.memory_space<hbm>>) dst(%arg10 : memref<128x128xf32, #tpu.memory_space<vmem>>)
      %dma_start3A_216 = arith.constant 6 : i32
      %dma_start3A_217 = arith.constant 0 : i32
      %dma_start3A_218 = tpu.memref_slice %arg9[%dma_start3A_216, %dma_start3A_217] : memref<8x128xi32, #tpu.memory_space<vmem>> -> memref<1x128xi32, #tpu.memory_space<vmem>>
      %dma_start3A_219 = tpu.memref_squeeze %dma_start3A_218 : memref<1x128xi32, #tpu.memory_space<vmem>> -> memref<128xi32, #tpu.memory_space<vmem>>
      %dma_start3A_220 = arith.constant 0 : i32
      %dma_start3A_221 = arith.constant 0 : i32
      %dma_start3A_222 = tpu.memref_slice %arg16[%dma_start3A_220, %dma_start3A_221] : memref<10368x128xf32, #tpu.memory_space<vmem_shared>> -> memref<10368x128xf32, #tpu.memory_space<vmem_shared>>
      tpu.enqueue_indirect_dma source(%arg10 : memref<128x128xf32, #tpu.memory_space<vmem>>) target(%dma_start3A_222 : memref<10368x128xf32, #tpu.memory_space<vmem_shared>>) offsets(%dma_start3A_219 : memref<128xi32, #tpu.memory_space<vmem>>) semaphore(%arg14 : memref<!tpu.dma_semaphore, #tpu.memory_space<semaphore_mem>>) {add = true}
      %dma_wait3A_223 = arith.constant 7 : i32
      %dma_wait3A_224 = arith.constant 0 : i32
      %dma_wait3A_225 = tpu.memref_slice %arg8[%dma_wait3A_223, %dma_wait3A_224] : memref<8x128xi32, #tpu.memory_space<vmem>> -> memref<1x128xi32, #tpu.memory_space<vmem>>
      %dma_wait3A_226 = tpu.memref_squeeze %dma_wait3A_225 : memref<1x128xi32, #tpu.memory_space<vmem>> -> memref<128xi32, #tpu.memory_space<vmem>>
      %dma_wait3A_227 = arith.constant 0 : i32
      %dma_wait3A_228 = arith.constant 0 : i32
      %dma_wait3A_229 = tpu.memref_slice %arg2[%dma_wait3A_227, %dma_wait3A_228] : memref<10000x128xf32, #tpu.memory_space<hbm>> -> memref<10000x128xf32, #tpu.memory_space<hbm>>
      tpu.wait_indirect_dma semaphore(%arg13 : memref<!tpu.dma_semaphore, #tpu.memory_space<semaphore_mem>>) src(%dma_wait3A_229 : memref<10000x128xf32, #tpu.memory_space<hbm>>) dst(%arg11 : memref<128x128xf32, #tpu.memory_space<vmem>>)
      %dma_start3A_230 = arith.constant 7 : i32
      %dma_start3A_231 = arith.constant 0 : i32
      %dma_start3A_232 = tpu.memref_slice %arg9[%dma_start3A_230, %dma_start3A_231] : memref<8x128xi32, #tpu.memory_space<vmem>> -> memref<1x128xi32, #tpu.memory_space<vmem>>
      %dma_start3A_233 = tpu.memref_squeeze %dma_start3A_232 : memref<1x128xi32, #tpu.memory_space<vmem>> -> memref<128xi32, #tpu.memory_space<vmem>>
      %dma_start3A_234 = arith.constant 0 : i32
      %dma_start3A_235 = arith.constant 0 : i32
      %dma_start3A_236 = tpu.memref_slice %arg16[%dma_start3A_234, %dma_start3A_235] : memref<10368x128xf32, #tpu.memory_space<vmem_shared>> -> memref<10368x128xf32, #tpu.memory_space<vmem_shared>>
      tpu.enqueue_indirect_dma source(%arg11 : memref<128x128xf32, #tpu.memory_space<vmem>>) target(%dma_start3A_236 : memref<10368x128xf32, #tpu.memory_space<vmem_shared>>) offsets(%dma_start3A_233 : memref<128xi32, #tpu.memory_space<vmem>>) semaphore(%arg15 : memref<!tpu.dma_semaphore, #tpu.memory_space<semaphore_mem>>) {add = true}
      %dma_wait3A_237 = arith.constant 6 : i32
      %dma_wait3A_238 = arith.constant 0 : i32
      %dma_wait3A_239 = tpu.memref_slice %arg9[%dma_wait3A_237, %dma_wait3A_238] : memref<8x128xi32, #tpu.memory_space<vmem>> -> memref<1x128xi32, #tpu.memory_space<vmem>>
      %dma_wait3A_240 = tpu.memref_squeeze %dma_wait3A_239 : memref<1x128xi32, #tpu.memory_space<vmem>> -> memref<128xi32, #tpu.memory_space<vmem>>
      %dma_wait3A_241 = arith.constant 0 : i32
      %dma_wait3A_242 = arith.constant 0 : i32
      %dma_wait3A_243 = tpu.memref_slice %arg16[%dma_wait3A_241, %dma_wait3A_242] : memref<10368x128xf32, #tpu.memory_space<vmem_shared>> -> memref<10368x128xf32, #tpu.memory_space<vmem_shared>>
      tpu.wait_indirect_dma semaphore(%arg14 : memref<!tpu.dma_semaphore, #tpu.memory_space<semaphore_mem>>) src(%arg10 : memref<128x128xf32, #tpu.memory_space<vmem>>) dst(%dma_wait3A_243 : memref<10368x128xf32, #tpu.memory_space<vmem_shared>>)
      %dma_wait3A_244 = arith.constant 7 : i32
      %dma_wait3A_245 = arith.constant 0 : i32
      %dma_wait3A_246 = tpu.memref_slice %arg9[%dma_wait3A_244, %dma_wait3A_245] : memref<8x128xi32, #tpu.memory_space<vmem>> -> memref<1x128xi32, #tpu.memory_space<vmem>>
      %dma_wait3A_247 = tpu.memref_squeeze %dma_wait3A_246 : memref<1x128xi32, #tpu.memory_space<vmem>> -> memref<128xi32, #tpu.memory_space<vmem>>
      %dma_wait3A_248 = arith.constant 0 : i32
      %dma_wait3A_249 = arith.constant 0 : i32
      %dma_wait3A_250 = tpu.memref_slice %arg16[%dma_wait3A_248, %dma_wait3A_249] : memref<10368x128xf32, #tpu.memory_space<vmem_shared>> -> memref<10368x128xf32, #tpu.memory_space<vmem_shared>>
      tpu.wait_indirect_dma semaphore(%arg15 : memref<!tpu.dma_semaphore, #tpu.memory_space<semaphore_mem>>) src(%arg11 : memref<128x128xf32, #tpu.memory_space<vmem>>) dst(%dma_wait3A_250 : memref<10368x128xf32, #tpu.memory_space<vmem_shared>>)
    }
    %scan3A_11 = arith.constant 10 : i32
    %mul3A_12 = arith.constant 80 : i32
    %mul3A_13 = arith.muli %add3A, %mul3A_12 : i32
    %add3A_14 = arith.constant 2560 : i32
    %add3A_15 = arith.addi %add3A_14, %mul3A_13 : i32
    %scan3A_16 = arith.constant 0 : i32
    %scan3A_17 = arith.constant 0 : i32
    %scan3A_18 = arith.constant 10 : i32
    %scan3A_19 = arith.addi %scan3A_17, %scan3A_18 : i32
    %scan3A_20 = arith.constant 1 : i32
    scf.for %scan3A_25 = %scan3A_17 to %scan3A_19 step %scan3A_20  : i32 {
      %mul3A_26 = arith.constant 8 : i32
      %mul3A_27 = arith.muli %scan3A_25, %mul3A_26 : i32
      %add3A_28 = arith.addi %add3A_15, %mul3A_27 : i32
      "tpu.region"() ({
        %run_scoped3A = tpu.sem_alloc : memref<!tpu.dma_semaphore, #tpu.memory_space<semaphore_mem>>
        %dma_start3A_251 = arith.constant 0 : i32
        %dma_start3A_252 = tpu.memref_slice %arg3[%add3A_28, %dma_start3A_251] : memref<5120x128xi32, #tpu.memory_space<hbm>> -> memref<8x128xi32, #tpu.memory_space<hbm>>
        %dma_start3A_253 = arith.constant 0 : i32
        %dma_start3A_254 = tpu.memref_slice %arg3[%add3A_28, %dma_start3A_253] : memref<5120x128xi32, #tpu.memory_space<hbm>> -> memref<8x128xi32, #tpu.memory_space<hbm>>
        tpu.enqueue_dma source(%dma_start3A_254 : memref<8x128xi32, #tpu.memory_space<hbm>>) target(%arg8 : memref<8x128xi32, #tpu.memory_space<vmem>>) target_semaphore(%run_scoped3A : memref<!tpu.dma_semaphore, #tpu.memory_space<semaphore_mem>>)
        %dma_wait3A_255 = arith.constant 0 : i32
        %dma_wait3A_256 = tpu.memref_slice %arg3[%add3A_28, %dma_wait3A_255] : memref<5120x128xi32, #tpu.memory_space<hbm>> -> memref<8x128xi32, #tpu.memory_space<hbm>>
        %dma_wait3A_257 = arith.constant 0 : i32
        %dma_wait3A_258 = tpu.memref_slice %arg3[%add3A_28, %dma_wait3A_257] : memref<5120x128xi32, #tpu.memory_space<hbm>> -> memref<8x128xi32, #tpu.memory_space<hbm>>
        tpu.wait_dma2 semaphore(%run_scoped3A : memref<!tpu.dma_semaphore, #tpu.memory_space<semaphore_mem>>) src(%dma_wait3A_258 : memref<8x128xi32, #tpu.memory_space<hbm>>) dst(%arg8 : memref<8x128xi32, #tpu.memory_space<vmem>>)
        tpu.yield
      }) : () -> ()
      "tpu.region"() ({
        %run_scoped3A = tpu.sem_alloc : memref<!tpu.dma_semaphore, #tpu.memory_space<semaphore_mem>>
        %dma_start3A_251 = arith.constant 0 : i32
        %dma_start3A_252 = tpu.memref_slice %arg4[%add3A_28, %dma_start3A_251] : memref<5120x128xi32, #tpu.memory_space<hbm>> -> memref<8x128xi32, #tpu.memory_space<hbm>>
        %dma_start3A_253 = arith.constant 0 : i32
        %dma_start3A_254 = tpu.memref_slice %arg4[%add3A_28, %dma_start3A_253] : memref<5120x128xi32, #tpu.memory_space<hbm>> -> memref<8x128xi32, #tpu.memory_space<hbm>>
        tpu.enqueue_dma source(%dma_start3A_254 : memref<8x128xi32, #tpu.memory_space<hbm>>) target(%arg9 : memref<8x128xi32, #tpu.memory_space<vmem>>) target_semaphore(%run_scoped3A : memref<!tpu.dma_semaphore, #tpu.memory_space<semaphore_mem>>)
        %dma_wait3A_255 = arith.constant 0 : i32
        %dma_wait3A_256 = tpu.memref_slice %arg4[%add3A_28, %dma_wait3A_255] : memref<5120x128xi32, #tpu.memory_space<hbm>> -> memref<8x128xi32, #tpu.memory_space<hbm>>
        %dma_wait3A_257 = arith.constant 0 : i32
        %dma_wait3A_258 = tpu.memref_slice %arg4[%add3A_28, %dma_wait3A_257] : memref<5120x128xi32, #tpu.memory_space<hbm>> -> memref<8x128xi32, #tpu.memory_space<hbm>>
        tpu.wait_dma2 semaphore(%run_scoped3A : memref<!tpu.dma_semaphore, #tpu.memory_space<semaphore_mem>>) src(%dma_wait3A_258 : memref<8x128xi32, #tpu.memory_space<hbm>>) dst(%arg9 : memref<8x128xi32, #tpu.memory_space<vmem>>)
        tpu.yield
      }) : () -> ()
      %dma_start3A = arith.constant 0 : i32
      %dma_start3A_29 = arith.constant 0 : i32
      %dma_start3A_30 = tpu.memref_slice %arg8[%dma_start3A, %dma_start3A_29] : memref<8x128xi32, #tpu.memory_space<vmem>> -> memref<1x128xi32, #tpu.memory_space<vmem>>
      %dma_start3A_31 = tpu.memref_squeeze %dma_start3A_30 : memref<1x128xi32, #tpu.memory_space<vmem>> -> memref<128xi32, #tpu.memory_space<vmem>>
      %dma_start3A_32 = arith.constant 0 : i32
      %dma_start3A_33 = arith.constant 0 : i32
      %dma_start3A_34 = tpu.memref_slice %arg17[%dma_start3A_32, %dma_start3A_33] : memref<128x128xf32, #tpu.memory_space<vmem_shared>> -> memref<128x128xf32, #tpu.memory_space<vmem_shared>>
      tpu.enqueue_indirect_dma source(%dma_start3A_34 : memref<128x128xf32, #tpu.memory_space<vmem_shared>>) target(%arg10 : memref<128x128xf32, #tpu.memory_space<vmem>>) offsets(%dma_start3A_31 : memref<128xi32, #tpu.memory_space<vmem>>) semaphore(%arg12 : memref<!tpu.dma_semaphore, #tpu.memory_space<semaphore_mem>>)
      %dma_start3A_35 = arith.constant 1 : i32
      %dma_start3A_36 = arith.constant 0 : i32
      %dma_start3A_37 = tpu.memref_slice %arg8[%dma_start3A_35, %dma_start3A_36] : memref<8x128xi32, #tpu.memory_space<vmem>> -> memref<1x128xi32, #tpu.memory_space<vmem>>
      %dma_start3A_38 = tpu.memref_squeeze %dma_start3A_37 : memref<1x128xi32, #tpu.memory_space<vmem>> -> memref<128xi32, #tpu.memory_space<vmem>>
      %dma_start3A_39 = arith.constant 0 : i32
      %dma_start3A_40 = arith.constant 0 : i32
      %dma_start3A_41 = tpu.memref_slice %arg17[%dma_start3A_39, %dma_start3A_40] : memref<128x128xf32, #tpu.memory_space<vmem_shared>> -> memref<128x128xf32, #tpu.memory_space<vmem_shared>>
      tpu.enqueue_indirect_dma source(%dma_start3A_41 : memref<128x128xf32, #tpu.memory_space<vmem_shared>>) target(%arg11 : memref<128x128xf32, #tpu.memory_space<vmem>>) offsets(%dma_start3A_38 : memref<128xi32, #tpu.memory_space<vmem>>) semaphore(%arg13 : memref<!tpu.dma_semaphore, #tpu.memory_space<semaphore_mem>>)
      %dma_wait3A = arith.constant 0 : i32
      %dma_wait3A_42 = arith.constant 0 : i32
      %dma_wait3A_43 = tpu.memref_slice %arg8[%dma_wait3A, %dma_wait3A_42] : memref<8x128xi32, #tpu.memory_space<vmem>> -> memref<1x128xi32, #tpu.memory_space<vmem>>
      %dma_wait3A_44 = tpu.memref_squeeze %dma_wait3A_43 : memref<1x128xi32, #tpu.memory_space<vmem>> -> memref<128xi32, #tpu.memory_space<vmem>>
      %dma_wait3A_45 = arith.constant 0 : i32
      %dma_wait3A_46 = arith.constant 0 : i32
      %dma_wait3A_47 = tpu.memref_slice %arg17[%dma_wait3A_45, %dma_wait3A_46] : memref<128x128xf32, #tpu.memory_space<vmem_shared>> -> memref<128x128xf32, #tpu.memory_space<vmem_shared>>
      tpu.wait_indirect_dma semaphore(%arg12 : memref<!tpu.dma_semaphore, #tpu.memory_space<semaphore_mem>>) src(%dma_wait3A_47 : memref<128x128xf32, #tpu.memory_space<vmem_shared>>) dst(%arg10 : memref<128x128xf32, #tpu.memory_space<vmem>>)
      %dma_start3A_48 = arith.constant 0 : i32
      %dma_start3A_49 = arith.constant 0 : i32
      %dma_start3A_50 = tpu.memref_slice %arg9[%dma_start3A_48, %dma_start3A_49] : memref<8x128xi32, #tpu.memory_space<vmem>> -> memref<1x128xi32, #tpu.memory_space<vmem>>
      %dma_start3A_51 = tpu.memref_squeeze %dma_start3A_50 : memref<1x128xi32, #tpu.memory_space<vmem>> -> memref<128xi32, #tpu.memory_space<vmem>>
      %dma_start3A_52 = arith.constant 0 : i32
      %dma_start3A_53 = arith.constant 0 : i32
      %dma_start3A_54 = tpu.memref_slice %arg16[%dma_start3A_52, %dma_start3A_53] : memref<10368x128xf32, #tpu.memory_space<vmem_shared>> -> memref<10368x128xf32, #tpu.memory_space<vmem_shared>>
      tpu.enqueue_indirect_dma source(%arg10 : memref<128x128xf32, #tpu.memory_space<vmem>>) target(%dma_start3A_54 : memref<10368x128xf32, #tpu.memory_space<vmem_shared>>) offsets(%dma_start3A_51 : memref<128xi32, #tpu.memory_space<vmem>>) semaphore(%arg14 : memref<!tpu.dma_semaphore, #tpu.memory_space<semaphore_mem>>) {add = true}
      %dma_wait3A_55 = arith.constant 0 : i32
      %dma_wait3A_56 = arith.constant 0 : i32
      %dma_wait3A_57 = tpu.memref_slice %arg9[%dma_wait3A_55, %dma_wait3A_56] : memref<8x128xi32, #tpu.memory_space<vmem>> -> memref<1x128xi32, #tpu.memory_space<vmem>>
      %dma_wait3A_58 = tpu.memref_squeeze %dma_wait3A_57 : memref<1x128xi32, #tpu.memory_space<vmem>> -> memref<128xi32, #tpu.memory_space<vmem>>
      %dma_wait3A_59 = arith.constant 0 : i32
      %dma_wait3A_60 = arith.constant 0 : i32
      %dma_wait3A_61 = tpu.memref_slice %arg16[%dma_wait3A_59, %dma_wait3A_60] : memref<10368x128xf32, #tpu.memory_space<vmem_shared>> -> memref<10368x128xf32, #tpu.memory_space<vmem_shared>>
      tpu.wait_indirect_dma semaphore(%arg14 : memref<!tpu.dma_semaphore, #tpu.memory_space<semaphore_mem>>) src(%arg10 : memref<128x128xf32, #tpu.memory_space<vmem>>) dst(%dma_wait3A_61 : memref<10368x128xf32, #tpu.memory_space<vmem_shared>>)
      %dma_start3A_62 = arith.constant 2 : i32
      %dma_start3A_63 = arith.constant 0 : i32
      %dma_start3A_64 = tpu.memref_slice %arg8[%dma_start3A_62, %dma_start3A_63] : memref<8x128xi32, #tpu.memory_space<vmem>> -> memref<1x128xi32, #tpu.memory_space<vmem>>
      %dma_start3A_65 = tpu.memref_squeeze %dma_start3A_64 : memref<1x128xi32, #tpu.memory_space<vmem>> -> memref<128xi32, #tpu.memory_space<vmem>>
      %dma_start3A_66 = arith.constant 0 : i32
      %dma_start3A_67 = arith.constant 0 : i32
      %dma_start3A_68 = tpu.memref_slice %arg17[%dma_start3A_66, %dma_start3A_67] : memref<128x128xf32, #tpu.memory_space<vmem_shared>> -> memref<128x128xf32, #tpu.memory_space<vmem_shared>>
      tpu.enqueue_indirect_dma source(%dma_start3A_68 : memref<128x128xf32, #tpu.memory_space<vmem_shared>>) target(%arg10 : memref<128x128xf32, #tpu.memory_space<vmem>>) offsets(%dma_start3A_65 : memref<128xi32, #tpu.memory_space<vmem>>) semaphore(%arg12 : memref<!tpu.dma_semaphore, #tpu.memory_space<semaphore_mem>>)
      %dma_wait3A_69 = arith.constant 1 : i32
      %dma_wait3A_70 = arith.constant 0 : i32
      %dma_wait3A_71 = tpu.memref_slice %arg8[%dma_wait3A_69, %dma_wait3A_70] : memref<8x128xi32, #tpu.memory_space<vmem>> -> memref<1x128xi32, #tpu.memory_space<vmem>>
      %dma_wait3A_72 = tpu.memref_squeeze %dma_wait3A_71 : memref<1x128xi32, #tpu.memory_space<vmem>> -> memref<128xi32, #tpu.memory_space<vmem>>
      %dma_wait3A_73 = arith.constant 0 : i32
      %dma_wait3A_74 = arith.constant 0 : i32
      %dma_wait3A_75 = tpu.memref_slice %arg17[%dma_wait3A_73, %dma_wait3A_74] : memref<128x128xf32, #tpu.memory_space<vmem_shared>> -> memref<128x128xf32, #tpu.memory_space<vmem_shared>>
      tpu.wait_indirect_dma semaphore(%arg13 : memref<!tpu.dma_semaphore, #tpu.memory_space<semaphore_mem>>) src(%dma_wait3A_75 : memref<128x128xf32, #tpu.memory_space<vmem_shared>>) dst(%arg11 : memref<128x128xf32, #tpu.memory_space<vmem>>)
      %dma_start3A_76 = arith.constant 1 : i32
      %dma_start3A_77 = arith.constant 0 : i32
      %dma_start3A_78 = tpu.memref_slice %arg9[%dma_start3A_76, %dma_start3A_77] : memref<8x128xi32, #tpu.memory_space<vmem>> -> memref<1x128xi32, #tpu.memory_space<vmem>>
      %dma_start3A_79 = tpu.memref_squeeze %dma_start3A_78 : memref<1x128xi32, #tpu.memory_space<vmem>> -> memref<128xi32, #tpu.memory_space<vmem>>
      %dma_start3A_80 = arith.constant 0 : i32
      %dma_start3A_81 = arith.constant 0 : i32
      %dma_start3A_82 = tpu.memref_slice %arg16[%dma_start3A_80, %dma_start3A_81] : memref<10368x128xf32, #tpu.memory_space<vmem_shared>> -> memref<10368x128xf32, #tpu.memory_space<vmem_shared>>
      tpu.enqueue_indirect_dma source(%arg11 : memref<128x128xf32, #tpu.memory_space<vmem>>) target(%dma_start3A_82 : memref<10368x128xf32, #tpu.memory_space<vmem_shared>>) offsets(%dma_start3A_79 : memref<128xi32, #tpu.memory_space<vmem>>) semaphore(%arg15 : memref<!tpu.dma_semaphore, #tpu.memory_space<semaphore_mem>>) {add = true}
      %dma_wait3A_83 = arith.constant 1 : i32
      %dma_wait3A_84 = arith.constant 0 : i32
      %dma_wait3A_85 = tpu.memref_slice %arg9[%dma_wait3A_83, %dma_wait3A_84] : memref<8x128xi32, #tpu.memory_space<vmem>> -> memref<1x128xi32, #tpu.memory_space<vmem>>
      %dma_wait3A_86 = tpu.memref_squeeze %dma_wait3A_85 : memref<1x128xi32, #tpu.memory_space<vmem>> -> memref<128xi32, #tpu.memory_space<vmem>>
      %dma_wait3A_87 = arith.constant 0 : i32
      %dma_wait3A_88 = arith.constant 0 : i32
      %dma_wait3A_89 = tpu.memref_slice %arg16[%dma_wait3A_87, %dma_wait3A_88] : memref<10368x128xf32, #tpu.memory_space<vmem_shared>> -> memref<10368x128xf32, #tpu.memory_space<vmem_shared>>
      tpu.wait_indirect_dma semaphore(%arg15 : memref<!tpu.dma_semaphore, #tpu.memory_space<semaphore_mem>>) src(%arg11 : memref<128x128xf32, #tpu.memory_space<vmem>>) dst(%dma_wait3A_89 : memref<10368x128xf32, #tpu.memory_space<vmem_shared>>)
      %dma_start3A_90 = arith.constant 3 : i32
      %dma_start3A_91 = arith.constant 0 : i32
      %dma_start3A_92 = tpu.memref_slice %arg8[%dma_start3A_90, %dma_start3A_91] : memref<8x128xi32, #tpu.memory_space<vmem>> -> memref<1x128xi32, #tpu.memory_space<vmem>>
      %dma_start3A_93 = tpu.memref_squeeze %dma_start3A_92 : memref<1x128xi32, #tpu.memory_space<vmem>> -> memref<128xi32, #tpu.memory_space<vmem>>
      %dma_start3A_94 = arith.constant 0 : i32
      %dma_start3A_95 = arith.constant 0 : i32
      %dma_start3A_96 = tpu.memref_slice %arg17[%dma_start3A_94, %dma_start3A_95] : memref<128x128xf32, #tpu.memory_space<vmem_shared>> -> memref<128x128xf32, #tpu.memory_space<vmem_shared>>
      tpu.enqueue_indirect_dma source(%dma_start3A_96 : memref<128x128xf32, #tpu.memory_space<vmem_shared>>) target(%arg11 : memref<128x128xf32, #tpu.memory_space<vmem>>) offsets(%dma_start3A_93 : memref<128xi32, #tpu.memory_space<vmem>>) semaphore(%arg13 : memref<!tpu.dma_semaphore, #tpu.memory_space<semaphore_mem>>)
      %dma_wait3A_97 = arith.constant 2 : i32
      %dma_wait3A_98 = arith.constant 0 : i32
      %dma_wait3A_99 = tpu.memref_slice %arg8[%dma_wait3A_97, %dma_wait3A_98] : memref<8x128xi32, #tpu.memory_space<vmem>> -> memref<1x128xi32, #tpu.memory_space<vmem>>
      %dma_wait3A_100 = tpu.memref_squeeze %dma_wait3A_99 : memref<1x128xi32, #tpu.memory_space<vmem>> -> memref<128xi32, #tpu.memory_space<vmem>>
      %dma_wait3A_101 = arith.constant 0 : i32
      %dma_wait3A_102 = arith.constant 0 : i32
      %dma_wait3A_103 = tpu.memref_slice %arg17[%dma_wait3A_101, %dma_wait3A_102] : memref<128x128xf32, #tpu.memory_space<vmem_shared>> -> memref<128x128xf32, #tpu.memory_space<vmem_shared>>
      tpu.wait_indirect_dma semaphore(%arg12 : memref<!tpu.dma_semaphore, #tpu.memory_space<semaphore_mem>>) src(%dma_wait3A_103 : memref<128x128xf32, #tpu.memory_space<vmem_shared>>) dst(%arg10 : memref<128x128xf32, #tpu.memory_space<vmem>>)
      %dma_start3A_104 = arith.constant 2 : i32
      %dma_start3A_105 = arith.constant 0 : i32
      %dma_start3A_106 = tpu.memref_slice %arg9[%dma_start3A_104, %dma_start3A_105] : memref<8x128xi32, #tpu.memory_space<vmem>> -> memref<1x128xi32, #tpu.memory_space<vmem>>
      %dma_start3A_107 = tpu.memref_squeeze %dma_start3A_106 : memref<1x128xi32, #tpu.memory_space<vmem>> -> memref<128xi32, #tpu.memory_space<vmem>>
      %dma_start3A_108 = arith.constant 0 : i32
      %dma_start3A_109 = arith.constant 0 : i32
      %dma_start3A_110 = tpu.memref_slice %arg16[%dma_start3A_108, %dma_start3A_109] : memref<10368x128xf32, #tpu.memory_space<vmem_shared>> -> memref<10368x128xf32, #tpu.memory_space<vmem_shared>>
      tpu.enqueue_indirect_dma source(%arg10 : memref<128x128xf32, #tpu.memory_space<vmem>>) target(%dma_start3A_110 : memref<10368x128xf32, #tpu.memory_space<vmem_shared>>) offsets(%dma_start3A_107 : memref<128xi32, #tpu.memory_space<vmem>>) semaphore(%arg14 : memref<!tpu.dma_semaphore, #tpu.memory_space<semaphore_mem>>) {add = true}
      %dma_wait3A_111 = arith.constant 2 : i32
      %dma_wait3A_112 = arith.constant 0 : i32
      %dma_wait3A_113 = tpu.memref_slice %arg9[%dma_wait3A_111, %dma_wait3A_112] : memref<8x128xi32, #tpu.memory_space<vmem>> -> memref<1x128xi32, #tpu.memory_space<vmem>>
      %dma_wait3A_114 = tpu.memref_squeeze %dma_wait3A_113 : memref<1x128xi32, #tpu.memory_space<vmem>> -> memref<128xi32, #tpu.memory_space<vmem>>
      %dma_wait3A_115 = arith.constant 0 : i32
      %dma_wait3A_116 = arith.constant 0 : i32
      %dma_wait3A_117 = tpu.memref_slice %arg16[%dma_wait3A_115, %dma_wait3A_116] : memref<10368x128xf32, #tpu.memory_space<vmem_shared>> -> memref<10368x128xf32, #tpu.memory_space<vmem_shared>>
      tpu.wait_indirect_dma semaphore(%arg14 : memref<!tpu.dma_semaphore, #tpu.memory_space<semaphore_mem>>) src(%arg10 : memref<128x128xf32, #tpu.memory_space<vmem>>) dst(%dma_wait3A_117 : memref<10368x128xf32, #tpu.memory_space<vmem_shared>>)
      %dma_start3A_118 = arith.constant 4 : i32
      %dma_start3A_119 = arith.constant 0 : i32
      %dma_start3A_120 = tpu.memref_slice %arg8[%dma_start3A_118, %dma_start3A_119] : memref<8x128xi32, #tpu.memory_space<vmem>> -> memref<1x128xi32, #tpu.memory_space<vmem>>
      %dma_start3A_121 = tpu.memref_squeeze %dma_start3A_120 : memref<1x128xi32, #tpu.memory_space<vmem>> -> memref<128xi32, #tpu.memory_space<vmem>>
      %dma_start3A_122 = arith.constant 0 : i32
      %dma_start3A_123 = arith.constant 0 : i32
      %dma_start3A_124 = tpu.memref_slice %arg17[%dma_start3A_122, %dma_start3A_123] : memref<128x128xf32, #tpu.memory_space<vmem_shared>> -> memref<128x128xf32, #tpu.memory_space<vmem_shared>>
      tpu.enqueue_indirect_dma source(%dma_start3A_124 : memref<128x128xf32, #tpu.memory_space<vmem_shared>>) target(%arg10 : memref<128x128xf32, #tpu.memory_space<vmem>>) offsets(%dma_start3A_121 : memref<128xi32, #tpu.memory_space<vmem>>) semaphore(%arg12 : memref<!tpu.dma_semaphore, #tpu.memory_space<semaphore_mem>>)
      %dma_wait3A_125 = arith.constant 3 : i32
      %dma_wait3A_126 = arith.constant 0 : i32
      %dma_wait3A_127 = tpu.memref_slice %arg8[%dma_wait3A_125, %dma_wait3A_126] : memref<8x128xi32, #tpu.memory_space<vmem>> -> memref<1x128xi32, #tpu.memory_space<vmem>>
      %dma_wait3A_128 = tpu.memref_squeeze %dma_wait3A_127 : memref<1x128xi32, #tpu.memory_space<vmem>> -> memref<128xi32, #tpu.memory_space<vmem>>
      %dma_wait3A_129 = arith.constant 0 : i32
      %dma_wait3A_130 = arith.constant 0 : i32
      %dma_wait3A_131 = tpu.memref_slice %arg17[%dma_wait3A_129, %dma_wait3A_130] : memref<128x128xf32, #tpu.memory_space<vmem_shared>> -> memref<128x128xf32, #tpu.memory_space<vmem_shared>>
      tpu.wait_indirect_dma semaphore(%arg13 : memref<!tpu.dma_semaphore, #tpu.memory_space<semaphore_mem>>) src(%dma_wait3A_131 : memref<128x128xf32, #tpu.memory_space<vmem_shared>>) dst(%arg11 : memref<128x128xf32, #tpu.memory_space<vmem>>)
      %dma_start3A_132 = arith.constant 3 : i32
      %dma_start3A_133 = arith.constant 0 : i32
      %dma_start3A_134 = tpu.memref_slice %arg9[%dma_start3A_132, %dma_start3A_133] : memref<8x128xi32, #tpu.memory_space<vmem>> -> memref<1x128xi32, #tpu.memory_space<vmem>>
      %dma_start3A_135 = tpu.memref_squeeze %dma_start3A_134 : memref<1x128xi32, #tpu.memory_space<vmem>> -> memref<128xi32, #tpu.memory_space<vmem>>
      %dma_start3A_136 = arith.constant 0 : i32
      %dma_start3A_137 = arith.constant 0 : i32
      %dma_start3A_138 = tpu.memref_slice %arg16[%dma_start3A_136, %dma_start3A_137] : memref<10368x128xf32, #tpu.memory_space<vmem_shared>> -> memref<10368x128xf32, #tpu.memory_space<vmem_shared>>
      tpu.enqueue_indirect_dma source(%arg11 : memref<128x128xf32, #tpu.memory_space<vmem>>) target(%dma_start3A_138 : memref<10368x128xf32, #tpu.memory_space<vmem_shared>>) offsets(%dma_start3A_135 : memref<128xi32, #tpu.memory_space<vmem>>) semaphore(%arg15 : memref<!tpu.dma_semaphore, #tpu.memory_space<semaphore_mem>>) {add = true}
      %dma_wait3A_139 = arith.constant 3 : i32
      %dma_wait3A_140 = arith.constant 0 : i32
      %dma_wait3A_141 = tpu.memref_slice %arg9[%dma_wait3A_139, %dma_wait3A_140] : memref<8x128xi32, #tpu.memory_space<vmem>> -> memref<1x128xi32, #tpu.memory_space<vmem>>
      %dma_wait3A_142 = tpu.memref_squeeze %dma_wait3A_141 : memref<1x128xi32, #tpu.memory_space<vmem>> -> memref<128xi32, #tpu.memory_space<vmem>>
      %dma_wait3A_143 = arith.constant 0 : i32
      %dma_wait3A_144 = arith.constant 0 : i32
      %dma_wait3A_145 = tpu.memref_slice %arg16[%dma_wait3A_143, %dma_wait3A_144] : memref<10368x128xf32, #tpu.memory_space<vmem_shared>> -> memref<10368x128xf32, #tpu.memory_space<vmem_shared>>
      tpu.wait_indirect_dma semaphore(%arg15 : memref<!tpu.dma_semaphore, #tpu.memory_space<semaphore_mem>>) src(%arg11 : memref<128x128xf32, #tpu.memory_space<vmem>>) dst(%dma_wait3A_145 : memref<10368x128xf32, #tpu.memory_space<vmem_shared>>)
      %dma_start3A_146 = arith.constant 5 : i32
      %dma_start3A_147 = arith.constant 0 : i32
      %dma_start3A_148 = tpu.memref_slice %arg8[%dma_start3A_146, %dma_start3A_147] : memref<8x128xi32, #tpu.memory_space<vmem>> -> memref<1x128xi32, #tpu.memory_space<vmem>>
      %dma_start3A_149 = tpu.memref_squeeze %dma_start3A_148 : memref<1x128xi32, #tpu.memory_space<vmem>> -> memref<128xi32, #tpu.memory_space<vmem>>
      %dma_start3A_150 = arith.constant 0 : i32
      %dma_start3A_151 = arith.constant 0 : i32
      %dma_start3A_152 = tpu.memref_slice %arg17[%dma_start3A_150, %dma_start3A_151] : memref<128x128xf32, #tpu.memory_space<vmem_shared>> -> memref<128x128xf32, #tpu.memory_space<vmem_shared>>
      tpu.enqueue_indirect_dma source(%dma_start3A_152 : memref<128x128xf32, #tpu.memory_space<vmem_shared>>) target(%arg11 : memref<128x128xf32, #tpu.memory_space<vmem>>) offsets(%dma_start3A_149 : memref<128xi32, #tpu.memory_space<vmem>>) semaphore(%arg13 : memref<!tpu.dma_semaphore, #tpu.memory_space<semaphore_mem>>)
      %dma_wait3A_153 = arith.constant 4 : i32
      %dma_wait3A_154 = arith.constant 0 : i32
      %dma_wait3A_155 = tpu.memref_slice %arg8[%dma_wait3A_153, %dma_wait3A_154] : memref<8x128xi32, #tpu.memory_space<vmem>> -> memref<1x128xi32, #tpu.memory_space<vmem>>
      %dma_wait3A_156 = tpu.memref_squeeze %dma_wait3A_155 : memref<1x128xi32, #tpu.memory_space<vmem>> -> memref<128xi32, #tpu.memory_space<vmem>>
      %dma_wait3A_157 = arith.constant 0 : i32
      %dma_wait3A_158 = arith.constant 0 : i32
      %dma_wait3A_159 = tpu.memref_slice %arg17[%dma_wait3A_157, %dma_wait3A_158] : memref<128x128xf32, #tpu.memory_space<vmem_shared>> -> memref<128x128xf32, #tpu.memory_space<vmem_shared>>
      tpu.wait_indirect_dma semaphore(%arg12 : memref<!tpu.dma_semaphore, #tpu.memory_space<semaphore_mem>>) src(%dma_wait3A_159 : memref<128x128xf32, #tpu.memory_space<vmem_shared>>) dst(%arg10 : memref<128x128xf32, #tpu.memory_space<vmem>>)
      %dma_start3A_160 = arith.constant 4 : i32
      %dma_start3A_161 = arith.constant 0 : i32
      %dma_start3A_162 = tpu.memref_slice %arg9[%dma_start3A_160, %dma_start3A_161] : memref<8x128xi32, #tpu.memory_space<vmem>> -> memref<1x128xi32, #tpu.memory_space<vmem>>
      %dma_start3A_163 = tpu.memref_squeeze %dma_start3A_162 : memref<1x128xi32, #tpu.memory_space<vmem>> -> memref<128xi32, #tpu.memory_space<vmem>>
      %dma_start3A_164 = arith.constant 0 : i32
      %dma_start3A_165 = arith.constant 0 : i32
      %dma_start3A_166 = tpu.memref_slice %arg16[%dma_start3A_164, %dma_start3A_165] : memref<10368x128xf32, #tpu.memory_space<vmem_shared>> -> memref<10368x128xf32, #tpu.memory_space<vmem_shared>>
      tpu.enqueue_indirect_dma source(%arg10 : memref<128x128xf32, #tpu.memory_space<vmem>>) target(%dma_start3A_166 : memref<10368x128xf32, #tpu.memory_space<vmem_shared>>) offsets(%dma_start3A_163 : memref<128xi32, #tpu.memory_space<vmem>>) semaphore(%arg14 : memref<!tpu.dma_semaphore, #tpu.memory_space<semaphore_mem>>) {add = true}
      %dma_wait3A_167 = arith.constant 4 : i32
      %dma_wait3A_168 = arith.constant 0 : i32
      %dma_wait3A_169 = tpu.memref_slice %arg9[%dma_wait3A_167, %dma_wait3A_168] : memref<8x128xi32, #tpu.memory_space<vmem>> -> memref<1x128xi32, #tpu.memory_space<vmem>>
      %dma_wait3A_170 = tpu.memref_squeeze %dma_wait3A_169 : memref<1x128xi32, #tpu.memory_space<vmem>> -> memref<128xi32, #tpu.memory_space<vmem>>
      %dma_wait3A_171 = arith.constant 0 : i32
      %dma_wait3A_172 = arith.constant 0 : i32
      %dma_wait3A_173 = tpu.memref_slice %arg16[%dma_wait3A_171, %dma_wait3A_172] : memref<10368x128xf32, #tpu.memory_space<vmem_shared>> -> memref<10368x128xf32, #tpu.memory_space<vmem_shared>>
      tpu.wait_indirect_dma semaphore(%arg14 : memref<!tpu.dma_semaphore, #tpu.memory_space<semaphore_mem>>) src(%arg10 : memref<128x128xf32, #tpu.memory_space<vmem>>) dst(%dma_wait3A_173 : memref<10368x128xf32, #tpu.memory_space<vmem_shared>>)
      %dma_start3A_174 = arith.constant 6 : i32
      %dma_start3A_175 = arith.constant 0 : i32
      %dma_start3A_176 = tpu.memref_slice %arg8[%dma_start3A_174, %dma_start3A_175] : memref<8x128xi32, #tpu.memory_space<vmem>> -> memref<1x128xi32, #tpu.memory_space<vmem>>
      %dma_start3A_177 = tpu.memref_squeeze %dma_start3A_176 : memref<1x128xi32, #tpu.memory_space<vmem>> -> memref<128xi32, #tpu.memory_space<vmem>>
      %dma_start3A_178 = arith.constant 0 : i32
      %dma_start3A_179 = arith.constant 0 : i32
      %dma_start3A_180 = tpu.memref_slice %arg17[%dma_start3A_178, %dma_start3A_179] : memref<128x128xf32, #tpu.memory_space<vmem_shared>> -> memref<128x128xf32, #tpu.memory_space<vmem_shared>>
      tpu.enqueue_indirect_dma source(%dma_start3A_180 : memref<128x128xf32, #tpu.memory_space<vmem_shared>>) target(%arg10 : memref<128x128xf32, #tpu.memory_space<vmem>>) offsets(%dma_start3A_177 : memref<128xi32, #tpu.memory_space<vmem>>) semaphore(%arg12 : memref<!tpu.dma_semaphore, #tpu.memory_space<semaphore_mem>>)
      %dma_wait3A_181 = arith.constant 5 : i32
      %dma_wait3A_182 = arith.constant 0 : i32
      %dma_wait3A_183 = tpu.memref_slice %arg8[%dma_wait3A_181, %dma_wait3A_182] : memref<8x128xi32, #tpu.memory_space<vmem>> -> memref<1x128xi32, #tpu.memory_space<vmem>>
      %dma_wait3A_184 = tpu.memref_squeeze %dma_wait3A_183 : memref<1x128xi32, #tpu.memory_space<vmem>> -> memref<128xi32, #tpu.memory_space<vmem>>
      %dma_wait3A_185 = arith.constant 0 : i32
      %dma_wait3A_186 = arith.constant 0 : i32
      %dma_wait3A_187 = tpu.memref_slice %arg17[%dma_wait3A_185, %dma_wait3A_186] : memref<128x128xf32, #tpu.memory_space<vmem_shared>> -> memref<128x128xf32, #tpu.memory_space<vmem_shared>>
      tpu.wait_indirect_dma semaphore(%arg13 : memref<!tpu.dma_semaphore, #tpu.memory_space<semaphore_mem>>) src(%dma_wait3A_187 : memref<128x128xf32, #tpu.memory_space<vmem_shared>>) dst(%arg11 : memref<128x128xf32, #tpu.memory_space<vmem>>)
      %dma_start3A_188 = arith.constant 5 : i32
      %dma_start3A_189 = arith.constant 0 : i32
      %dma_start3A_190 = tpu.memref_slice %arg9[%dma_start3A_188, %dma_start3A_189] : memref<8x128xi32, #tpu.memory_space<vmem>> -> memref<1x128xi32, #tpu.memory_space<vmem>>
      %dma_start3A_191 = tpu.memref_squeeze %dma_start3A_190 : memref<1x128xi32, #tpu.memory_space<vmem>> -> memref<128xi32, #tpu.memory_space<vmem>>
      %dma_start3A_192 = arith.constant 0 : i32
      %dma_start3A_193 = arith.constant 0 : i32
      %dma_start3A_194 = tpu.memref_slice %arg16[%dma_start3A_192, %dma_start3A_193] : memref<10368x128xf32, #tpu.memory_space<vmem_shared>> -> memref<10368x128xf32, #tpu.memory_space<vmem_shared>>
      tpu.enqueue_indirect_dma source(%arg11 : memref<128x128xf32, #tpu.memory_space<vmem>>) target(%dma_start3A_194 : memref<10368x128xf32, #tpu.memory_space<vmem_shared>>) offsets(%dma_start3A_191 : memref<128xi32, #tpu.memory_space<vmem>>) semaphore(%arg15 : memref<!tpu.dma_semaphore, #tpu.memory_space<semaphore_mem>>) {add = true}
      %dma_wait3A_195 = arith.constant 5 : i32
      %dma_wait3A_196 = arith.constant 0 : i32
      %dma_wait3A_197 = tpu.memref_slice %arg9[%dma_wait3A_195, %dma_wait3A_196] : memref<8x128xi32, #tpu.memory_space<vmem>> -> memref<1x128xi32, #tpu.memory_space<vmem>>
      %dma_wait3A_198 = tpu.memref_squeeze %dma_wait3A_197 : memref<1x128xi32, #tpu.memory_space<vmem>> -> memref<128xi32, #tpu.memory_space<vmem>>
      %dma_wait3A_199 = arith.constant 0 : i32
      %dma_wait3A_200 = arith.constant 0 : i32
      %dma_wait3A_201 = tpu.memref_slice %arg16[%dma_wait3A_199, %dma_wait3A_200] : memref<10368x128xf32, #tpu.memory_space<vmem_shared>> -> memref<10368x128xf32, #tpu.memory_space<vmem_shared>>
      tpu.wait_indirect_dma semaphore(%arg15 : memref<!tpu.dma_semaphore, #tpu.memory_space<semaphore_mem>>) src(%arg11 : memref<128x128xf32, #tpu.memory_space<vmem>>) dst(%dma_wait3A_201 : memref<10368x128xf32, #tpu.memory_space<vmem_shared>>)
      %dma_start3A_202 = arith.constant 7 : i32
      %dma_start3A_203 = arith.constant 0 : i32
      %dma_start3A_204 = tpu.memref_slice %arg8[%dma_start3A_202, %dma_start3A_203] : memref<8x128xi32, #tpu.memory_space<vmem>> -> memref<1x128xi32, #tpu.memory_space<vmem>>
      %dma_start3A_205 = tpu.memref_squeeze %dma_start3A_204 : memref<1x128xi32, #tpu.memory_space<vmem>> -> memref<128xi32, #tpu.memory_space<vmem>>
      %dma_start3A_206 = arith.constant 0 : i32
      %dma_start3A_207 = arith.constant 0 : i32
      %dma_start3A_208 = tpu.memref_slice %arg17[%dma_start3A_206, %dma_start3A_207] : memref<128x128xf32, #tpu.memory_space<vmem_shared>> -> memref<128x128xf32, #tpu.memory_space<vmem_shared>>
      tpu.enqueue_indirect_dma source(%dma_start3A_208 : memref<128x128xf32, #tpu.memory_space<vmem_shared>>) target(%arg11 : memref<128x128xf32, #tpu.memory_space<vmem>>) offsets(%dma_start3A_205 : memref<128xi32, #tpu.memory_space<vmem>>) semaphore(%arg13 : memref<!tpu.dma_semaphore, #tpu.memory_space<semaphore_mem>>)
      %dma_wait3A_209 = arith.constant 6 : i32
      %dma_wait3A_210 = arith.constant 0 : i32
      %dma_wait3A_211 = tpu.memref_slice %arg8[%dma_wait3A_209, %dma_wait3A_210] : memref<8x128xi32, #tpu.memory_space<vmem>> -> memref<1x128xi32, #tpu.memory_space<vmem>>
      %dma_wait3A_212 = tpu.memref_squeeze %dma_wait3A_211 : memref<1x128xi32, #tpu.memory_space<vmem>> -> memref<128xi32, #tpu.memory_space<vmem>>
      %dma_wait3A_213 = arith.constant 0 : i32
      %dma_wait3A_214 = arith.constant 0 : i32
      %dma_wait3A_215 = tpu.memref_slice %arg17[%dma_wait3A_213, %dma_wait3A_214] : memref<128x128xf32, #tpu.memory_space<vmem_shared>> -> memref<128x128xf32, #tpu.memory_space<vmem_shared>>
      tpu.wait_indirect_dma semaphore(%arg12 : memref<!tpu.dma_semaphore, #tpu.memory_space<semaphore_mem>>) src(%dma_wait3A_215 : memref<128x128xf32, #tpu.memory_space<vmem_shared>>) dst(%arg10 : memref<128x128xf32, #tpu.memory_space<vmem>>)
      %dma_start3A_216 = arith.constant 6 : i32
      %dma_start3A_217 = arith.constant 0 : i32
      %dma_start3A_218 = tpu.memref_slice %arg9[%dma_start3A_216, %dma_start3A_217] : memref<8x128xi32, #tpu.memory_space<vmem>> -> memref<1x128xi32, #tpu.memory_space<vmem>>
      %dma_start3A_219 = tpu.memref_squeeze %dma_start3A_218 : memref<1x128xi32, #tpu.memory_space<vmem>> -> memref<128xi32, #tpu.memory_space<vmem>>
      %dma_start3A_220 = arith.constant 0 : i32
      %dma_start3A_221 = arith.constant 0 : i32
      %dma_start3A_222 = tpu.memref_slice %arg16[%dma_start3A_220, %dma_start3A_221] : memref<10368x128xf32, #tpu.memory_space<vmem_shared>> -> memref<10368x128xf32, #tpu.memory_space<vmem_shared>>
      tpu.enqueue_indirect_dma source(%arg10 : memref<128x128xf32, #tpu.memory_space<vmem>>) target(%dma_start3A_222 : memref<10368x128xf32, #tpu.memory_space<vmem_shared>>) offsets(%dma_start3A_219 : memref<128xi32, #tpu.memory_space<vmem>>) semaphore(%arg14 : memref<!tpu.dma_semaphore, #tpu.memory_space<semaphore_mem>>) {add = true}
      %dma_wait3A_223 = arith.constant 7 : i32
      %dma_wait3A_224 = arith.constant 0 : i32
      %dma_wait3A_225 = tpu.memref_slice %arg8[%dma_wait3A_223, %dma_wait3A_224] : memref<8x128xi32, #tpu.memory_space<vmem>> -> memref<1x128xi32, #tpu.memory_space<vmem>>
      %dma_wait3A_226 = tpu.memref_squeeze %dma_wait3A_225 : memref<1x128xi32, #tpu.memory_space<vmem>> -> memref<128xi32, #tpu.memory_space<vmem>>
      %dma_wait3A_227 = arith.constant 0 : i32
      %dma_wait3A_228 = arith.constant 0 : i32
      %dma_wait3A_229 = tpu.memref_slice %arg17[%dma_wait3A_227, %dma_wait3A_228] : memref<128x128xf32, #tpu.memory_space<vmem_shared>> -> memref<128x128xf32, #tpu.memory_space<vmem_shared>>
      tpu.wait_indirect_dma semaphore(%arg13 : memref<!tpu.dma_semaphore, #tpu.memory_space<semaphore_mem>>) src(%dma_wait3A_229 : memref<128x128xf32, #tpu.memory_space<vmem_shared>>) dst(%arg11 : memref<128x128xf32, #tpu.memory_space<vmem>>)
      %dma_start3A_230 = arith.constant 7 : i32
      %dma_start3A_231 = arith.constant 0 : i32
      %dma_start3A_232 = tpu.memref_slice %arg9[%dma_start3A_230, %dma_start3A_231] : memref<8x128xi32, #tpu.memory_space<vmem>> -> memref<1x128xi32, #tpu.memory_space<vmem>>
      %dma_start3A_233 = tpu.memref_squeeze %dma_start3A_232 : memref<1x128xi32, #tpu.memory_space<vmem>> -> memref<128xi32, #tpu.memory_space<vmem>>
      %dma_start3A_234 = arith.constant 0 : i32
      %dma_start3A_235 = arith.constant 0 : i32
      %dma_start3A_236 = tpu.memref_slice %arg16[%dma_start3A_234, %dma_start3A_235] : memref<10368x128xf32, #tpu.memory_space<vmem_shared>> -> memref<10368x128xf32, #tpu.memory_space<vmem_shared>>
      tpu.enqueue_indirect_dma source(%arg11 : memref<128x128xf32, #tpu.memory_space<vmem>>) target(%dma_start3A_236 : memref<10368x128xf32, #tpu.memory_space<vmem_shared>>) offsets(%dma_start3A_233 : memref<128xi32, #tpu.memory_space<vmem>>) semaphore(%arg15 : memref<!tpu.dma_semaphore, #tpu.memory_space<semaphore_mem>>) {add = true}
      %dma_wait3A_237 = arith.constant 6 : i32
      %dma_wait3A_238 = arith.constant 0 : i32
      %dma_wait3A_239 = tpu.memref_slice %arg9[%dma_wait3A_237, %dma_wait3A_238] : memref<8x128xi32, #tpu.memory_space<vmem>> -> memref<1x128xi32, #tpu.memory_space<vmem>>
      %dma_wait3A_240 = tpu.memref_squeeze %dma_wait3A_239 : memref<1x128xi32, #tpu.memory_space<vmem>> -> memref<128xi32, #tpu.memory_space<vmem>>
      %dma_wait3A_241 = arith.constant 0 : i32
      %dma_wait3A_242 = arith.constant 0 : i32
      %dma_wait3A_243 = tpu.memref_slice %arg16[%dma_wait3A_241, %dma_wait3A_242] : memref<10368x128xf32, #tpu.memory_space<vmem_shared>> -> memref<10368x128xf32, #tpu.memory_space<vmem_shared>>
      tpu.wait_indirect_dma semaphore(%arg14 : memref<!tpu.dma_semaphore, #tpu.memory_space<semaphore_mem>>) src(%arg10 : memref<128x128xf32, #tpu.memory_space<vmem>>) dst(%dma_wait3A_243 : memref<10368x128xf32, #tpu.memory_space<vmem_shared>>)
      %dma_wait3A_244 = arith.constant 7 : i32
      %dma_wait3A_245 = arith.constant 0 : i32
      %dma_wait3A_246 = tpu.memref_slice %arg9[%dma_wait3A_244, %dma_wait3A_245] : memref<8x128xi32, #tpu.memory_space<vmem>> -> memref<1x128xi32, #tpu.memory_space<vmem>>
      %dma_wait3A_247 = tpu.memref_squeeze %dma_wait3A_246 : memref<1x128xi32, #tpu.memory_space<vmem>> -> memref<128xi32, #tpu.memory_space<vmem>>
      %dma_wait3A_248 = arith.constant 0 : i32
      %dma_wait3A_249 = arith.constant 0 : i32
      %dma_wait3A_250 = tpu.memref_slice %arg16[%dma_wait3A_248, %dma_wait3A_249] : memref<10368x128xf32, #tpu.memory_space<vmem_shared>> -> memref<10368x128xf32, #tpu.memory_space<vmem_shared>>
      tpu.wait_indirect_dma semaphore(%arg15 : memref<!tpu.dma_semaphore, #tpu.memory_space<semaphore_mem>>) src(%arg11 : memref<128x128xf32, #tpu.memory_space<vmem>>) dst(%dma_wait3A_250 : memref<10368x128xf32, #tpu.memory_space<vmem_shared>>)
    }
    %scan3A_21 = arith.constant 10 : i32
    %barrier3A_22 = arith.constant 0 : index
    tpu.barrier barrier_id(%barrier3A_22)
    %mul3A_23 = arith.constant 648 : i32
    %mul3A_24 = arith.muli %arg1, %mul3A_23 : i32
    "tpu.region"() ({
      %run_scoped3A = tpu.sem_alloc : memref<!tpu.dma_semaphore, #tpu.memory_space<semaphore_mem>>
      %dma_start3A = arith.constant 0 : i32
      %dma_start3A_25 = arith.constant 0 : i32
      %dma_start3A_26 = tpu.memref_slice %arg7[%arg0, %dma_start3A, %dma_start3A_25] : memref<2x10368x128xf32, #tpu.memory_space<hbm>> -> memref<1x10368x128xf32, #tpu.memory_space<hbm>>
      %dma_start3A_27 = tpu.memref_squeeze %dma_start3A_26 : memref<1x10368x128xf32, #tpu.memory_space<hbm>> -> memref<10368x128xf32, #tpu.memory_space<hbm>>
      %dma_start3A_28 = arith.constant 0 : i32
      %dma_start3A_29 = tpu.memref_slice %dma_start3A_27[%mul3A_24, %dma_start3A_28] : memref<10368x128xf32, #tpu.memory_space<hbm>> -> memref<648x128xf32, #tpu.memory_space<hbm>>
      %dma_start3A_30 = arith.constant 0 : i32
      %dma_start3A_31 = tpu.memref_slice %arg16[%mul3A_24, %dma_start3A_30] : memref<10368x128xf32, #tpu.memory_space<vmem_shared>> -> memref<648x128xf32, #tpu.memory_space<vmem_shared>>
      tpu.enqueue_dma source(%dma_start3A_31 : memref<648x128xf32, #tpu.memory_space<vmem_shared>>) target(%dma_start3A_29 : memref<648x128xf32, #tpu.memory_space<hbm>>) target_semaphore(%run_scoped3A : memref<!tpu.dma_semaphore, #tpu.memory_space<semaphore_mem>>)
      %dma_wait3A = arith.constant 0 : i32
      %dma_wait3A_32 = arith.constant 0 : i32
      %dma_wait3A_33 = tpu.memref_slice %arg7[%arg0, %dma_wait3A, %dma_wait3A_32] : memref<2x10368x128xf32, #tpu.memory_space<hbm>> -> memref<1x10368x128xf32, #tpu.memory_space<hbm>>
      %dma_wait3A_34 = tpu.memref_squeeze %dma_wait3A_33 : memref<1x10368x128xf32, #tpu.memory_space<hbm>> -> memref<10368x128xf32, #tpu.memory_space<hbm>>
      %dma_wait3A_35 = arith.constant 0 : i32
      %dma_wait3A_36 = tpu.memref_slice %dma_wait3A_34[%mul3A_24, %dma_wait3A_35] : memref<10368x128xf32, #tpu.memory_space<hbm>> -> memref<648x128xf32, #tpu.memory_space<hbm>>
      %dma_wait3A_37 = arith.constant 0 : i32
      %dma_wait3A_38 = tpu.memref_slice %arg16[%mul3A_24, %dma_wait3A_37] : memref<10368x128xf32, #tpu.memory_space<vmem_shared>> -> memref<648x128xf32, #tpu.memory_space<vmem_shared>>
      tpu.wait_dma2 semaphore(%run_scoped3A : memref<!tpu.dma_semaphore, #tpu.memory_space<semaphore_mem>>) src(%dma_wait3A_38 : memref<648x128xf32, #tpu.memory_space<vmem_shared>>) dst(%dma_wait3A_36 : memref<648x128xf32, #tpu.memory_space<hbm>>)
      tpu.yield
    }) : () -> ()
    return
  }
}

module attributes {stable_mosaic.version = 14 : i64} {
  func.func @_tc_body(%arg0: i32, %arg1: memref<2x1024x128xf32, #tpu.memory_space<vmem>>, %arg2: memref<1024x1xf32, #tpu.memory_space<vmem>>, %arg3: memref<128x128xf32, #tpu.memory_space<vmem>>, %arg4: memref<1x128xf32, #tpu.memory_space<vmem>>, %arg5: memref<1024x128xf32, #tpu.memory_space<vmem>>) attributes {dimension_semantics = [#tpu.dimension_semantics<arbitrary>], iteration_bounds = array<i64: 10>, scalar_prefetch = 0 : i64, scratch_operands = 0 : i64, tpu.core_type = #tpu.core_type<tc>, window_params = [{transform_indices = @transform_0, window_bounds = array<i64: 2, 1024, 128>}, {transform_indices = @transform_1, window_bounds = array<i64: 1024, 1>}, {pipeline_mode = #tpu.pipeline_mode<synchronous>, transform_indices = @transform_2, window_bounds = array<i64: 128, 128>}, {pipeline_mode = #tpu.pipeline_mode<synchronous>, transform_indices = @transform_3, window_bounds = array<i64: 1, 128>}, {transform_indices = @transform_4, window_bounds = array<i64: 1024, 128>}]} {
    %get3A = arith.constant 0 : index
    %get3A_0 = arith.constant 0 : index
    %get3A_1 = arith.constant 0 : index
    %get3A_2 = vector.load %arg1[%get3A, %get3A_0, %get3A_1] : memref<2x1024x128xf32, #tpu.memory_space<vmem>>, vector<1x1024x128xf32>
    %get3A_3 = vector.shape_cast %get3A_2 : vector<1x1024x128xf32> to vector<1024x128xf32>
    %get3A_4 = arith.constant 1 : index
    %get3A_5 = arith.constant 0 : index
    %get3A_6 = arith.constant 0 : index
    %get3A_7 = vector.load %arg1[%get3A_4, %get3A_5, %get3A_6] : memref<2x1024x128xf32, #tpu.memory_space<vmem>>, vector<1x1024x128xf32>
    %get3A_8 = vector.shape_cast %get3A_7 : vector<1x1024x128xf32> to vector<1024x128xf32>
    %add3A = arith.addf %get3A_3, %get3A_8 : vector<1024x128xf32>
    %get3A_9 = arith.constant 0 : index
    %get3A_10 = arith.constant 0 : index
    %get3A_11 = vector.load %arg2[%get3A_9, %get3A_10] : memref<1024x1xf32, #tpu.memory_space<vmem>>, vector<1024x1xf32>
    %max3A = arith.constant 1.000000e+00 : f32
    %max3A_12 = vector.broadcast %max3A : f32 to vector<1024x1xf32>
    %max3A_13 = arith.maximumf %get3A_11, %max3A_12 : vector<1024x1xf32>
    %div3A = arith.constant 1.000000e+00 : f32
    %div3A_14 = vector.broadcast %div3A : f32 to vector<1024x1xf32>
    %div3A_15 = arith.divf %div3A_14, %max3A_13 : vector<1024x1xf32>
    %mul3A = vector.broadcast %div3A_15 : vector<1024x1xf32> to vector<1024x128xf32>
    %mul3A_16 = arith.mulf %add3A, %mul3A : vector<1024x128xf32>
    %get3A_17 = arith.constant 0 : index
    %get3A_18 = arith.constant 0 : index
    %get3A_19 = vector.load %arg3[%get3A_17, %get3A_18] : memref<128x128xf32, #tpu.memory_space<vmem>>, vector<128x128xf32>
    %dot_general3A = arith.constant dense<0.000000e+00> : vector<1024x128xf32>
    %dot_general3A_20 = tpu.matmul %mul3A_16, %get3A_19, %dot_general3A {dimension_numbers = #tpu.dot_dimension_numbers<[1], [0], [0], [1], [0, 0, 1, 1], [], []>, transpose_lhs_hint = false} : vector<1024x128xf32>, vector<128x128xf32>, vector<1024x128xf32> -> vector<1024x128xf32>
    %get3A_21 = arith.constant 0 : index
    %get3A_22 = arith.constant 0 : index
    %get3A_23 = vector.load %arg4[%get3A_21, %get3A_22] : memref<1x128xf32, #tpu.memory_space<vmem>>, vector<1x128xf32>
    %add3A_24 = vector.broadcast %get3A_23 : vector<1x128xf32> to vector<1024x128xf32>
    %add3A_25 = arith.addf %dot_general3A_20, %add3A_24 : vector<1024x128xf32>
    %gt3A = arith.constant 0.000000e+00 : f32
    %gt3A_26 = vector.broadcast %gt3A : f32 to vector<1024x128xf32>
    %gt3A_27 = arith.cmpf ogt, %add3A_25, %gt3A_26 : vector<1024x128xf32>
    %exp3A = math.exp %add3A_25 : vector<1024x128xf32>
    %sub3A = arith.constant 1.000000e+00 : f32
    %sub3A_28 = vector.broadcast %sub3A : f32 to vector<1024x128xf32>
    %sub3A_29 = arith.subf %exp3A, %sub3A_28 : vector<1024x128xf32>
    %mul3A_30 = arith.constant 1.67326319 : f32
    %mul3A_31 = vector.broadcast %mul3A_30 : f32 to vector<1024x128xf32>
    %mul3A_32 = arith.mulf %mul3A_31, %sub3A_29 : vector<1024x128xf32>
    %select_n3A = arith.select %gt3A_27, %add3A_25, %mul3A_32 : vector<1024x128xi1>, vector<1024x128xf32>
    %mul3A_33 = arith.constant 1.05070102 : f32
    %mul3A_34 = vector.broadcast %mul3A_33 : f32 to vector<1024x128xf32>
    %mul3A_35 = arith.mulf %mul3A_34, %select_n3A : vector<1024x128xf32>
    %swap3A = arith.constant 0 : index
    %swap3A_36 = arith.constant 0 : index
    %swap3A_37 = vector.load %arg5[%swap3A, %swap3A_36] : memref<1024x128xf32, #tpu.memory_space<vmem>>, vector<1024x128xf32>
    tpu.vector_store %arg5[%swap3A, %swap3A_36], %mul3A_35 {strides = array<i32>} : memref<1024x128xf32, #tpu.memory_space<vmem>>, vector<1024x128xf32>,
    return
  }
  func.func @transform_0(%arg0: i32) -> (i32, i32, i32) {
    %c0_i32 = arith.constant 0 : i32
    %c0_i32_0 = arith.constant 0 : i32
    %c0_i32_1 = arith.constant 0 : i32
    return %c0_i32, %arg0, %c0_i32_0 : i32, i32, i32
  }
  func.func @transform_1(%arg0: i32) -> (i32, i32) {
    %c0_i32 = arith.constant 0 : i32
    %c0_i32_0 = arith.constant 0 : i32
    return %arg0, %c0_i32 : i32, i32
  }
  func.func @transform_2(%arg0: i32) -> (i32, i32) {
    %c0_i32 = arith.constant 0 : i32
    %c0_i32_0 = arith.constant 0 : i32
    %c0_i32_1 = arith.constant 0 : i32
    return %c0_i32, %c0_i32_0 : i32, i32
  }
  func.func @transform_3(%arg0: i32) -> (i32, i32) {
    %c0_i32 = arith.constant 0 : i32
    %c0_i32_0 = arith.constant 0 : i32
    %c0_i32_1 = arith.constant 0 : i32
    return %c0_i32, %c0_i32_0 : i32, i32
  }
  func.func @transform_4(%arg0: i32) -> (i32, i32) {
    %c0_i32 = arith.constant 0 : i32
    %c0_i32_0 = arith.constant 0 : i32
    return %arg0, %c0_i32 : i32, i32
  }
}

module attributes {stable_mosaic.version = 14 : i64} {
  func.func @_tc_body(%arg0: i32, %arg1: memref<2x1024x128xf32, #tpu.memory_space<vmem>>, %arg2: memref<1024x1xf32, #tpu.memory_space<vmem>>, %arg3: memref<128x128xf32, #tpu.memory_space<vmem>>, %arg4: memref<1x128xf32, #tpu.memory_space<vmem>>, %arg5: memref<1024x128xf32, #tpu.memory_space<vmem>>) attributes {dimension_semantics = [#tpu.dimension_semantics<arbitrary>], iteration_bounds = array<i64: 10>, scalar_prefetch = 0 : i64, scratch_operands = 0 : i64, tpu.core_type = #tpu.core_type<tc>, window_params = [{transform_indices = @transform_0, window_bounds = array<i64: 2, 1024, 128>}, {transform_indices = @transform_1, window_bounds = array<i64: 1024, 1>}, {pipeline_mode = #tpu.pipeline_mode<synchronous>, transform_indices = @transform_2, window_bounds = array<i64: 128, 128>}, {pipeline_mode = #tpu.pipeline_mode<synchronous>, transform_indices = @transform_3, window_bounds = array<i64: 1, 128>}, {transform_indices = @transform_4, window_bounds = array<i64: 1024, 128>}]} {
    %get3A = arith.constant 0 : index
    %get3A_0 = arith.constant 0 : index
    %get3A_1 = arith.constant 0 : index
    %get3A_2 = vector.load %arg1[%get3A, %get3A_0, %get3A_1] : memref<2x1024x128xf32, #tpu.memory_space<vmem>>, vector<1x1024x128xf32>
    %get3A_3 = vector.shape_cast %get3A_2 : vector<1x1024x128xf32> to vector<1024x128xf32>
    %get3A_4 = arith.constant 1 : index
    %get3A_5 = arith.constant 0 : index
    %get3A_6 = arith.constant 0 : index
    %get3A_7 = vector.load %arg1[%get3A_4, %get3A_5, %get3A_6] : memref<2x1024x128xf32, #tpu.memory_space<vmem>>, vector<1x1024x128xf32>
    %get3A_8 = vector.shape_cast %get3A_7 : vector<1x1024x128xf32> to vector<1024x128xf32>
    %add3A = arith.addf %get3A_3, %get3A_8 : vector<1024x128xf32>
    %get3A_9 = arith.constant 0 : index
    %get3A_10 = arith.constant 0 : index
    %get3A_11 = vector.load %arg2[%get3A_9, %get3A_10] : memref<1024x1xf32, #tpu.memory_space<vmem>>, vector<1024x1xf32>
    %max3A = arith.constant 1.000000e+00 : f32
    %max3A_12 = vector.broadcast %max3A : f32 to vector<1024x1xf32>
    %max3A_13 = arith.maximumf %get3A_11, %max3A_12 : vector<1024x1xf32>
    %div3A = arith.constant 1.000000e+00 : f32
    %div3A_14 = vector.broadcast %div3A : f32 to vector<1024x1xf32>
    %div3A_15 = arith.divf %div3A_14, %max3A_13 : vector<1024x1xf32>
    %mul3A = vector.broadcast %div3A_15 : vector<1024x1xf32> to vector<1024x128xf32>
    %mul3A_16 = arith.mulf %add3A, %mul3A : vector<1024x128xf32>
    %get3A_17 = arith.constant 0 : index
    %get3A_18 = arith.constant 0 : index
    %get3A_19 = vector.load %arg3[%get3A_17, %get3A_18] : memref<128x128xf32, #tpu.memory_space<vmem>>, vector<128x128xf32>
    %dot_general3A = arith.constant dense<0.000000e+00> : vector<1024x128xf32>
    %dot_general3A_20 = tpu.matmul %mul3A_16, %get3A_19, %dot_general3A {dimension_numbers = #tpu.dot_dimension_numbers<[1], [0], [0], [1], [0, 0, 1, 1], [], []>, transpose_lhs_hint = false} : vector<1024x128xf32>, vector<128x128xf32>, vector<1024x128xf32> -> vector<1024x128xf32>
    %get3A_21 = arith.constant 0 : index
    %get3A_22 = arith.constant 0 : index
    %get3A_23 = vector.load %arg4[%get3A_21, %get3A_22] : memref<1x128xf32, #tpu.memory_space<vmem>>, vector<1x128xf32>
    %add3A_24 = vector.broadcast %get3A_23 : vector<1x128xf32> to vector<1024x128xf32>
    %add3A_25 = arith.addf %dot_general3A_20, %add3A_24 : vector<1024x128xf32>
    %swap3A = arith.constant 0 : index
    %swap3A_26 = arith.constant 0 : index
    %swap3A_27 = vector.load %arg5[%swap3A, %swap3A_26] : memref<1024x128xf32, #tpu.memory_space<vmem>>, vector<1024x128xf32>
    tpu.vector_store %arg5[%swap3A, %swap3A_26], %add3A_25 {strides = array<i32>} : memref<1024x128xf32, #tpu.memory_space<vmem>>, vector<1024x128xf32>,
    return
  }
  func.func @transform_0(%arg0: i32) -> (i32, i32, i32) {
    %c0_i32 = arith.constant 0 : i32
    %c0_i32_0 = arith.constant 0 : i32
    %c0_i32_1 = arith.constant 0 : i32
    return %c0_i32, %arg0, %c0_i32_0 : i32, i32, i32
  }
  func.func @transform_1(%arg0: i32) -> (i32, i32) {
    %c0_i32 = arith.constant 0 : i32
    %c0_i32_0 = arith.constant 0 : i32
    return %arg0, %c0_i32 : i32, i32
  }
  func.func @transform_2(%arg0: i32) -> (i32, i32) {
    %c0_i32 = arith.constant 0 : i32
    %c0_i32_0 = arith.constant 0 : i32
    %c0_i32_1 = arith.constant 0 : i32
    return %c0_i32, %c0_i32_0 : i32, i32
  }
  func.func @transform_3(%arg0: i32) -> (i32, i32) {
    %c0_i32 = arith.constant 0 : i32
    %c0_i32_0 = arith.constant 0 : i32
    %c0_i32_1 = arith.constant 0 : i32
    return %c0_i32, %c0_i32_0 : i32, i32
  }
  func.func @transform_4(%arg0: i32) -> (i32, i32) {
    %c0_i32 = arith.constant 0 : i32
    %c0_i32_0 = arith.constant 0 : i32
    return %arg0, %c0_i32 : i32, i32
  }
}

</mosaic_0001>

<sc_bundles>
// kernel: kernel.6.cloned.1.call-start
scs
__scs_entry_jumppad:
0x0: {  	(pc) =	sbr.rel $0x88, $3  }
0x1: {  	(tag) =	ssettag $0x0;
	lr =	simm.s32 $0x1  }
0x2: {  	[smem:$0x3F9B] =	sst lr;
	_ =	strace $0xD0000000  }
0x3: {  	_ = 	snop  }
0x4: {  	_ = 	snop  }
0x5: {  	_ = 	snop  }
0x6: {  	_ = 	snop  }
0x7: {  	_ = 	snop  }
__scs_overlays_trampoline_lowered:
0x8: {  	[smem:$0x3FAA] =	sst s0  }
0x9: {  	[smem:$0x3FAB] =	sst s1  }
0xa: {  	[smem:$0x3FAC] =	sst s2  }
0xb: {  	[smem:$0x3FAD] =	sst s3  }
0xc: {  	[smem:$0x3FAE] =	sst s4  }
0xd: {  	[smem:$0x3FAF] =	sst s5  }
0xe: {  	[smem:$0x3FB0] =	sst s6  }
0xf: {  	[smem:$0x3FB1] =	sst s7  }
0x10: {  	[smem:$0x3FB2] =	sst s8  }
0x11: {  	[smem:$0x3FB3] =	sst s9;
	s0 =	simm.s32 @!p0 $0x0  }
0x12: {  	s1 =	sld [smem:$0x3F99];
	s0 =	simm.s32 @p0 $0x1  }
0x13: {  	[smem:$0x3FB4] =	sst s0;
	s0 =	simm.s32 @!p1 $0x0  }
0x14: {  	s2 =	sld [smem:$0x3F98];
	s0 =	simm.s32 @p1 $0x1  }
0x15: {  	[smem:$0x3FB5] =	sst s0;
	s0 =	simm.s32 @!p2 $0x0  }
0x16: {  	s3 =	sld [smem:$0x3FDB];
	s0 =	simm.s32 @p2 $0x1  }
0x17: {  	s4 =	simm.s32 $0x1BF5;
	[smem:$0x3FB7] =	sst s0  }
0x18: {  	s0 =	sld [smem:$0x3F9A];
	_ =	swait.ge [sflag:s4], $0x0  }
0x19: {  	s7 =	sld [smem:$0x3F9B]  }
0x1a: {  	s8 =	sadd.s32 $0xFFFFE003, lr  }
0x1b: {  	s9 =	sadd.s32 $0xFFFFFEF7, lr;
	s5 =	simm.s32 $0xFFFFFFFF;
	p2 =	slt.u32 s8, $0xFFFFF086  }
0x1c: {  	p1 =	slt.u32 s9, $0xF7A;
	s5 =	simm.s32 @!p2 $0x0  }
0x1d: {  	s5 =	simm.s32 @p1 $0x1;
	p0 =	seq.s32 s7, s2  }
0x1e: {  	s7 =	smul.u32 @!p0 $0xF7A, s2;
	p2 =	seq.s32 @!p0 s5, $0x0  }
0x1f: {  	s9 =	smul.u32 $0xF7A, s1;
	s8 =	simm.s32 @!p0 $0x1BF5;
	p2 =	por !p2, p0  }
0x20: {  	[sflag:s8] =	ssyncset.s32 @!p0 $0xFFFFF086;
	s6 =	sadd.s32 @!p0 s3, s7;
	s7 =	simm.s32 @!p0 $0x108  }
0x21: {  	s3 =	sadd.s32 s3, s9;
	s6 =	sadd.s32 @!p0 $0x88, s6;
	s7 =	simm.s32 @p2 $0x1082  }
0x22: {  	[simem:s7], [sflag:s8] =	dma.local @!p0 [hbm:s6], $0xF7A  }
0x23: {  	s9 =	sor.u32 $0xD0000000, s2;
	s6 =	simm.s32 $0x108;
	_ =	swait.ge @!p0 [sflag:s8], $0x0  }
0x24: {  	s3 =	sadd.s32 $0x88, s3;
	s6 =	simm.s32 @!p1 $0x1082;
	[sflag:s4] =	ssyncset.s32 $0xFFFFF086  }
0x25: {  	[simem:s6], [sflag:s4] =	dma.local [hbm:s3], $0xF7A  }
0x26: {  	[smem:$0x3F9B] =	sst s1;
	(tag) =	ssettag s2;
	_ =	strace s9  }
0x27: {  	s1 =	sld [smem:$0x3FAB]  }
0x28: {  	s2 =	sld [smem:$0x3FAC]  }
0x29: {  	s4 =	sld [smem:$0x3FAE]  }
0x2a: {  	p0 =	seq.s32 s5, $0x0;
	s5 =	sld [smem:$0x3FAF]  }
0x2b: {  	s6 =	sld [smem:$0x3FB0]  }
0x2c: {  	s7 =	sld [smem:$0x3FB1]  }
0x2d: {  	s3 =	simm.s32 $0x108;
	s8 =	sld [smem:$0x3FB2]  }
0x2e: {  	s3 =	simm.s32 @!p0 $0x1082;
	s9 =	sld [smem:$0x3FB3]  }
0x2f: {  	lr =	sadd.s32 s0, s3;
	s0 =	sld [smem:$0x3FAA]  }
0x30: {  	s3 =	sld [smem:$0x3FAD]  }
0x31: {  	[smem:$0x3FB6] =	sst s10  }
0x32: {  	s10 =	sld [smem:$0x3FB4];
	_ =	sdelay $0x3  }
0x33: {  	p0 =	seq.s32 s10, $0x1;
	s10 =	sld [smem:$0x3FB6];
	_ =	sdelay $0x3  }
0x34: {  	[smem:$0x3FB6] =	sst s10  }
0x35: {  	s10 =	sld [smem:$0x3FB5];
	_ =	sdelay $0x3  }
0x36: {  	p1 =	seq.s32 s10, $0x1;
	s10 =	sld [smem:$0x3FB6];
	_ =	sdelay $0x3  }
0x37: {  	[smem:$0x3FB6] =	sst s10  }
0x38: {  	s10 =	sld [smem:$0x3FB7]  }
0x39: {  	_ = 	snop;
	(pc) =	sbr.ind lr, $3  }
0x3a: {  	_ = 	snop  }
0x3b: {  	_ = 	snop  }
0x3c: {  	p2 =	seq.s32 s10, $0x1;
	s10 =	sld [smem:$0x3FB6]  }
0x3d: {  	_ =	shalt  }
0x3e: {  	_ =	shalt  }
0x3f: {  	_ =	shalt  }
0x40: {  	_ =	shalt  }
0x41: {  	_ =	shalt  }
0x42: {  	_ =	shalt  }
0x43: {  	_ =	shalt  }
0x44: {  	_ =	shalt  }
0x45: {  	_ =	shalt  }
0x46: {  	_ =	shalt  }
0x47: {  	_ =	shalt  }
0x48: {  	_ =	shalt  }
0x49: {  	_ =	shalt  }
0x4a: {  	_ =	shalt  }
0x4b: {  	_ =	shalt  }
0x4c: {  	_ =	shalt  }
0x4d: {  	_ =	shalt  }
0x4e: {  	_ =	shalt  }
0x4f: {  	_ =	shalt  }
0x50: {  	_ =	shalt  }
0x51: {  	_ =	shalt  }
0x52: {  	_ =	shalt  }
0x53: {  	_ =	shalt  }
0x54: {  	_ =	shalt  }
0x55: {  	_ =	shalt  }
0x56: {  	_ =	shalt  }
0x57: {  	_ =	shalt  }
0x58: {  	_ =	shalt  }
0x59: {  	_ =	shalt  }
0x5a: {  	_ =	shalt  }
0x5b: {  	_ =	shalt  }
0x5c: {  	_ =	shalt  }
0x5d: {  	_ =	shalt  }
0x5e: {  	_ =	shalt  }
0x5f: {  	_ =	shalt  }
0x60: {  	_ =	shalt  }
0x61: {  	_ =	shalt  }
0x62: {  	_ =	shalt  }
0x63: {  	_ =	shalt  }
0x64: {  	_ =	shalt  }
0x65: {  	_ =	shalt  }
0x66: {  	_ =	shalt  }
0x67: {  	_ =	shalt  }
0x68: {  	_ =	shalt  }
0x69: {  	_ =	shalt  }
0x6a: {  	_ =	shalt  }
0x6b: {  	_ =	shalt  }
0x6c: {  	_ =	shalt  }
0x6d: {  	_ =	shalt  }
0x6e: {  	_ =	shalt  }
0x6f: {  	_ =	shalt  }
0x70: {  	_ =	shalt  }
0x71: {  	_ =	shalt  }
0x72: {  	_ =	shalt  }
0x73: {  	_ =	shalt  }
0x74: {  	_ =	shalt  }
0x75: {  	_ =	shalt  }
0x76: {  	_ =	shalt  }
0x77: {  	_ =	shalt  }
0x78: {  	_ =	shalt  }
0x79: {  	_ =	shalt  }
0x7a: {  	_ =	shalt  }
0x7b: {  	_ =	shalt  }
0x7c: {  	_ =	shalt  }
0x7d: {  	_ =	shalt  }
0x7e: {  	_ =	shalt  }
0x7f: {  	_ =	shalt  }
0x80: {  	_ =	shalt  }
0x81: {  	_ =	shalt  }
0x82: {  	_ =	shalt  }
0x83: {  	_ =	shalt  }
0x84: {  	_ =	shalt  }
0x85: {  	_ =	shalt  }
0x86: {  	_ =	shalt  }
0x87: {  	_ =	shalt  }
.Lfunc_end0:
.L_simem_size_0:
called_computation_lowered:
.L_overlay_start_0:
0x88: {  	s2 =	sld [smem:$0x3FD9]  }
0x89: {  	s3 =	sld [smem:$0x3FFE];
	_ =	sdelay $0x1  }
0x8a: {  	s1 =	srdreg.scid  }
0x8b: {  	s0 =	sand.u32 $0x1, s1  }
0x8c: {  	s17 =	sshll.u32 s0, $0xA;
	s2 =	sadd.s32 s3, s2  }
0x8d: {  	s2 =	sadd.s32 s2, s17  }
0x8e: {  	[smem:$0x3FC2] =	sst s2  }
0x8f: {  	_ = 	snop  }
0x90: {  	s2 =	sld [smem:$0x3FC9]  }
0x91: {  	s18 =	sld [smem:$0x3FD0];
	(tm) =	ssettm $0x1  }
0x92: {  	s4 =	sld [smem:$0x3FFB];
	_ =	sdelay $0x3  }
0x93: {  	_ =	strace s4  }
0x94: {  	s4 =	sld [smem:$0x3FFC];
	_ =	sdelay $0x3  }
0x95: {  	_ =	strace s4  }
0x96: {  	s4 =	sld [smem:$0x3FFD];
	_ =	sdelay $0x3  }
0x97: {  	_ =	strace s4  }
0x98: {  	_ =	strace $0x8FFFFFFF  }
0x99: {  	s19 =	sld [smem:$0x3FDB];
	_ =	sdelay $0x1  }
0x9a: {  	s5 =	simm.s32 $_scs_section_size  }
0x9b: {  	s6 =	simm.s32 $_size__tile_overlayer_lowered;
	s7 =	simm.s32 $_tile_overlayer_lowered  }
0x9c: {  	s22 =	simm.s32 $0x1BFF;
	s21 =	sshll.u32 s7, $0x1;
	s4 =	sadd.s32 s5, s19  }
0x9d: {  	s8 =	simm.s32 $0x0;
	s20 =	sshll.u32 s6, $0x1;
	s6 =	sadd.s32 s21, s4  }
0x9e: {  	[timem:s8], [sflag:s22] =	dma.local [hbm:s6], s20  }
0x9f: {  	_ =	swait.ge [sflag:s22], s20  }
0xa0: {  	s5 =	ssub.s32 $0x0, s20;
	[sflag:s22] =	ssyncset.done $0x0  }
0xa1: {  	[sflag:s22] =	ssyncadd.s32 s5;
	_ =	sdelay $0x1  }
0xa2: {  	s23 =	simm.s32 $0x1B8B  }
0xa3: {  	_ =	swait.ge [sflag:s23], $0x1  }
0xa4: {  	[sflag:s23] =	ssyncset.done $0x0  }
0xa5: {  	s25 =	simm.s32 $0x1B8E;
	s24 =	sld [smem:$0x3FFE];
	[sflag:s23] =	ssyncadd.s32 $0xFFFFFFFF  }
0xa6: {  	s26 =	simm.s32 $execute0_lowered;
	[smem:$0x3FD2] =	sst s25  }
0xa7: {  	s6 =	sshll.u32 s26, $0x1;
	_ =	strace $0x80000046;
	[dreg:$0x1] =	wrdreg $0xFFFFFFFF  }
0xa8: {  	s28 =	simm.s32 $_size_execute0_lowered;
	s4 =	sadd.s32 s4, s6;
	[dreg:$0x0] =	wrdreg $0x0  }
0xa9: {  	s6 =	sshll.u32 s28, $0x1;
	[dreg:$0x2] =	wrdreg s4  }
0xaa: {  	[dreg:$0x3] =	wrdreg s6  }
0xab: {  	[dreg:$0x4] =	wrdreg $0xC0  }
0xac: {  	_ =	task [dreg:s8], $0x5FFFF  }
0xad: {  	[dreg:$0x1] =	wrdreg $0xFFFFFFFF  }
0xae: {  	[dreg:$0x0] =	wrdreg $0x60  }
0xaf: {  	[dreg:$0x2] =	wrdreg s2  }
0xb0: {  	[dreg:$0x3] =	wrdreg s18  }
0xb1: {  	[dreg:$0x4] =	wrdreg s24  }
0xb2: {  	[dreg:$0x5] =	wrdreg $0x88000  }
0xb3: {  	[dreg:$0x6] =	wrdreg $0x1CC000  }
0xb4: {  	[dreg:$0x7] =	wrdreg $0x9  }
0xb5: {  	_ =	task.clear_ibuf [dreg:s8], $0x8FFFF;
	_ =	strace $0x90000046  }
0xb6: {  	s29 =	simm.s32 $0x9;
	_ =	strace $0x80000048  }
0xb7: {  	_ =	swait.ge [sflag:s29], $0x1  }
0xb8: {  	[sflag:s29] =	ssyncadd.s32 $0xFFFFFFFF  }
0xb9: {  	_ =	strace $0x90000048  }
0xba: {  	_ =	sfence  }
0xbb: {  	s30 =	sld [smem:$0x0];
	_ =	sdelay $0x2  }
0xbc: {  	s31 =	sshll.u32 s1, $0xD;
	s1 =	sshrl.u32 s1, $0x2  }
0xbd: {  	s3 =	sand.u32 $0x4000, s31;
	s1 =	sadd.s32 s1, s30  }
0xbe: {  	s0 =	sor.u32 s3, s0;
	s1 =	sshll.u32 s1, $0x11  }
0xbf: {  	s0 =	sor.u32 s1, s0  }
0xc0: {  	s0 =	sadd.s32 $0x8F2B, s0  }
0xc1: {  	[sflag:s0] =	ssyncadd.remote.s32 $0x1  }
0xc2: {  	_ =	sfence.sel $0xFFFF  }
0xc3: {  	[dreg:$0x0] =	wrdreg $0xFFFFFFFF;
	(pc) =	sbr.abs _section_cstart, $3  }
0xc4: {  	[dreg:$0x1] =	wrdreg $0xFFFFFFFF  }
0xc5: {  	_ =	task.clear_ibuf [dreg:s8], $0x2FFFF;
	_ =	strace $0x9FFFFFFF  }
0xc6: {  	(tm) =	ssettm $0x7FFFFFFF  }
0xc7: {  	_ =	shalt  }
tec
execute0_lowered:
.L_overlay_start_1:
0x0: {  	(tag) =	ssettag $0x1  }
0x1: {  	s1 =	rddreg [dreg:$0x0]  }
0x2: {  	s0 =	rddreg [dreg:$0x1]  }
0x3: {  	s5 =	rddreg [dreg:$0x2]  }
0x4: {  	s2 =	rddreg [dreg:$0x3]  }
0x5: {  	s3 =	rddreg [dreg:$0x4];
	s4 =	simm.s32 $0x0;
	s6 =	srdreg.scid  }
0x6: {  	s8 =	stileid.u32;
	s14 =	simm.s32 $0x400;
	s15 =	simm.s32 $0x80  }
0x7: {  	s16 =	simm.s32 $0x800;
	s28 =	simm.s32 $0x200;
	s29 =	simm.s32 $0x580  }
0x8: {  	s30 =	simm.s32 $0x280;
	s31 =	simm.s32 $0x600;
	[smem:$0x7FF] =	sst s4  }
0x9: {  	s6 =	sand.u32 $0x1, s6;
	s9 =	sadd.s32 $0x1C00, s5;
	s10 =	smul.u32 $0x51000, s8  }
0xa: {  	s11 =	sadd.s32 $0x15C00, s5;
	s12 =	sadd.s32 $0x1400, s5;
	s13 =	smul.u32 $0x50, s8  }
0xb: {  	s25 =	sshll.u32 s8, $0x6;
	s26 =	smul.u32 $0x2880, s8;
	p0 =	sne.s32 s8, $0x0  }
0xc: {  	s8 =	simm.s32 $0x700;
	s7 =	smul.u32 $0x28800, s6;
	_ =	strace $0x80000047  }
0xd: {  	[dreg:$0x8] =	wrdreg s11;
	s17 =	ssub.s32 $0x2, s6;
	s6 =	smul.u32 $0x500, s6  }
0xe: {  	[dreg:$0x9] =	wrdreg s12;
	s20 =	sor.u32 $0x1C05, s25;
	s12 =	simm.s32 $0x5  }
0xf: {  	s11 =	simm.s32 $0x180;
	s18 =	sshrl.u32 s17, $0x1;
	s10 =	sshrl.u32 s10, $0x2  }
0x10: {  	[dreg:$0xa] =	wrdreg s20;
	s5 =	sadd.s32 s7, s5;
	s19 =	ssub.s32 s17, s18  }
0x11: {  	s21 =	sadd.s32 s10, s2;
	s6 =	sadd.s32 s13, s6;
	s17 =	simm.s32 $0x4800  }
0x12: {  	s18 =	simm.s32 $0x1;
	s10 =	simm.s32 $0x480;
	s13 =	simm.s32 $0x780  }
0x13: {  	s5 =	sadd.s32 $0x18600, s5;
	s6 =	sshll.u32 s6, $0x4;
	s7 =	smax.u32 s19, $0x1  }
0x14: {  	s19 =	simm.s32 $0x3;
	s23 =	sadd.s32 s6, s9;
	s24 =	sadd.s32 $0xA000, s6  }
0x15: {  	[dreg:$0xb] =	wrdreg s7;
	s22 =	sadd.s32 s6, s0;
	s26 =	sadd.s32 s26, s5  }
0x16: {  	s5 =	simm.s32 $0x680;
	s6 =	simm.s32 $0x380;
	[dreg:$0x6] =	wrdreg s23  }
0x17: {  	s7 =	simm.s32 $0x0;
	s25 =	sadd.s32 s24, s9;
	[dreg:$0xf] =	wrdreg s26  }
0x18: {  	s24 =	sadd.s32 s24, s0;
	s0 =	sshrl.u32 @!p0 s3, $0x3;
	[dreg:$0x7] =	wrdreg s25  }
0x19: {  	s9 =	sshrl.u32 s21, $0x3;
	s21 =	simm.s32 $0x2;
	[dreg:$0xe] =	wrdreg s0  }
0x1a: {  	s23 =	simm.s32 $0x4;
	s26 =	simm.s32 $0x500;
	[dreg:$0xc] =	wrdreg s24  }
0x1b: {  	s25 =	simm.s32 $0x100;
	s0 =	simm.s32 $0x300;
	[dreg:$0xd] =	wrdreg s9  }
.LBB2_1:
0x1c: {  	[dreg:$0x10] =	wrdreg s7  }
0x1d: {  	s24 =	rddreg [dreg:$0x8]  }
0x1e: {  	[spmem:s9], [sflag:s20] =	dma.local [hbm:s24], $0x2880  }
0x1f: {  	_ =	swait.ge [sflag:s12], $0x2880  }
0x20: {  	[sflag:s12] =	ssyncset.done $0x0;
	s7 =	rddreg [dreg:$0x9]  }
0x21: {  	s9 =	rddreg [dreg:$0xe];
	[sflag:s12] =	ssyncadd.s32 $0xFFFFD780  }
0x22: {  	[spmem:s9], [sflag:s20] =	dma.local @!p0 [hbm:s7], $0x800  }
0x23: {  	s7 =	simm.s32 @!p0 $0x5  }
0x24: {  	_ =	swait.ge @!p0 [sflag:s7], $0x800  }
0x25: {  	[sflag:s7] =	ssyncset.done @!p0 $0x0  }
0x26: {  	[sflag:s7] =	ssyncadd.s32 @!p0 $0xFFFFF800  }
0x27: {  	s20 =	sadd.s32 $0x0, s22;
	[bflag:$0x0] =	sbarrier.arrive $0xFFFF  }
0x28: {  	[tilespmem:s4], [sflag:$0x5] =	stream.linear.gather [hbm4b:s20+s4], $0x400, $0x38;
	[tilespmem:$0x1D000] =	vst v63  }
0x29: {  	_ =	swait.ge [sflag:s12], $0x400  }
0x2a: {  	s24 =	rddreg [dreg:$0x6];
	[sflag:s12] =	ssyncset.done $0x0  }
0x2b: {  	[sflag:s12] =	ssyncadd.s32 $0xFFFFFC00;
	s7 =	sadd.s32 $0x0, s24  }
0x2c: {  	[tilespmem:s14], [sflag:$0x5] =	stream.linear.gather [hbm4b:s7+s4], $0x400, $0x38;
	[tilespmem:$0x1D000] =	vst v63  }
0x2d: {  	_ =	swait.ge [sflag:s12], $0x400  }
0x2e: {  	[sflag:s12] =	ssyncset.done $0x0  }
0x2f: {  	[sflag:s12] =	ssyncadd.s32 $0xFFFFFC00  }
0x30: {  	[tilespmem:s16], [sflag:$0x1] =	stream.indirect.gather [hbm4b:s1+s15], $0x80, s4, s15, $0xb8;
	[tilespmem:$0x1D000] =	vst v63  }
0x31: {  	_ = 	snop  }
0x32: {  	[tilespmem:s17], [sflag:$0x2] =	stream.indirect.gather [hbm4b:s1+s15], $0x80, s15, s15, $0xb8;
	[tilespmem:$0x1D000] =	vst v63  }
0x33: {  	_ =	swait.ge [sflag:s18], $0x4000  }
0x34: {  	[sflag:s18] =	ssyncset.done $0x0  }
0x35: {  	[sflag:s18] =	ssyncadd.s32 $0xFFFFC000  }
0x36: {  	[spmem:s2] =	stream.indirect.scatter.add.f32 [tilespmem:s16], [sflag:$0x3], $0x80, s14, s15, $0xb8;
	[tilespmem:$0x1D000] =	vst v63  }
0x37: {  	_ =	swait.ge [sflag:s19], $0x4000  }
0x38: {  	[sflag:s19] =	ssyncset.done $0x0  }
0x39: {  	[sflag:s19] =	ssyncadd.s32 $0xFFFFC000  }
0x3a: {  	[tilespmem:s16], [sflag:$0x1] =	stream.indirect.gather [hbm4b:s1+s15], $0x80, s25, s15, $0xb8;
	[tilespmem:$0x1D000] =	vst v63  }
0x3b: {  	_ =	swait.ge [sflag:s21], $0x4000  }
0x3c: {  	[sflag:s21] =	ssyncset.done $0x0  }
0x3d: {  	[sflag:s21] =	ssyncadd.s32 $0xFFFFC000  }
0x3e: {  	[spmem:s2] =	stream.indirect.scatter.add.f32 [tilespmem:s17], [sflag:$0x4], $0x80, s10, s15, $0xb8;
	[tilespmem:$0x1D000] =	vst v63  }
0x3f: {  	_ =	swait.ge [sflag:s23], $0x4000  }
0x40: {  	[sflag:s23] =	ssyncset.done $0x0  }
0x41: {  	[sflag:s23] =	ssyncadd.s32 $0xFFFFC000  }
0x42: {  	[tilespmem:s17], [sflag:$0x2] =	stream.indirect.gather [hbm4b:s1+s15], $0x80, s11, s15, $0xb8;
	[tilespmem:$0x1D000] =	vst v63  }
0x43: {  	_ =	swait.ge [sflag:s18], $0x4000  }
0x44: {  	[sflag:s18] =	ssyncset.done $0x0  }
0x45: {  	[sflag:s18] =	ssyncadd.s32 $0xFFFFC000  }
0x46: {  	[spmem:s2] =	stream.indirect.scatter.add.f32 [tilespmem:s16], [sflag:$0x3], $0x80, s26, s15, $0xb8;
	[tilespmem:$0x1D000] =	vst v63  }
0x47: {  	_ =	swait.ge [sflag:s19], $0x4000  }
0x48: {  	[sflag:s19] =	ssyncset.done $0x0  }
0x49: {  	[sflag:s19] =	ssyncadd.s32 $0xFFFFC000  }
0x4a: {  	[tilespmem:s16], [sflag:$0x1] =	stream.indirect.gather [hbm4b:s1+s15], $0x80, s28, s15, $0xb8;
	[tilespmem:$0x1D000] =	vst v63  }
0x4b: {  	_ =	swait.ge [sflag:s21], $0x4000  }
0x4c: {  	[sflag:s21] =	ssyncset.done $0x0  }
0x4d: {  	[sflag:s21] =	ssyncadd.s32 $0xFFFFC000  }
0x4e: {  	[spmem:s2] =	stream.indirect.scatter.add.f32 [tilespmem:s17], [sflag:$0x4], $0x80, s29, s15, $0xb8;
	[tilespmem:$0x1D000] =	vst v63  }
0x4f: {  	_ =	swait.ge [sflag:s23], $0x4000  }
0x50: {  	[sflag:s23] =	ssyncset.done $0x0  }
0x51: {  	[sflag:s23] =	ssyncadd.s32 $0xFFFFC000  }
0x52: {  	[tilespmem:s17], [sflag:$0x2] =	stream.indirect.gather [hbm4b:s1+s15], $0x80, s30, s15, $0xb8;
	[tilespmem:$0x1D000] =	vst v63  }
0x53: {  	_ =	swait.ge [sflag:s18], $0x4000  }
0x54: {  	[sflag:s18] =	ssyncset.done $0x0  }
0x55: {  	[sflag:s18] =	ssyncadd.s32 $0xFFFFC000  }
0x56: {  	[spmem:s2] =	stream.indirect.scatter.add.f32 [tilespmem:s16], [sflag:$0x3], $0x80, s31, s15, $0xb8;
	[tilespmem:$0x1D000] =	vst v63  }
0x57: {  	_ =	swait.ge [sflag:s19], $0x4000  }
0x58: {  	[sflag:s19] =	ssyncset.done $0x0  }
0x59: {  	[sflag:s19] =	ssyncadd.s32 $0xFFFFC000  }
0x5a: {  	[tilespmem:s16], [sflag:$0x1] =	stream.indirect.gather [hbm4b:s1+s15], $0x80, s0, s15, $0xb8;
	[tilespmem:$0x1D000] =	vst v63  }
0x5b: {  	_ =	swait.ge [sflag:s21], $0x4000  }
0x5c: {  	[sflag:s21] =	ssyncset.done $0x0  }
0x5d: {  	[sflag:s21] =	ssyncadd.s32 $0xFFFFC000  }
0x5e: {  	[spmem:s2] =	stream.indirect.scatter.add.f32 [tilespmem:s17], [sflag:$0x4], $0x80, s5, s15, $0xb8;
	[tilespmem:$0x1D000] =	vst v63  }
0x5f: {  	_ =	swait.ge [sflag:s23], $0x4000  }
0x60: {  	[sflag:s23] =	ssyncset.done $0x0  }
0x61: {  	[sflag:s23] =	ssyncadd.s32 $0xFFFFC000  }
0x62: {  	[tilespmem:s17], [sflag:$0x2] =	stream.indirect.gather [hbm4b:s1+s15], $0x80, s6, s15, $0xb8;
	[tilespmem:$0x1D000] =	vst v63  }
0x63: {  	_ =	swait.ge [sflag:s18], $0x4000  }
0x64: {  	[sflag:s18] =	ssyncset.done $0x0  }
0x65: {  	[sflag:s18] =	ssyncadd.s32 $0xFFFFC000  }
0x66: {  	[spmem:s2] =	stream.indirect.scatter.add.f32 [tilespmem:s16], [sflag:$0x3], $0x80, s8, s15, $0xb8;
	[tilespmem:$0x1D000] =	vst v63  }
0x67: {  	_ =	swait.ge [sflag:s21], $0x4000  }
0x68: {  	[sflag:s21] =	ssyncset.done $0x0  }
0x69: {  	[sflag:s21] =	ssyncadd.s32 $0xFFFFC000  }
0x6a: {  	[spmem:s2] =	stream.indirect.scatter.add.f32 [tilespmem:s17], [sflag:$0x4], $0x80, s13, s15, $0xb8;
	[tilespmem:$0x1D000] =	vst v63  }
0x6b: {  	_ =	swait.ge [sflag:s19], $0x4000  }
0x6c: {  	[sflag:s19] =	ssyncset.done $0x0  }
0x6d: {  	[sflag:s19] =	ssyncadd.s32 $0xFFFFC000  }
0x6e: {  	s9 =	sadd.s32 $0x80, s22;
	_ =	swait.ge [sflag:s23], $0x4000  }
0x6f: {  	s24 =	simm.s32 $0x100;
	s7 =	simm.s32 $0x80;
	[sflag:s23] =	ssyncset.done $0x0  }
.LBB2_2:
0x70: {  	s11 =	simm.s32 $0x0;
	[sflag:s23] =	ssyncadd.s32 $0xFFFFC000  }
0x71: {  	[tilespmem:s11], [sflag:$0x5] =	stream.linear.gather [hbm4b:s9+s11], $0x400, $0x38;
	[tilespmem:$0x1D000] =	vst v63  }
0x72: {  	s10 =	sadd.s32 s24, s22;
	_ =	swait.ge [sflag:s12], $0x400  }
0x73: {  	s25 =	smov.u32 s22;
	[sflag:s12] =	ssyncset.done $0x0;
	s22 =	rddreg [dreg:$0x6]  }
0x74: {  	s9 =	smov.u32 s10;
	[sflag:s12] =	ssyncadd.s32 $0xFFFFFC00;
	s10 =	sadd.s32 s7, s22  }
0x75: {  	[tilespmem:s14], [sflag:$0x5] =	stream.linear.gather [hbm4b:s10+s11], $0x400, $0x38;
	[tilespmem:$0x1D000] =	vst v63  }
0x76: {  	_ =	swait.ge [sflag:s12], $0x400  }
0x77: {  	[sflag:s12] =	ssyncset.done $0x0  }
0x78: {  	[sflag:s12] =	ssyncadd.s32 $0xFFFFFC00  }
0x79: {  	[tilespmem:s16], [sflag:$0x1] =	stream.indirect.gather [hbm4b:s1+s15], $0x80, s11, s15, $0xb8;
	[tilespmem:$0x1D000] =	vst v63  }
0x7a: {  	_ = 	snop  }
0x7b: {  	[tilespmem:s17], [sflag:$0x2] =	stream.indirect.gather [hbm4b:s1+s15], $0x80, s15, s15, $0xb8;
	[tilespmem:$0x1D000] =	vst v63  }
0x7c: {  	_ =	swait.ge [sflag:s18], $0x4000  }
0x7d: {  	[sflag:s18] =	ssyncset.done $0x0  }
0x7e: {  	[sflag:s18] =	ssyncadd.s32 $0xFFFFC000  }
0x7f: {  	[spmem:s2] =	stream.indirect.scatter.add.f32 [tilespmem:s16], [sflag:$0x3], $0x80, s14, s15, $0xb8;
	[tilespmem:$0x1D000] =	vst v63  }
0x80: {  	_ =	swait.ge [sflag:s19], $0x4000  }
0x81: {  	[sflag:s19] =	ssyncset.done $0x0  }
0x82: {  	s22 =	smov.u32 s25;
	s25 =	simm.s32 $0x100;
	[sflag:s19] =	ssyncadd.s32 $0xFFFFC000  }
0x83: {  	[tilespmem:s16], [sflag:$0x1] =	stream.indirect.gather [hbm4b:s1+s15], $0x80, s25, s15, $0xb8;
	[tilespmem:$0x1D000] =	vst v63  }
0x84: {  	_ =	swait.ge [sflag:s21], $0x4000  }
0x85: {  	[sflag:s21] =	ssyncset.done $0x0  }
0x86: {  	s10 =	simm.s32 $0x480;
	[sflag:s21] =	ssyncadd.s32 $0xFFFFC000  }
0x87: {  	[spmem:s2] =	stream.indirect.scatter.add.f32 [tilespmem:s17], [sflag:$0x4], $0x80, s10, s15, $0xb8;
	[tilespmem:$0x1D000] =	vst v63  }
0x88: {  	_ =	swait.ge [sflag:s23], $0x4000  }
0x89: {  	s20 =	smov.u32 s24;
	[sflag:s23] =	ssyncset.done $0x0  }
0x8a: {  	s7 =	smov.u32 s20;
	s20 =	simm.s32 $0x180;
	[sflag:s23] =	ssyncadd.s32 $0xFFFFC000  }
0x8b: {  	[tilespmem:s17], [sflag:$0x2] =	stream.indirect.gather [hbm4b:s1+s15], $0x80, s20, s15, $0xb8;
	[tilespmem:$0x1D000] =	vst v63  }
0x8c: {  	_ =	swait.ge [sflag:s18], $0x4000  }
0x8d: {  	[sflag:s18] =	ssyncset.done $0x0  }
0x8e: {  	[sflag:s18] =	ssyncadd.s32 $0xFFFFC000  }
0x8f: {  	[spmem:s2] =	stream.indirect.scatter.add.f32 [tilespmem:s16], [sflag:$0x3], $0x80, s26, s15, $0xb8;
	[tilespmem:$0x1D000] =	vst v63  }
0x90: {  	_ =	swait.ge [sflag:s19], $0x4000  }
0x91: {  	[sflag:s19] =	ssyncset.done $0x0  }
0x92: {  	[sflag:s19] =	ssyncadd.s32 $0xFFFFC000  }
0x93: {  	[tilespmem:s16], [sflag:$0x1] =	stream.indirect.gather [hbm4b:s1+s15], $0x80, s28, s15, $0xb8;
	[tilespmem:$0x1D000] =	vst v63  }
0x94: {  	_ =	swait.ge [sflag:s21], $0x4000  }
0x95: {  	[sflag:s21] =	ssyncset.done $0x0  }
0x96: {  	[sflag:s21] =	ssyncadd.s32 $0xFFFFC000  }
0x97: {  	[spmem:s2] =	stream.indirect.scatter.add.f32 [tilespmem:s17], [sflag:$0x4], $0x80, s29, s15, $0xb8;
	[tilespmem:$0x1D000] =	vst v63  }
0x98: {  	_ =	swait.ge [sflag:s23], $0x4000  }
0x99: {  	[sflag:s23] =	ssyncset.done $0x0  }
0x9a: {  	[sflag:s23] =	ssyncadd.s32 $0xFFFFC000  }
0x9b: {  	[tilespmem:s17], [sflag:$0x2] =	stream.indirect.gather [hbm4b:s1+s15], $0x80, s30, s15, $0xb8;
	[tilespmem:$0x1D000] =	vst v63  }
0x9c: {  	_ =	swait.ge [sflag:s18], $0x4000  }
0x9d: {  	[sflag:s18] =	ssyncset.done $0x0  }
0x9e: {  	[sflag:s18] =	ssyncadd.s32 $0xFFFFC000  }
0x9f: {  	[spmem:s2] =	stream.indirect.scatter.add.f32 [tilespmem:s16], [sflag:$0x3], $0x80, s31, s15, $0xb8;
	[tilespmem:$0x1D000] =	vst v63  }
0xa0: {  	_ =	swait.ge [sflag:s19], $0x4000  }
0xa1: {  	[sflag:s19] =	ssyncset.done $0x0  }
0xa2: {  	[sflag:s19] =	ssyncadd.s32 $0xFFFFC000  }
0xa3: {  	[tilespmem:s16], [sflag:$0x1] =	stream.indirect.gather [hbm4b:s1+s15], $0x80, s0, s15, $0xb8;
	[tilespmem:$0x1D000] =	vst v63  }
0xa4: {  	_ =	swait.ge [sflag:s21], $0x4000  }
0xa5: {  	[sflag:s21] =	ssyncset.done $0x0  }
0xa6: {  	[sflag:s21] =	ssyncadd.s32 $0xFFFFC000  }
0xa7: {  	[spmem:s2] =	stream.indirect.scatter.add.f32 [tilespmem:s17], [sflag:$0x4], $0x80, s5, s15, $0xb8;
	[tilespmem:$0x1D000] =	vst v63  }
0xa8: {  	_ =	swait.ge [sflag:s23], $0x4000  }
0xa9: {  	[sflag:s23] =	ssyncset.done $0x0  }
0xaa: {  	[sflag:s23] =	ssyncadd.s32 $0xFFFFC000  }
0xab: {  	[tilespmem:s17], [sflag:$0x2] =	stream.indirect.gather [hbm4b:s1+s15], $0x80, s6, s15, $0xb8;
	[tilespmem:$0x1D000] =	vst v63  }
0xac: {  	_ =	swait.ge [sflag:s18], $0x4000  }
0xad: {  	[sflag:s18] =	ssyncset.done $0x0  }
0xae: {  	[sflag:s18] =	ssyncadd.s32 $0xFFFFC000  }
0xaf: {  	[spmem:s2] =	stream.indirect.scatter.add.f32 [tilespmem:s16], [sflag:$0x3], $0x80, s8, s15, $0xb8;
	[tilespmem:$0x1D000] =	vst v63  }
0xb0: {  	_ =	swait.ge [sflag:s21], $0x4000  }
0xb1: {  	[sflag:s21] =	ssyncset.done $0x0  }
0xb2: {  	p1 =	sne.s32 s24, $0x480;
	[sflag:s21] =	ssyncadd.s32 $0xFFFFC000  }
0xb3: {  	[spmem:s2] =	stream.indirect.scatter.add.f32 [tilespmem:s17], [sflag:$0x4], $0x80, s13, s15, $0xb8;
	[tilespmem:$0x1D000] =	vst v63  }
.Ltmp0:
0xb4: {  	_ =	swait.ge [sflag:s19], $0x4000;
	(pc) =	sbr.rel @p1 .LBB2_2-.Ltmp0, $4  }
0xb5: {  	[sflag:s19] =	ssyncset.done $0x0  }
0xb6: {  	[sflag:s19] =	ssyncadd.s32 $0xFFFFC000  }
0xb7: {  	_ =	swait.ge [sflag:s23], $0x4000  }
0xb8: {  	s24 =	sadd.s32 $0x80, s24;
	[sflag:s23] =	ssyncset.done $0x0  }
0xb9: {  	[sflag:s23] =	ssyncadd.s32 $0xFFFFC000  }
0xba: {  	[tilespmem:s11], [sflag:$0x5] =	stream.linear.gather [hbm4b:s9+s11], $0x400, $0x38;
	[tilespmem:$0x1D000] =	vst v63  }
0xbb: {  	_ =	swait.ge [sflag:s12], $0x400  }
0xbc: {  	s24 =	rddreg [dreg:$0x6];
	[sflag:s12] =	ssyncset.done $0x0  }
0xbd: {  	s7 =	sadd.s32 s7, s24;
	[sflag:s12] =	ssyncadd.s32 $0xFFFFFC00  }
0xbe: {  	[tilespmem:s14], [sflag:$0x5] =	stream.linear.gather [hbm4b:s7+s11], $0x400, $0x38;
	[tilespmem:$0x1D000] =	vst v63  }
0xbf: {  	_ =	swait.ge [sflag:s12], $0x400  }
0xc0: {  	[sflag:s12] =	ssyncset.done $0x0  }
0xc1: {  	[sflag:s12] =	ssyncadd.s32 $0xFFFFFC00  }
0xc2: {  	[tilespmem:s16], [sflag:$0x1] =	stream.indirect.gather [hbm4b:s1+s15], $0x80, s11, s15, $0xb8;
	[tilespmem:$0x1D000] =	vst v63  }
0xc3: {  	_ = 	snop  }
0xc4: {  	[tilespmem:s17], [sflag:$0x2] =	stream.indirect.gather [hbm4b:s1+s15], $0x80, s15, s15, $0xb8;
	[tilespmem:$0x1D000] =	vst v63  }
0xc5: {  	_ =	swait.ge [sflag:s18], $0x4000  }
0xc6: {  	[sflag:s18] =	ssyncset.done $0x0  }
0xc7: {  	[sflag:s18] =	ssyncadd.s32 $0xFFFFC000  }
0xc8: {  	[spmem:s2] =	stream.indirect.scatter.add.f32 [tilespmem:s16], [sflag:$0x3], $0x80, s14, s15, $0xb8;
	[tilespmem:$0x1D000] =	vst v63  }
0xc9: {  	_ =	swait.ge [sflag:s19], $0x4000  }
0xca: {  	[sflag:s19] =	ssyncset.done $0x0  }
0xcb: {  	[sflag:s19] =	ssyncadd.s32 $0xFFFFC000  }
0xcc: {  	[tilespmem:s16], [sflag:$0x1] =	stream.indirect.gather [hbm4b:s1+s15], $0x80, s25, s15, $0xb8;
	[tilespmem:$0x1D000] =	vst v63  }
0xcd: {  	_ =	swait.ge [sflag:s21], $0x4000  }
0xce: {  	[sflag:s21] =	ssyncset.done $0x0  }
0xcf: {  	[sflag:s21] =	ssyncadd.s32 $0xFFFFC000  }
0xd0: {  	[spmem:s2] =	stream.indirect.scatter.add.f32 [tilespmem:s17], [sflag:$0x4], $0x80, s10, s15, $0xb8;
	[tilespmem:$0x1D000] =	vst v63  }
0xd1: {  	_ =	swait.ge [sflag:s23], $0x4000  }
0xd2: {  	[sflag:s23] =	ssyncset.done $0x0  }
0xd3: {  	[sflag:s23] =	ssyncadd.s32 $0xFFFFC000  }
0xd4: {  	[tilespmem:s17], [sflag:$0x2] =	stream.indirect.gather [hbm4b:s1+s15], $0x80, s20, s15, $0xb8;
	[tilespmem:$0x1D000] =	vst v63  }
0xd5: {  	_ =	swait.ge [sflag:s18], $0x4000  }
0xd6: {  	[sflag:s18] =	ssyncset.done $0x0  }
0xd7: {  	[sflag:s18] =	ssyncadd.s32 $0xFFFFC000  }
0xd8: {  	[spmem:s2] =	stream.indirect.scatter.add.f32 [tilespmem:s16], [sflag:$0x3], $0x80, s26, s15, $0xb8;
	[tilespmem:$0x1D000] =	vst v63  }
0xd9: {  	_ =	swait.ge [sflag:s19], $0x4000  }
0xda: {  	[sflag:s19] =	ssyncset.done $0x0  }
0xdb: {  	[sflag:s19] =	ssyncadd.s32 $0xFFFFC000  }
0xdc: {  	[tilespmem:s16], [sflag:$0x1] =	stream.indirect.gather [hbm4b:s1+s15], $0x80, s28, s15, $0xb8;
	[tilespmem:$0x1D000] =	vst v63  }
0xdd: {  	_ =	swait.ge [sflag:s21], $0x4000  }
0xde: {  	[sflag:s21] =	ssyncset.done $0x0  }
0xdf: {  	[sflag:s21] =	ssyncadd.s32 $0xFFFFC000  }
0xe0: {  	[spmem:s2] =	stream.indirect.scatter.add.f32 [tilespmem:s17], [sflag:$0x4], $0x80, s29, s15, $0xb8;
	[tilespmem:$0x1D000] =	vst v63  }
0xe1: {  	_ =	swait.ge [sflag:s23], $0x4000  }
0xe2: {  	[sflag:s23] =	ssyncset.done $0x0  }
0xe3: {  	[sflag:s23] =	ssyncadd.s32 $0xFFFFC000  }
0xe4: {  	[tilespmem:s17], [sflag:$0x2] =	stream.indirect.gather [hbm4b:s1+s15], $0x80, s30, s15, $0xb8;
	[tilespmem:$0x1D000] =	vst v63  }
0xe5: {  	_ =	swait.ge [sflag:s18], $0x4000  }
0xe6: {  	[sflag:s18] =	ssyncset.done $0x0  }
0xe7: {  	[sflag:s18] =	ssyncadd.s32 $0xFFFFC000  }
0xe8: {  	[spmem:s2] =	stream.indirect.scatter.add.f32 [tilespmem:s16], [sflag:$0x3], $0x80, s31, s15, $0xb8;
	[tilespmem:$0x1D000] =	vst v63  }
0xe9: {  	_ =	swait.ge [sflag:s19], $0x4000  }
0xea: {  	[sflag:s19] =	ssyncset.done $0x0  }
0xeb: {  	[sflag:s19] =	ssyncadd.s32 $0xFFFFC000  }
0xec: {  	[tilespmem:s16], [sflag:$0x1] =	stream.indirect.gather [hbm4b:s1+s15], $0x80, s0, s15, $0xb8;
	[tilespmem:$0x1D000] =	vst v63  }
0xed: {  	_ =	swait.ge [sflag:s21], $0x4000  }
0xee: {  	[sflag:s21] =	ssyncset.done $0x0  }
0xef: {  	[sflag:s21] =	ssyncadd.s32 $0xFFFFC000  }
0xf0: {  	[spmem:s2] =	stream.indirect.scatter.add.f32 [tilespmem:s17], [sflag:$0x4], $0x80, s5, s15, $0xb8;
	[tilespmem:$0x1D000] =	vst v63  }
0xf1: {  	_ =	swait.ge [sflag:s23], $0x4000  }
0xf2: {  	[sflag:s23] =	ssyncset.done $0x0  }
0xf3: {  	[sflag:s23] =	ssyncadd.s32 $0xFFFFC000  }
0xf4: {  	[tilespmem:s17], [sflag:$0x2] =	stream.indirect.gather [hbm4b:s1+s15], $0x80, s6, s15, $0xb8;
	[tilespmem:$0x1D000] =	vst v63  }
0xf5: {  	_ =	swait.ge [sflag:s18], $0x4000  }
0xf6: {  	[sflag:s18] =	ssyncset.done $0x0  }
0xf7: {  	[sflag:s18] =	ssyncadd.s32 $0xFFFFC000  }
0xf8: {  	[spmem:s2] =	stream.indirect.scatter.add.f32 [tilespmem:s16], [sflag:$0x3], $0x80, s8, s15, $0xb8;
	[tilespmem:$0x1D000] =	vst v63  }
0xf9: {  	_ =	swait.ge [sflag:s21], $0x4000  }
0xfa: {  	[sflag:s21] =	ssyncset.done $0x0  }
0xfb: {  	[sflag:s21] =	ssyncadd.s32 $0xFFFFC000  }
0xfc: {  	[spmem:s2] =	stream.indirect.scatter.add.f32 [tilespmem:s17], [sflag:$0x4], $0x80, s13, s15, $0xb8;
	[tilespmem:$0x1D000] =	vst v63  }
0xfd: {  	p2 =	por $0x1, $0x1;
	_ =	swait.ge [sflag:s19], $0x4000  }
.Ltmp1:
0xfe: {  	[sflag:s19] =	ssyncset.done $0x0;
	(pc) =	sbr.rel @!p2 .LBB2_8-.Ltmp1, $4  }
0xff: {  	[sflag:s19] =	ssyncadd.s32 $0xFFFFC000  }
0x100: {  	_ =	swait.ge [sflag:s23], $0x4000  }
0x101: {  	p1 =	por $0x0, $0x0;
	[sflag:s23] =	ssyncset.done $0x0;
	s24 =	rddreg [dreg:$0xc]  }
0x102: {  	s7 =	simm.s32 $0x80;
	s9 =	rddreg [dreg:$0x10];
	[sflag:s23] =	ssyncadd.s32 $0xFFFFC000  }
0x103: {  	s9 =	sadd.s32 $0x0, s24  }
0x104: {  	[tilespmem:s4], [sflag:$0x5] =	stream.linear.gather [hbm4b:s9+s4], $0x400, $0x38;
	[tilespmem:$0x1D000] =	vst v63  }
0x105: {  	_ =	swait.ge [sflag:s12], $0x400  }
0x106: {  	s11 =	rddreg [dreg:$0x7];
	[sflag:s12] =	ssyncset.done $0x0  }
0x107: {  	[sflag:s12] =	ssyncadd.s32 $0xFFFFFC00;
	s9 =	sadd.s32 $0x0, s11  }
0x108: {  	[tilespmem:s14], [sflag:$0x5] =	stream.linear.gather [hbm4b:s9+s4], $0x400, $0x38;
	[tilespmem:$0x1D000] =	vst v63  }
0x109: {  	_ =	swait.ge [sflag:s12], $0x400  }
0x10a: {  	[sflag:s12] =	ssyncset.done $0x0  }
0x10b: {  	[sflag:s12] =	ssyncadd.s32 $0xFFFFFC00  }
0x10c: {  	[tilespmem:s16], [sflag:$0x1] =	stream.indirect.gather [spmem:s3], $0x80, s4, s15, $0xb8;
	[tilespmem:$0x1D000] =	vst v63  }
0x10d: {  	_ = 	snop  }
0x10e: {  	[tilespmem:s17], [sflag:$0x2] =	stream.indirect.gather [spmem:s3], $0x80, s15, s15, $0xb8;
	[tilespmem:$0x1D000] =	vst v63  }
0x10f: {  	_ =	swait.ge [sflag:s18], $0x4000  }
0x110: {  	[sflag:s18] =	ssyncset.done $0x0  }
0x111: {  	[sflag:s18] =	ssyncadd.s32 $0xFFFFC000  }
0x112: {  	[spmem:s2] =	stream.indirect.scatter.add.f32 [tilespmem:s16], [sflag:$0x3], $0x80, s14, s15, $0xb8;
	[tilespmem:$0x1D000] =	vst v63  }
0x113: {  	_ =	swait.ge [sflag:s19], $0x4000  }
0x114: {  	[sflag:s19] =	ssyncset.done $0x0  }
0x115: {  	[sflag:s19] =	ssyncadd.s32 $0xFFFFC000  }
0x116: {  	[tilespmem:s16], [sflag:$0x1] =	stream.indirect.gather [spmem:s3], $0x80, s25, s15, $0xb8;
	[tilespmem:$0x1D000] =	vst v63  }
0x117: {  	_ =	swait.ge [sflag:s21], $0x4000  }
0x118: {  	[sflag:s21] =	ssyncset.done $0x0  }
0x119: {  	[sflag:s21] =	ssyncadd.s32 $0xFFFFC000  }
0x11a: {  	[spmem:s2] =	stream.indirect.scatter.add.f32 [tilespmem:s17], [sflag:$0x4], $0x80, s10, s15, $0xb8;
	[tilespmem:$0x1D000] =	vst v63  }
0x11b: {  	_ =	swait.ge [sflag:s23], $0x4000  }
0x11c: {  	[sflag:s23] =	ssyncset.done $0x0  }
0x11d: {  	[sflag:s23] =	ssyncadd.s32 $0xFFFFC000  }
0x11e: {  	[tilespmem:s17], [sflag:$0x2] =	stream.indirect.gather [spmem:s3], $0x80, s20, s15, $0xb8;
	[tilespmem:$0x1D000] =	vst v63  }
0x11f: {  	_ =	swait.ge [sflag:s18], $0x4000  }
0x120: {  	[sflag:s18] =	ssyncset.done $0x0  }
0x121: {  	[sflag:s18] =	ssyncadd.s32 $0xFFFFC000  }
0x122: {  	[spmem:s2] =	stream.indirect.scatter.add.f32 [tilespmem:s16], [sflag:$0x3], $0x80, s26, s15, $0xb8;
	[tilespmem:$0x1D000] =	vst v63  }
0x123: {  	_ =	swait.ge [sflag:s19], $0x4000  }
0x124: {  	[sflag:s19] =	ssyncset.done $0x0  }
0x125: {  	[sflag:s19] =	ssyncadd.s32 $0xFFFFC000  }
0x126: {  	[tilespmem:s16], [sflag:$0x1] =	stream.indirect.gather [spmem:s3], $0x80, s28, s15, $0xb8;
	[tilespmem:$0x1D000] =	vst v63  }
0x127: {  	_ =	swait.ge [sflag:s21], $0x4000  }
0x128: {  	[sflag:s21] =	ssyncset.done $0x0  }
0x129: {  	[sflag:s21] =	ssyncadd.s32 $0xFFFFC000  }
0x12a: {  	[spmem:s2] =	stream.indirect.scatter.add.f32 [tilespmem:s17], [sflag:$0x4], $0x80, s29, s15, $0xb8;
	[tilespmem:$0x1D000] =	vst v63  }
0x12b: {  	_ =	swait.ge [sflag:s23], $0x4000  }
0x12c: {  	[sflag:s23] =	ssyncset.done $0x0  }
0x12d: {  	[sflag:s23] =	ssyncadd.s32 $0xFFFFC000  }
0x12e: {  	[tilespmem:s17], [sflag:$0x2] =	stream.indirect.gather [spmem:s3], $0x80, s30, s15, $0xb8;
	[tilespmem:$0x1D000] =	vst v63  }
0x12f: {  	_ =	swait.ge [sflag:s18], $0x4000  }
0x130: {  	[sflag:s18] =	ssyncset.done $0x0  }
0x131: {  	[sflag:s18] =	ssyncadd.s32 $0xFFFFC000  }
0x132: {  	[spmem:s2] =	stream.indirect.scatter.add.f32 [tilespmem:s16], [sflag:$0x3], $0x80, s31, s15, $0xb8;
	[tilespmem:$0x1D000] =	vst v63  }
0x133: {  	_ =	swait.ge [sflag:s19], $0x4000  }
0x134: {  	[sflag:s19] =	ssyncset.done $0x0  }
0x135: {  	[sflag:s19] =	ssyncadd.s32 $0xFFFFC000  }
0x136: {  	[tilespmem:s16], [sflag:$0x1] =	stream.indirect.gather [spmem:s3], $0x80, s0, s15, $0xb8;
	[tilespmem:$0x1D000] =	vst v63  }
0x137: {  	_ =	swait.ge [sflag:s21], $0x4000  }
0x138: {  	[sflag:s21] =	ssyncset.done $0x0  }
0x139: {  	[sflag:s21] =	ssyncadd.s32 $0xFFFFC000  }
0x13a: {  	[spmem:s2] =	stream.indirect.scatter.add.f32 [tilespmem:s17], [sflag:$0x4], $0x80, s5, s15, $0xb8;
	[tilespmem:$0x1D000] =	vst v63  }
0x13b: {  	_ =	swait.ge [sflag:s23], $0x4000  }
0x13c: {  	[sflag:s23] =	ssyncset.done $0x0  }
0x13d: {  	[sflag:s23] =	ssyncadd.s32 $0xFFFFC000  }
0x13e: {  	[tilespmem:s17], [sflag:$0x2] =	stream.indirect.gather [spmem:s3], $0x80, s6, s15, $0xb8;
	[tilespmem:$0x1D000] =	vst v63  }
0x13f: {  	_ =	swait.ge [sflag:s18], $0x4000  }
0x140: {  	[sflag:s18] =	ssyncset.done $0x0  }
0x141: {  	[sflag:s18] =	ssyncadd.s32 $0xFFFFC000  }
0x142: {  	[spmem:s2] =	stream.indirect.scatter.add.f32 [tilespmem:s16], [sflag:$0x3], $0x80, s8, s15, $0xb8;
	[tilespmem:$0x1D000] =	vst v63  }
0x143: {  	_ =	swait.ge [sflag:s21], $0x4000  }
0x144: {  	[sflag:s21] =	ssyncset.done $0x0  }
0x145: {  	p2 =	por $0x1, $0x1;
	[sflag:s21] =	ssyncadd.s32 $0xFFFFC000  }
0x146: {  	[spmem:s2] =	stream.indirect.scatter.add.f32 [tilespmem:s17], [sflag:$0x4], $0x80, s13, s15, $0xb8;
	[tilespmem:$0x1D000] =	vst v63  }
.Ltmp2:
0x147: {  	_ =	swait.ge [sflag:s19], $0x4000;
	(pc) =	sbr.rel @!p2 .LBB2_5-.Ltmp2, $4  }
0x148: {  	[sflag:s19] =	ssyncset.done $0x0  }
0x149: {  	[sflag:s19] =	ssyncadd.s32 $0xFFFFC000  }
0x14a: {  	_ =	swait.ge [sflag:s23], $0x4000  }
0x14b: {  	p1 =	por $0x1, $0x1;
	s11 =	simm.s32 $0x100;
	[sflag:s23] =	ssyncset.done $0x0  }
.LBB2_6:
0x14c: {  	s10 =	sadd.s32 s7, s24;
	[sflag:s23] =	ssyncadd.s32 $0xFFFFC000  }
0x14d: {  	[tilespmem:s4], [sflag:$0x5] =	stream.linear.gather [hbm4b:s10+s4], $0x400, $0x38;
	[tilespmem:$0x1D000] =	vst v63  }
0x14e: {  	s20 =	smov.u32 s11;
	s9 =	sadd.s32 $0x80, s11;
	_ =	swait.ge [sflag:s12], $0x400  }
0x14f: {  	p2 =	sne.s32 s11, $0x480;
	s11 =	rddreg [dreg:$0x7];
	[sflag:s12] =	ssyncset.done $0x0  }
0x150: {  	[sflag:s12] =	ssyncadd.s32 $0xFFFFFC00;
	s10 =	sadd.s32 s7, s11  }
0x151: {  	[tilespmem:s14], [sflag:$0x5] =	stream.linear.gather [hbm4b:s10+s4], $0x400, $0x38;
	[tilespmem:$0x1D000] =	vst v63  }
0x152: {  	_ =	swait.ge [sflag:s12], $0x400  }
0x153: {  	[sflag:s12] =	ssyncset.done $0x0  }
0x154: {  	[sflag:s12] =	ssyncadd.s32 $0xFFFFFC00  }
0x155: {  	[tilespmem:s16], [sflag:$0x1] =	stream.indirect.gather [spmem:s3], $0x80, s4, s15, $0xb8;
	[tilespmem:$0x1D000] =	vst v63  }
0x156: {  	_ = 	snop  }
0x157: {  	[tilespmem:s17], [sflag:$0x2] =	stream.indirect.gather [spmem:s3], $0x80, s15, s15, $0xb8;
	[tilespmem:$0x1D000] =	vst v63  }
0x158: {  	_ =	swait.ge [sflag:s18], $0x4000  }
0x159: {  	[sflag:s18] =	ssyncset.done $0x0  }
0x15a: {  	[sflag:s18] =	ssyncadd.s32 $0xFFFFC000  }
0x15b: {  	[spmem:s2] =	stream.indirect.scatter.add.f32 [tilespmem:s16], [sflag:$0x3], $0x80, s14, s15, $0xb8;
	[tilespmem:$0x1D000] =	vst v63  }
0x15c: {  	_ =	swait.ge [sflag:s19], $0x4000  }
0x15d: {  	[sflag:s19] =	ssyncset.done $0x0  }
0x15e: {  	[sflag:s19] =	ssyncadd.s32 $0xFFFFC000  }
0x15f: {  	[tilespmem:s16], [sflag:$0x1] =	stream.indirect.gather [spmem:s3], $0x80, s25, s15, $0xb8;
	[tilespmem:$0x1D000] =	vst v63  }
0x160: {  	_ =	swait.ge [sflag:s21], $0x4000  }
0x161: {  	[sflag:s21] =	ssyncset.done $0x0  }
0x162: {  	s10 =	simm.s32 $0x480;
	[sflag:s21] =	ssyncadd.s32 $0xFFFFC000  }
0x163: {  	[spmem:s2] =	stream.indirect.scatter.add.f32 [tilespmem:s17], [sflag:$0x4], $0x80, s10, s15, $0xb8;
	[tilespmem:$0x1D000] =	vst v63  }
0x164: {  	_ =	swait.ge [sflag:s23], $0x4000  }
0x165: {  	[sflag:s23] =	ssyncset.done $0x0  }
0x166: {  	s7 =	smov.u32 s20;
	s20 =	simm.s32 $0x180;
	[sflag:s23] =	ssyncadd.s32 $0xFFFFC000  }
0x167: {  	[tilespmem:s17], [sflag:$0x2] =	stream.indirect.gather [spmem:s3], $0x80, s20, s15, $0xb8;
	[tilespmem:$0x1D000] =	vst v63  }
0x168: {  	_ =	swait.ge [sflag:s18], $0x4000  }
0x169: {  	[sflag:s18] =	ssyncset.done $0x0  }
0x16a: {  	[sflag:s18] =	ssyncadd.s32 $0xFFFFC000  }
0x16b: {  	[spmem:s2] =	stream.indirect.scatter.add.f32 [tilespmem:s16], [sflag:$0x3], $0x80, s26, s15, $0xb8;
	[tilespmem:$0x1D000] =	vst v63  }
0x16c: {  	_ =	swait.ge [sflag:s19], $0x4000  }
0x16d: {  	[sflag:s19] =	ssyncset.done $0x0  }
0x16e: {  	[sflag:s19] =	ssyncadd.s32 $0xFFFFC000  }
0x16f: {  	[tilespmem:s16], [sflag:$0x1] =	stream.indirect.gather [spmem:s3], $0x80, s28, s15, $0xb8;
	[tilespmem:$0x1D000] =	vst v63  }
0x170: {  	_ =	swait.ge [sflag:s21], $0x4000  }
0x171: {  	[sflag:s21] =	ssyncset.done $0x0  }
0x172: {  	[sflag:s21] =	ssyncadd.s32 $0xFFFFC000  }
0x173: {  	[spmem:s2] =	stream.indirect.scatter.add.f32 [tilespmem:s17], [sflag:$0x4], $0x80, s29, s15, $0xb8;
	[tilespmem:$0x1D000] =	vst v63  }
0x174: {  	_ =	swait.ge [sflag:s23], $0x4000  }
0x175: {  	[sflag:s23] =	ssyncset.done $0x0  }
0x176: {  	[sflag:s23] =	ssyncadd.s32 $0xFFFFC000  }
0x177: {  	[tilespmem:s17], [sflag:$0x2] =	stream.indirect.gather [spmem:s3], $0x80, s30, s15, $0xb8;
	[tilespmem:$0x1D000] =	vst v63  }
0x178: {  	_ =	swait.ge [sflag:s18], $0x4000  }
0x179: {  	[sflag:s18] =	ssyncset.done $0x0  }
0x17a: {  	[sflag:s18] =	ssyncadd.s32 $0xFFFFC000  }
0x17b: {  	[spmem:s2] =	stream.indirect.scatter.add.f32 [tilespmem:s16], [sflag:$0x3], $0x80, s31, s15, $0xb8;
	[tilespmem:$0x1D000] =	vst v63  }
0x17c: {  	_ =	swait.ge [sflag:s19], $0x4000  }
0x17d: {  	[sflag:s19] =	ssyncset.done $0x0  }
0x17e: {  	[sflag:s19] =	ssyncadd.s32 $0xFFFFC000  }
0x17f: {  	[tilespmem:s16], [sflag:$0x1] =	stream.indirect.gather [spmem:s3], $0x80, s0, s15, $0xb8;
	[tilespmem:$0x1D000] =	vst v63  }
0x180: {  	_ =	swait.ge [sflag:s21], $0x4000  }
0x181: {  	[sflag:s21] =	ssyncset.done $0x0  }
0x182: {  	[sflag:s21] =	ssyncadd.s32 $0xFFFFC000  }
0x183: {  	[spmem:s2] =	stream.indirect.scatter.add.f32 [tilespmem:s17], [sflag:$0x4], $0x80, s5, s15, $0xb8;
	[tilespmem:$0x1D000] =	vst v63  }
0x184: {  	_ =	swait.ge [sflag:s23], $0x4000  }
0x185: {  	[sflag:s23] =	ssyncset.done $0x0  }
0x186: {  	[sflag:s23] =	ssyncadd.s32 $0xFFFFC000  }
0x187: {  	[tilespmem:s17], [sflag:$0x2] =	stream.indirect.gather [spmem:s3], $0x80, s6, s15, $0xb8;
	[tilespmem:$0x1D000] =	vst v63  }
0x188: {  	_ =	swait.ge [sflag:s18], $0x4000  }
0x189: {  	[sflag:s18] =	ssyncset.done $0x0  }
0x18a: {  	[sflag:s18] =	ssyncadd.s32 $0xFFFFC000  }
0x18b: {  	[spmem:s2] =	stream.indirect.scatter.add.f32 [tilespmem:s16], [sflag:$0x3], $0x80, s8, s15, $0xb8;
	[tilespmem:$0x1D000] =	vst v63  }
0x18c: {  	_ =	swait.ge [sflag:s21], $0x4000  }
0x18d: {  	[sflag:s21] =	ssyncset.done $0x0  }
0x18e: {  	[sflag:s21] =	ssyncadd.s32 $0xFFFFC000  }
0x18f: {  	[spmem:s2] =	stream.indirect.scatter.add.f32 [tilespmem:s17], [sflag:$0x4], $0x80, s13, s15, $0xb8;
	[tilespmem:$0x1D000] =	vst v63  }
.Ltmp3:
0x190: {  	_ =	swait.ge [sflag:s19], $0x4000;
	(pc) =	sbr.rel @p2 .LBB2_6-.Ltmp3, $4  }
0x191: {  	[sflag:s19] =	ssyncset.done $0x0  }
0x192: {  	[sflag:s19] =	ssyncadd.s32 $0xFFFFC000  }
0x193: {  	_ =	swait.ge [sflag:s23], $0x4000  }
0x194: {  	s11 =	smov.u32 s9;
	[sflag:s23] =	ssyncset.done $0x0  }
0x195: {  	s11 =	smov.u32 s7;
	s9 =	rddreg [dreg:$0x10]  }
.LBB2_8:
0x196: {  	s7 =	sadd.s32 s11, s24;
	[sflag:s23] =	ssyncadd.s32 @p1 $0xFFFFC000  }
0x197: {  	[tilespmem:s4], [sflag:$0x5] =	stream.linear.gather [hbm4b:s7+s4], $0x400, $0x38;
	[tilespmem:$0x1D000] =	vst v63  }
0x198: {  	_ =	swait.ge [sflag:s12], $0x400  }
0x199: {  	s24 =	rddreg [dreg:$0x7];
	[sflag:s12] =	ssyncset.done $0x0  }
0x19a: {  	s7 =	sadd.s32 s11, s24;
	[sflag:s12] =	ssyncadd.s32 $0xFFFFFC00  }
0x19b: {  	[tilespmem:s14], [sflag:$0x5] =	stream.linear.gather [hbm4b:s7+s4], $0x400, $0x38;
	[tilespmem:$0x1D000] =	vst v63  }
0x19c: {  	_ =	swait.ge [sflag:s12], $0x400  }
0x19d: {  	[sflag:s12] =	ssyncset.done $0x0  }
0x19e: {  	[sflag:s12] =	ssyncadd.s32 $0xFFFFFC00  }
0x19f: {  	[tilespmem:s16], [sflag:$0x1] =	stream.indirect.gather [spmem:s3], $0x80, s4, s15, $0xb8;
	[tilespmem:$0x1D000] =	vst v63  }
0x1a0: {  	_ = 	snop  }
0x1a1: {  	[tilespmem:s17], [sflag:$0x2] =	stream.indirect.gather [spmem:s3], $0x80, s15, s15, $0xb8;
	[tilespmem:$0x1D000] =	vst v63  }
0x1a2: {  	_ =	swait.ge [sflag:s18], $0x4000  }
0x1a3: {  	[sflag:s18] =	ssyncset.done $0x0  }
0x1a4: {  	[sflag:s18] =	ssyncadd.s32 $0xFFFFC000  }
0x1a5: {  	[spmem:s2] =	stream.indirect.scatter.add.f32 [tilespmem:s16], [sflag:$0x3], $0x80, s14, s15, $0xb8;
	[tilespmem:$0x1D000] =	vst v63  }
0x1a6: {  	_ =	swait.ge [sflag:s19], $0x4000  }
0x1a7: {  	[sflag:s19] =	ssyncset.done $0x0  }
0x1a8: {  	[sflag:s19] =	ssyncadd.s32 $0xFFFFC000  }
0x1a9: {  	[tilespmem:s16], [sflag:$0x1] =	stream.indirect.gather [spmem:s3], $0x80, s25, s15, $0xb8;
	[tilespmem:$0x1D000] =	vst v63  }
0x1aa: {  	_ =	swait.ge [sflag:s21], $0x4000  }
0x1ab: {  	[sflag:s21] =	ssyncset.done $0x0  }
0x1ac: {  	[sflag:s21] =	ssyncadd.s32 $0xFFFFC000  }
0x1ad: {  	[spmem:s2] =	stream.indirect.scatter.add.f32 [tilespmem:s17], [sflag:$0x4], $0x80, s10, s15, $0xb8;
	[tilespmem:$0x1D000] =	vst v63  }
0x1ae: {  	_ =	swait.ge [sflag:s23], $0x4000  }
0x1af: {  	[sflag:s23] =	ssyncset.done $0x0  }
0x1b0: {  	[sflag:s23] =	ssyncadd.s32 $0xFFFFC000  }
0x1b1: {  	[tilespmem:s17], [sflag:$0x2] =	stream.indirect.gather [spmem:s3], $0x80, s20, s15, $0xb8;
	[tilespmem:$0x1D000] =	vst v63  }
0x1b2: {  	_ =	swait.ge [sflag:s18], $0x4000  }
0x1b3: {  	[sflag:s18] =	ssyncset.done $0x0  }
0x1b4: {  	[sflag:s18] =	ssyncadd.s32 $0xFFFFC000  }
0x1b5: {  	[spmem:s2] =	stream.indirect.scatter.add.f32 [tilespmem:s16], [sflag:$0x3], $0x80, s26, s15, $0xb8;
	[tilespmem:$0x1D000] =	vst v63  }
0x1b6: {  	_ =	swait.ge [sflag:s19], $0x4000  }
0x1b7: {  	[sflag:s19] =	ssyncset.done $0x0  }
0x1b8: {  	[sflag:s19] =	ssyncadd.s32 $0xFFFFC000  }
0x1b9: {  	[tilespmem:s16], [sflag:$0x1] =	stream.indirect.gather [spmem:s3], $0x80, s28, s15, $0xb8;
	[tilespmem:$0x1D000] =	vst v63  }
0x1ba: {  	_ =	swait.ge [sflag:s21], $0x4000  }
0x1bb: {  	[sflag:s21] =	ssyncset.done $0x0  }
0x1bc: {  	[sflag:s21] =	ssyncadd.s32 $0xFFFFC000  }
0x1bd: {  	[spmem:s2] =	stream.indirect.scatter.add.f32 [tilespmem:s17], [sflag:$0x4], $0x80, s29, s15, $0xb8;
	[tilespmem:$0x1D000] =	vst v63  }
0x1be: {  	_ =	swait.ge [sflag:s23], $0x4000  }
0x1bf: {  	[sflag:s23] =	ssyncset.done $0x0  }
0x1c0: {  	[sflag:s23] =	ssyncadd.s32 $0xFFFFC000  }
0x1c1: {  	[tilespmem:s17], [sflag:$0x2] =	stream.indirect.gather [spmem:s3], $0x80, s30, s15, $0xb8;
	[tilespmem:$0x1D000] =	vst v63  }
0x1c2: {  	_ =	swait.ge [sflag:s18], $0x4000  }
0x1c3: {  	[sflag:s18] =	ssyncset.done $0x0  }
0x1c4: {  	[sflag:s18] =	ssyncadd.s32 $0xFFFFC000  }
0x1c5: {  	[spmem:s2] =	stream.indirect.scatter.add.f32 [tilespmem:s16], [sflag:$0x3], $0x80, s31, s15, $0xb8;
	[tilespmem:$0x1D000] =	vst v63  }
0x1c6: {  	_ =	swait.ge [sflag:s19], $0x4000  }
0x1c7: {  	[sflag:s19] =	ssyncset.done $0x0  }
0x1c8: {  	[sflag:s19] =	ssyncadd.s32 $0xFFFFC000  }
0x1c9: {  	[tilespmem:s16], [sflag:$0x1] =	stream.indirect.gather [spmem:s3], $0x80, s0, s15, $0xb8;
	[tilespmem:$0x1D000] =	vst v63  }
0x1ca: {  	_ =	swait.ge [sflag:s21], $0x4000  }
0x1cb: {  	[sflag:s21] =	ssyncset.done $0x0  }
0x1cc: {  	[sflag:s21] =	ssyncadd.s32 $0xFFFFC000  }
0x1cd: {  	[spmem:s2] =	stream.indirect.scatter.add.f32 [tilespmem:s17], [sflag:$0x4], $0x80, s5, s15, $0xb8;
	[tilespmem:$0x1D000] =	vst v63  }
0x1ce: {  	_ =	swait.ge [sflag:s23], $0x4000  }
0x1cf: {  	[sflag:s23] =	ssyncset.done $0x0  }
0x1d0: {  	[sflag:s23] =	ssyncadd.s32 $0xFFFFC000  }
0x1d1: {  	[tilespmem:s17], [sflag:$0x2] =	stream.indirect.gather [spmem:s3], $0x80, s6, s15, $0xb8;
	[tilespmem:$0x1D000] =	vst v63  }
0x1d2: {  	_ =	swait.ge [sflag:s18], $0x4000  }
0x1d3: {  	[sflag:s18] =	ssyncset.done $0x0  }
0x1d4: {  	[sflag:s18] =	ssyncadd.s32 $0xFFFFC000  }
0x1d5: {  	[spmem:s2] =	stream.indirect.scatter.add.f32 [tilespmem:s16], [sflag:$0x3], $0x80, s8, s15, $0xb8;
	[tilespmem:$0x1D000] =	vst v63  }
0x1d6: {  	_ =	swait.ge [sflag:s21], $0x4000  }
0x1d7: {  	[sflag:s21] =	ssyncset.done $0x0  }
0x1d8: {  	[sflag:s21] =	ssyncadd.s32 $0xFFFFC000  }
0x1d9: {  	[spmem:s2] =	stream.indirect.scatter.add.f32 [tilespmem:s17], [sflag:$0x4], $0x80, s13, s15, $0xb8;
	[tilespmem:$0x1D000] =	vst v63  }
0x1da: {  	_ =	swait.ge [sflag:s19], $0x4000  }
0x1db: {  	[sflag:s19] =	ssyncset.done $0x0  }
0x1dc: {  	[sflag:s19] =	ssyncadd.s32 $0xFFFFC000  }
0x1dd: {  	_ =	swait.ge [sflag:s23], $0x4000  }
0x1de: {  	[sflag:s23] =	ssyncset.done $0x0  }
0x1df: {  	[sflag:s23] =	ssyncadd.s32 $0xFFFFC000  }
0x1e0: {  	[bflag:$0x0] =	sbarrier.arrive $0xFFFF  }
0x1e1: {  	s20 =	rddreg [dreg:$0xa]  }
0x1e2: {  	s11 =	smov.u32 s9;
	s9 =	rddreg [dreg:$0xd]  }
0x1e3: {  	s24 =	rddreg [dreg:$0xf]  }
0x1e4: {  	[hbm:s24], [sflag:s20] =	dma.local [spmem:s9], $0x2880  }
0x1e5: {  	_ =	swait.ge [sflag:s12], $0x2880  }
0x1e6: {  	s11 =	sadd.s32 $0x1, s11;
	s24 =	rddreg [dreg:$0xb]  }
0x1e7: {  	p1 =	sne.s32 s11, s24  }
.Ltmp4:
0x1e8: {  	_ = 	snop;
	(pc) =	sbr.rel @p1 .LBB2_1-.Ltmp4, $4  }
.Ltmp5:
0x1e9: {  	_ = 	snop;
	(pc) =	sbr.rel @!p1 .LBB2_9-.Ltmp5, $4  }
0x1ea: {  	_ = 	snop  }
0x1eb: {  	[sflag:s12] =	ssyncset.done $0x0  }
0x1ec: {  	s7 =	smov.u32 s11;
	[sflag:s12] =	ssyncadd.s32 $0xFFFFD780;
	s11 =	simm.s32 $0x180  }
0x1ed: {  	_ = 	snop  }
.LBB2_5:
.Ltmp6:
0x1ee: {  	(pc) =	sbr.rel .LBB2_8-.Ltmp6, $2  }
0x1ef: {  	_ =	sdelay $0x2  }
0x1f0: {  	s11 =	simm.s32 $0x80;
	s9 =	rddreg [dreg:$0x10]  }
.LBB2_9:
0x1f1: {  	_ =	sfence.sel $0x180000  }
0x1f2: {  	[bflag:$0x0] =	sbarrier.arrive $0xFFFF  }
0x1f3: {  	_ =	strace $0x90000047  }
0x1f4: {  	[bflag:$0x2] =	sbarrier.arrive $0xFFFF  }
0x1f5: {  	s0 =	rddreg [dreg:$0x5]  }
0x1f6: {  	s0 =	sadd.s32 @!p0 $0x100000, s0  }
0x1f7: {  	[sflag:s0] =	ssyncadd.tile.s32 @!p0 $0x1;
	_ =	shalt  }
.Lfunc_end2:
_tile_overlayer_lowered:
.L_overlay_start_2:
0x1f8: {  	(tag) =	ssettag $0x2  }
0x1f9: {  	s0 =	rddreg [dreg:$0x0];
	s2 =	stileid.u32  }
0x1fa: {  	s1 =	rddreg [dreg:$0x1];
	p0 =	sne.s32 s2, $0x0  }
0x1fb: {  	s3 =	rddreg [dreg:$0x2];
	[bflag:$0x3] =	sbarrier.arrive $0xFFFF;
	s2 =	simm.s32 @!p0 $0x1C05  }
0x1fc: {  	[timem:s3], [sflag:s2] =	dma.local @!p0 [hbm:s0], s1  }
0x1fd: {  	s0 =	simm.s32 @!p0 $0x5  }
0x1fe: {  	_ =	swait.ge @!p0 [sflag:s0], s1  }
0x1ff: {  	s1 =	ssub.s32 @!p0 $0x0, s1;
	[sflag:s0] =	ssyncset.done @!p0 $0x0  }
0x200: {  	[sflag:s0] =	ssyncadd.s32 @!p0 s1  }
0x201: {  	[bflag:$0x3] =	sbarrier.arrive $0xFFFF  }
0x202: {  	_ =	shalt  }

// kernel: kernel.9.cloned.1.call-start
scs
__scs_entry_jumppad:
0x0: {  	(pc) =	sbr.rel $0x88, $3  }
0x1: {  	(tag) =	ssettag $0x0;
	lr =	simm.s32 $0x1  }
0x2: {  	[smem:$0x3F9B] =	sst lr;
	_ =	strace $0xD0000000  }
0x3: {  	_ = 	snop  }
0x4: {  	_ = 	snop  }
0x5: {  	_ = 	snop  }
0x6: {  	_ = 	snop  }
0x7: {  	_ = 	snop  }
__scs_overlays_trampoline_lowered:
0x8: {  	[smem:$0x3FAA] =	sst s0  }
0x9: {  	[smem:$0x3FAB] =	sst s1  }
0xa: {  	[smem:$0x3FAC] =	sst s2  }
0xb: {  	[smem:$0x3FAD] =	sst s3  }
0xc: {  	[smem:$0x3FAE] =	sst s4  }
0xd: {  	[smem:$0x3FAF] =	sst s5  }
0xe: {  	[smem:$0x3FB0] =	sst s6  }
0xf: {  	[smem:$0x3FB1] =	sst s7  }
0x10: {  	[smem:$0x3FB2] =	sst s8  }
0x11: {  	[smem:$0x3FB3] =	sst s9;
	s0 =	simm.s32 @!p0 $0x0  }
0x12: {  	s1 =	sld [smem:$0x3F99];
	s0 =	simm.s32 @p0 $0x1  }
0x13: {  	[smem:$0x3FB4] =	sst s0;
	s0 =	simm.s32 @!p1 $0x0  }
0x14: {  	s2 =	sld [smem:$0x3F98];
	s0 =	simm.s32 @p1 $0x1  }
0x15: {  	[smem:$0x3FB5] =	sst s0;
	s0 =	simm.s32 @!p2 $0x0  }
0x16: {  	s3 =	sld [smem:$0x3FDB];
	s0 =	simm.s32 @p2 $0x1  }
0x17: {  	s4 =	simm.s32 $0x1BF5;
	[smem:$0x3FB7] =	sst s0  }
0x18: {  	s0 =	sld [smem:$0x3F9A];
	_ =	swait.ge [sflag:s4], $0x0  }
0x19: {  	s7 =	sld [smem:$0x3F9B]  }
0x1a: {  	s8 =	sadd.s32 $0xFFFFE003, lr  }
0x1b: {  	s9 =	sadd.s32 $0xFFFFFEF7, lr;
	s5 =	simm.s32 $0xFFFFFFFF;
	p2 =	slt.u32 s8, $0xFFFFF086  }
0x1c: {  	p1 =	slt.u32 s9, $0xF7A;
	s5 =	simm.s32 @!p2 $0x0  }
0x1d: {  	s5 =	simm.s32 @p1 $0x1;
	p0 =	seq.s32 s7, s2  }
0x1e: {  	s7 =	smul.u32 @!p0 $0xF7A, s2;
	p2 =	seq.s32 @!p0 s5, $0x0  }
0x1f: {  	s9 =	smul.u32 $0xF7A, s1;
	s8 =	simm.s32 @!p0 $0x1BF5;
	p2 =	por !p2, p0  }
0x20: {  	[sflag:s8] =	ssyncset.s32 @!p0 $0xFFFFF086;
	s6 =	sadd.s32 @!p0 s3, s7;
	s7 =	simm.s32 @!p0 $0x108  }
0x21: {  	s3 =	sadd.s32 s3, s9;
	s6 =	sadd.s32 @!p0 $0x88, s6;
	s7 =	simm.s32 @p2 $0x1082  }
0x22: {  	[simem:s7], [sflag:s8] =	dma.local @!p0 [hbm:s6], $0xF7A  }
0x23: {  	s9 =	sor.u32 $0xD0000000, s2;
	s6 =	simm.s32 $0x108;
	_ =	swait.ge @!p0 [sflag:s8], $0x0  }
0x24: {  	s3 =	sadd.s32 $0x88, s3;
	s6 =	simm.s32 @!p1 $0x1082;
	[sflag:s4] =	ssyncset.s32 $0xFFFFF086  }
0x25: {  	[simem:s6], [sflag:s4] =	dma.local [hbm:s3], $0xF7A  }
0x26: {  	[smem:$0x3F9B] =	sst s1;
	(tag) =	ssettag s2;
	_ =	strace s9  }
0x27: {  	s1 =	sld [smem:$0x3FAB]  }
0x28: {  	s2 =	sld [smem:$0x3FAC]  }
0x29: {  	s4 =	sld [smem:$0x3FAE]  }
0x2a: {  	p0 =	seq.s32 s5, $0x0;
	s5 =	sld [smem:$0x3FAF]  }
0x2b: {  	s6 =	sld [smem:$0x3FB0]  }
0x2c: {  	s7 =	sld [smem:$0x3FB1]  }
0x2d: {  	s3 =	simm.s32 $0x108;
	s8 =	sld [smem:$0x3FB2]  }
0x2e: {  	s3 =	simm.s32 @!p0 $0x1082;
	s9 =	sld [smem:$0x3FB3]  }
0x2f: {  	lr =	sadd.s32 s0, s3;
	s0 =	sld [smem:$0x3FAA]  }
0x30: {  	s3 =	sld [smem:$0x3FAD]  }
0x31: {  	[smem:$0x3FB6] =	sst s10  }
0x32: {  	s10 =	sld [smem:$0x3FB4];
	_ =	sdelay $0x3  }
0x33: {  	p0 =	seq.s32 s10, $0x1;
	s10 =	sld [smem:$0x3FB6];
	_ =	sdelay $0x3  }
0x34: {  	[smem:$0x3FB6] =	sst s10  }
0x35: {  	s10 =	sld [smem:$0x3FB5];
	_ =	sdelay $0x3  }
0x36: {  	p1 =	seq.s32 s10, $0x1;
	s10 =	sld [smem:$0x3FB6];
	_ =	sdelay $0x3  }
0x37: {  	[smem:$0x3FB6] =	sst s10  }
0x38: {  	s10 =	sld [smem:$0x3FB7]  }
0x39: {  	_ = 	snop;
	(pc) =	sbr.ind lr, $3  }
0x3a: {  	_ = 	snop  }
0x3b: {  	_ = 	snop  }
0x3c: {  	p2 =	seq.s32 s10, $0x1;
	s10 =	sld [smem:$0x3FB6]  }
0x3d: {  	_ =	shalt  }
0x3e: {  	_ =	shalt  }
0x3f: {  	_ =	shalt  }
0x40: {  	_ =	shalt  }
0x41: {  	_ =	shalt  }
0x42: {  	_ =	shalt  }
0x43: {  	_ =	shalt  }
0x44: {  	_ =	shalt  }
0x45: {  	_ =	shalt  }
0x46: {  	_ =	shalt  }
0x47: {  	_ =	shalt  }
0x48: {  	_ =	shalt  }
0x49: {  	_ =	shalt  }
0x4a: {  	_ =	shalt  }
0x4b: {  	_ =	shalt  }
0x4c: {  	_ =	shalt  }
0x4d: {  	_ =	shalt  }
0x4e: {  	_ =	shalt  }
0x4f: {  	_ =	shalt  }
0x50: {  	_ =	shalt  }
0x51: {  	_ =	shalt  }
0x52: {  	_ =	shalt  }
0x53: {  	_ =	shalt  }
0x54: {  	_ =	shalt  }
0x55: {  	_ =	shalt  }
0x56: {  	_ =	shalt  }
0x57: {  	_ =	shalt  }
0x58: {  	_ =	shalt  }
0x59: {  	_ =	shalt  }
0x5a: {  	_ =	shalt  }
0x5b: {  	_ =	shalt  }
0x5c: {  	_ =	shalt  }
0x5d: {  	_ =	shalt  }
0x5e: {  	_ =	shalt  }
0x5f: {  	_ =	shalt  }
0x60: {  	_ =	shalt  }
0x61: {  	_ =	shalt  }
0x62: {  	_ =	shalt  }
0x63: {  	_ =	shalt  }
0x64: {  	_ =	shalt  }
0x65: {  	_ =	shalt  }
0x66: {  	_ =	shalt  }
0x67: {  	_ =	shalt  }
0x68: {  	_ =	shalt  }
0x69: {  	_ =	shalt  }
0x6a: {  	_ =	shalt  }
0x6b: {  	_ =	shalt  }
0x6c: {  	_ =	shalt  }
0x6d: {  	_ =	shalt  }
0x6e: {  	_ =	shalt  }
0x6f: {  	_ =	shalt  }
0x70: {  	_ =	shalt  }
0x71: {  	_ =	shalt  }
0x72: {  	_ =	shalt  }
0x73: {  	_ =	shalt  }
0x74: {  	_ =	shalt  }
0x75: {  	_ =	shalt  }
0x76: {  	_ =	shalt  }
0x77: {  	_ =	shalt  }
0x78: {  	_ =	shalt  }
0x79: {  	_ =	shalt  }
0x7a: {  	_ =	shalt  }
0x7b: {  	_ =	shalt  }
0x7c: {  	_ =	shalt  }
0x7d: {  	_ =	shalt  }
0x7e: {  	_ =	shalt  }
0x7f: {  	_ =	shalt  }
0x80: {  	_ =	shalt  }
0x81: {  	_ =	shalt  }
0x82: {  	_ =	shalt  }
0x83: {  	_ =	shalt  }
0x84: {  	_ =	shalt  }
0x85: {  	_ =	shalt  }
0x86: {  	_ =	shalt  }
0x87: {  	_ =	shalt  }
.Lfunc_end0:
.L_simem_size_0:
called_computation.1_lowered:
.L_overlay_start_0:
0x88: {  	s2 =	sld [smem:$0x3FD9]  }
0x89: {  	s3 =	sld [smem:$0x3FFE];
	_ =	sdelay $0x1  }
0x8a: {  	s1 =	srdreg.scid  }
0x8b: {  	s0 =	sand.u32 $0x1, s1  }
0x8c: {  	s16 =	sshll.u32 s0, $0xA;
	s2 =	sadd.s32 s3, s2  }
0x8d: {  	s2 =	sadd.s32 s2, s16  }
0x8e: {  	[smem:$0x3FC2] =	sst s2  }
0x8f: {  	_ = 	snop  }
0x90: {  	(tm) =	ssettm $0x1  }
0x91: {  	s17 =	sld [smem:$0x3FFB];
	_ =	sdelay $0x3  }
0x92: {  	_ =	strace s17  }
0x93: {  	s2 =	sld [smem:$0x3FFC];
	_ =	sdelay $0x3  }
0x94: {  	_ =	strace s2  }
0x95: {  	s2 =	sld [smem:$0x3FFD];
	_ =	sdelay $0x3  }
0x96: {  	_ =	strace s2  }
0x97: {  	_ =	strace $0x8FFFFFFF  }
0x98: {  	s18 =	sld [smem:$0x3FDB];
	_ =	sdelay $0x1  }
0x99: {  	s19 =	simm.s32 $_scs_section_size  }
0x9a: {  	s4 =	simm.s32 $_size__tile_overlayer_lowered;
	s5 =	simm.s32 $_tile_overlayer_lowered  }
0x9b: {  	s22 =	simm.s32 $0x1BFF;
	s21 =	sshll.u32 s5, $0x1;
	s2 =	sadd.s32 s19, s18  }
0x9c: {  	s6 =	simm.s32 $0x0;
	s20 =	sshll.u32 s4, $0x1;
	s4 =	sadd.s32 s21, s2  }
0x9d: {  	[timem:s6], [sflag:s22] =	dma.local [hbm:s4], s20  }
0x9e: {  	_ =	swait.ge [sflag:s22], s20  }
0x9f: {  	s3 =	ssub.s32 $0x0, s20;
	[sflag:s22] =	ssyncset.done $0x0  }
0xa0: {  	[sflag:s22] =	ssyncadd.s32 s3;
	_ =	sdelay $0x1  }
0xa1: {  	s23 =	simm.s32 $0x1B8B  }
0xa2: {  	_ =	swait.ge [sflag:s23], $0x1  }
0xa3: {  	[sflag:s23] =	ssyncset.done $0x0  }
0xa4: {  	s25 =	simm.s32 $0x1B8E;
	s24 =	sld [smem:$0x3FFE];
	[sflag:s23] =	ssyncadd.s32 $0xFFFFFFFF  }
0xa5: {  	s26 =	simm.s32 $execute0_lowered;
	[smem:$0x3FD2] =	sst s25  }
0xa6: {  	s4 =	sshll.u32 s26, $0x1;
	_ =	strace $0x80000049;
	[dreg:$0x1] =	wrdreg $0xFFFFFFFF  }
0xa7: {  	s28 =	simm.s32 $_size_execute0_lowered;
	s2 =	sadd.s32 s2, s4;
	[dreg:$0x0] =	wrdreg $0x0  }
0xa8: {  	s4 =	sshll.u32 s28, $0x1;
	[dreg:$0x2] =	wrdreg s2  }
0xa9: {  	[dreg:$0x3] =	wrdreg s4  }
0xaa: {  	[dreg:$0x4] =	wrdreg $0xC0  }
0xab: {  	_ =	task [dreg:s6], $0x5FFFF  }
0xac: {  	[dreg:$0x1] =	wrdreg $0xFFFFFFFF  }
0xad: {  	[dreg:$0x0] =	wrdreg $0x60  }
0xae: {  	[dreg:$0x2] =	wrdreg s24  }
0xaf: {  	[dreg:$0x3] =	wrdreg $0x88000  }
0xb0: {  	[dreg:$0x4] =	wrdreg $0x9  }
0xb1: {  	_ =	task.clear_ibuf [dreg:s6], $0x5FFFF;
	_ =	strace $0x90000049  }
0xb2: {  	s29 =	simm.s32 $0x9;
	_ =	strace $0x8000004B  }
0xb3: {  	_ =	swait.ge [sflag:s29], $0x1  }
0xb4: {  	[sflag:s29] =	ssyncadd.s32 $0xFFFFFFFF  }
0xb5: {  	_ =	strace $0x9000004B  }
0xb6: {  	_ =	sfence  }
0xb7: {  	s30 =	sld [smem:$0x0];
	_ =	sdelay $0x2  }
0xb8: {  	s31 =	sshll.u32 s1, $0xD;
	s1 =	sshrl.u32 s1, $0x2  }
0xb9: {  	s3 =	sand.u32 $0x4000, s31;
	s1 =	sadd.s32 s1, s30  }
0xba: {  	s0 =	sor.u32 s3, s0;
	s1 =	sshll.u32 s1, $0x11  }
0xbb: {  	s0 =	sor.u32 s1, s0  }
0xbc: {  	s0 =	sadd.s32 $0x8F2B, s0  }
0xbd: {  	[sflag:s0] =	ssyncadd.remote.s32 $0x1  }
0xbe: {  	_ =	sfence.sel $0xFFFF  }
0xbf: {  	[dreg:$0x0] =	wrdreg $0xFFFFFFFF;
	(pc) =	sbr.abs _section_cstart, $3  }
0xc0: {  	[dreg:$0x1] =	wrdreg $0xFFFFFFFF  }
0xc1: {  	_ =	task.clear_ibuf [dreg:s6], $0x2FFFF;
	_ =	strace $0x9FFFFFFF  }
0xc2: {  	(tm) =	ssettm $0x7FFFFFFF  }
0xc3: {  	_ =	shalt  }
tec
execute0_lowered:
.L_overlay_start_1:
0x0: {  	(tag) =	ssettag $0x1  }
0x1: {  	s0 =	rddreg [dreg:$0x0]  }
0x2: {  	s1 =	rddreg [dreg:$0x1];
	s3 =	srdreg.scid  }
0x3: {  	s2 =	simm.s32 $0x0;
	s9 =	stileid.u32;
	s10 =	simm.s32 $0x5  }
0x4: {  	s11 =	simm.s32 $0x400;
	s12 =	simm.s32 $0x80;
	s13 =	simm.s32 $0x800  }
0x5: {  	s14 =	simm.s32 $0x4800;
	s15 =	simm.s32 $0x1;
	s16 =	simm.s32 $0x3  }
0x6: {  	s17 =	simm.s32 $0x100;
	s18 =	simm.s32 $0x2;
	s19 =	simm.s32 $0x480  }
0x7: {  	s20 =	simm.s32 $0x4;
	s28 =	simm.s32 $0x600;
	s29 =	simm.s32 $0x300  }
0x8: {  	s30 =	simm.s32 $0x680;
	s31 =	simm.s32 $0x380;
	s7 =	smul.u32 $0x51000, s9  }
0x9: {  	s3 =	sand.u32 $0x1, s3;
	[smem:$0x7FF] =	sst s2;
	s22 =	smul.u32 $0x500, s9  }
0xa: {  	s4 =	sadd.s32 $0x18600, s0;
	s8 =	sadd.s32 $0x15C00, s0;
	s25 =	smul.u32 $0x2880, s9  }
0xb: {  	s24 =	sshll.u32 s9, $0x6;
	s5 =	smul.u32 $0x5000, s3;
	_ =	strace $0x8000004A  }
0xc: {  	s6 =	smul.u32 $0x28800, s3;
	[dreg:$0x4] =	wrdreg s8;
	s3 =	ssub.s32 $0x2, s3  }
0xd: {  	s24 =	sor.u32 $0x1C05, s24;
	s21 =	sshrl.u32 s3, $0x1;
	s7 =	sshrl.u32 s7, $0x2  }
0xe: {  	[dreg:$0x5] =	wrdreg s24;
	s5 =	sadd.s32 s5, s0;
	s0 =	sadd.s32 s6, s0  }
0xf: {  	s3 =	ssub.s32 s3, s21;
	s23 =	sadd.s32 s7, s1;
	s21 =	simm.s32 $0x180  }
0x10: {  	s7 =	simm.s32 $0x0;
	s0 =	sadd.s32 $0x7D600, s0;
	s5 =	sadd.s32 s22, s5  }
0x11: {  	s3 =	smax.u32 s3, $0x1;
	s6 =	sshrl.u32 s23, $0x3;
	s22 =	simm.s32 $0x500  }
0x12: {  	s23 =	simm.s32 $0x200;
	[dreg:$0x6] =	wrdreg s3;
	s26 =	sadd.s32 $0x69600, s5  }
0x13: {  	s8 =	sadd.s32 $0x73600, s5;
	s0 =	sadd.s32 s25, s0;
	[dreg:$0x7] =	wrdreg s6  }
0x14: {  	s25 =	simm.s32 $0x580;
	s3 =	simm.s32 $0x780;
	[dreg:$0x3] =	wrdreg s26  }
0x15: {  	[dreg:$0x8] =	wrdreg s0;
	s26 =	simm.s32 $0x280;
	s0 =	simm.s32 $0x700  }
.LBB2_1:
0x16: {  	[dreg:$0x9] =	wrdreg s7  }
0x17: {  	s5 =	rddreg [dreg:$0x4]  }
0x18: {  	[spmem:s6], [sflag:s24] =	dma.local [hbm:s5], $0x2880  }
0x19: {  	_ =	swait.ge [sflag:s10], $0x2880  }
0x1a: {  	[sflag:s10] =	ssyncset.done $0x0  }
0x1b: {  	[sflag:s10] =	ssyncadd.s32 $0xFFFFD780  }
0x1c: {  	s9 =	sadd.s32 $0x0, s8;
	[bflag:$0x0] =	sbarrier.arrive $0xFFFF  }
0x1d: {  	[tilespmem:s2], [sflag:$0x5] =	stream.linear.gather [hbm4b:s9+s2], $0x400, $0x38;
	[tilespmem:$0x1CC00] =	vst v63  }
0x1e: {  	_ =	swait.ge [sflag:s10], $0x400  }
0x1f: {  	s24 =	rddreg [dreg:$0x3];
	[sflag:s10] =	ssyncset.done $0x0  }
0x20: {  	[sflag:s10] =	ssyncadd.s32 $0xFFFFFC00;
	s6 =	sadd.s32 $0x0, s24  }
0x21: {  	[tilespmem:s11], [sflag:$0x5] =	stream.linear.gather [hbm4b:s6+s2], $0x400, $0x38;
	[tilespmem:$0x1CC00] =	vst v63  }
0x22: {  	_ =	swait.ge [sflag:s10], $0x400  }
0x23: {  	[sflag:s10] =	ssyncset.done $0x0  }
0x24: {  	[sflag:s10] =	ssyncadd.s32 $0xFFFFFC00  }
0x25: {  	[tilespmem:s13], [sflag:$0x1] =	stream.indirect.gather [hbm4b:s4+s12], $0x80, s2, s12, $0xb8;
	[tilespmem:$0x1CC00] =	vst v63  }
0x26: {  	_ = 	snop  }
0x27: {  	[tilespmem:s14], [sflag:$0x2] =	stream.indirect.gather [hbm4b:s4+s12], $0x80, s12, s12, $0xb8;
	[tilespmem:$0x1CC00] =	vst v63  }
0x28: {  	_ =	swait.ge [sflag:s15], $0x4000  }
0x29: {  	[sflag:s15] =	ssyncset.done $0x0  }
0x2a: {  	[sflag:s15] =	ssyncadd.s32 $0xFFFFC000  }
0x2b: {  	[spmem:s1] =	stream.indirect.scatter.add.f32 [tilespmem:s13], [sflag:$0x3], $0x80, s11, s12, $0xb8;
	[tilespmem:$0x1CC00] =	vst v63  }
0x2c: {  	_ =	swait.ge [sflag:s16], $0x4000  }
0x2d: {  	[sflag:s16] =	ssyncset.done $0x0  }
0x2e: {  	[sflag:s16] =	ssyncadd.s32 $0xFFFFC000  }
0x2f: {  	[tilespmem:s13], [sflag:$0x1] =	stream.indirect.gather [hbm4b:s4+s12], $0x80, s17, s12, $0xb8;
	[tilespmem:$0x1CC00] =	vst v63  }
0x30: {  	_ =	swait.ge [sflag:s18], $0x4000  }
0x31: {  	[sflag:s18] =	ssyncset.done $0x0  }
0x32: {  	[sflag:s18] =	ssyncadd.s32 $0xFFFFC000  }
0x33: {  	[spmem:s1] =	stream.indirect.scatter.add.f32 [tilespmem:s14], [sflag:$0x4], $0x80, s19, s12, $0xb8;
	[tilespmem:$0x1CC00] =	vst v63  }
0x34: {  	_ =	swait.ge [sflag:s20], $0x4000  }
0x35: {  	[sflag:s20] =	ssyncset.done $0x0  }
0x36: {  	[sflag:s20] =	ssyncadd.s32 $0xFFFFC000  }
0x37: {  	[tilespmem:s14], [sflag:$0x2] =	stream.indirect.gather [hbm4b:s4+s12], $0x80, s21, s12, $0xb8;
	[tilespmem:$0x1CC00] =	vst v63  }
0x38: {  	_ =	swait.ge [sflag:s15], $0x4000  }
0x39: {  	[sflag:s15] =	ssyncset.done $0x0  }
0x3a: {  	[sflag:s15] =	ssyncadd.s32 $0xFFFFC000  }
0x3b: {  	[spmem:s1] =	stream.indirect.scatter.add.f32 [tilespmem:s13], [sflag:$0x3], $0x80, s22, s12, $0xb8;
	[tilespmem:$0x1CC00] =	vst v63  }
0x3c: {  	_ =	swait.ge [sflag:s16], $0x4000  }
0x3d: {  	[sflag:s16] =	ssyncset.done $0x0  }
0x3e: {  	[sflag:s16] =	ssyncadd.s32 $0xFFFFC000  }
0x3f: {  	[tilespmem:s13], [sflag:$0x1] =	stream.indirect.gather [hbm4b:s4+s12], $0x80, s23, s12, $0xb8;
	[tilespmem:$0x1CC00] =	vst v63  }
0x40: {  	_ =	swait.ge [sflag:s18], $0x4000  }
0x41: {  	[sflag:s18] =	ssyncset.done $0x0  }
0x42: {  	[sflag:s18] =	ssyncadd.s32 $0xFFFFC000  }
0x43: {  	[spmem:s1] =	stream.indirect.scatter.add.f32 [tilespmem:s14], [sflag:$0x4], $0x80, s25, s12, $0xb8;
	[tilespmem:$0x1CC00] =	vst v63  }
0x44: {  	_ =	swait.ge [sflag:s20], $0x4000  }
0x45: {  	[sflag:s20] =	ssyncset.done $0x0  }
0x46: {  	[sflag:s20] =	ssyncadd.s32 $0xFFFFC000  }
0x47: {  	[tilespmem:s14], [sflag:$0x2] =	stream.indirect.gather [hbm4b:s4+s12], $0x80, s26, s12, $0xb8;
	[tilespmem:$0x1CC00] =	vst v63  }
0x48: {  	_ =	swait.ge [sflag:s15], $0x4000  }
0x49: {  	[sflag:s15] =	ssyncset.done $0x0  }
0x4a: {  	[sflag:s15] =	ssyncadd.s32 $0xFFFFC000  }
0x4b: {  	[spmem:s1] =	stream.indirect.scatter.add.f32 [tilespmem:s13], [sflag:$0x3], $0x80, s28, s12, $0xb8;
	[tilespmem:$0x1CC00] =	vst v63  }
0x4c: {  	_ =	swait.ge [sflag:s16], $0x4000  }
0x4d: {  	[sflag:s16] =	ssyncset.done $0x0  }
0x4e: {  	[sflag:s16] =	ssyncadd.s32 $0xFFFFC000  }
0x4f: {  	[tilespmem:s13], [sflag:$0x1] =	stream.indirect.gather [hbm4b:s4+s12], $0x80, s29, s12, $0xb8;
	[tilespmem:$0x1CC00] =	vst v63  }
0x50: {  	_ =	swait.ge [sflag:s18], $0x4000  }
0x51: {  	[sflag:s18] =	ssyncset.done $0x0  }
0x52: {  	[sflag:s18] =	ssyncadd.s32 $0xFFFFC000  }
0x53: {  	[spmem:s1] =	stream.indirect.scatter.add.f32 [tilespmem:s14], [sflag:$0x4], $0x80, s30, s12, $0xb8;
	[tilespmem:$0x1CC00] =	vst v63  }
0x54: {  	_ =	swait.ge [sflag:s20], $0x4000  }
0x55: {  	[sflag:s20] =	ssyncset.done $0x0  }
0x56: {  	[sflag:s20] =	ssyncadd.s32 $0xFFFFC000  }
0x57: {  	[tilespmem:s14], [sflag:$0x2] =	stream.indirect.gather [hbm4b:s4+s12], $0x80, s31, s12, $0xb8;
	[tilespmem:$0x1CC00] =	vst v63  }
0x58: {  	_ =	swait.ge [sflag:s15], $0x4000  }
0x59: {  	[sflag:s15] =	ssyncset.done $0x0  }
0x5a: {  	[sflag:s15] =	ssyncadd.s32 $0xFFFFC000  }
0x5b: {  	[spmem:s1] =	stream.indirect.scatter.add.f32 [tilespmem:s13], [sflag:$0x3], $0x80, s0, s12, $0xb8;
	[tilespmem:$0x1CC00] =	vst v63  }
0x5c: {  	_ =	swait.ge [sflag:s18], $0x4000  }
0x5d: {  	[sflag:s18] =	ssyncset.done $0x0  }
0x5e: {  	[sflag:s18] =	ssyncadd.s32 $0xFFFFC000  }
0x5f: {  	[spmem:s1] =	stream.indirect.scatter.add.f32 [tilespmem:s14], [sflag:$0x4], $0x80, s3, s12, $0xb8;
	[tilespmem:$0x1CC00] =	vst v63  }
0x60: {  	_ =	swait.ge [sflag:s16], $0x4000  }
0x61: {  	[sflag:s16] =	ssyncset.done $0x0  }
0x62: {  	[sflag:s16] =	ssyncadd.s32 $0xFFFFC000  }
0x63: {  	_ =	swait.ge [sflag:s20], $0x4000  }
0x64: {  	s7 =	simm.s32 $0x80;
	s24 =	simm.s32 $0x100;
	[sflag:s20] =	ssyncset.done $0x0  }
.LBB2_2:
0x65: {  	s9 =	sadd.s32 s7, s8;
	[sflag:s20] =	ssyncadd.s32 $0xFFFFC000  }
0x66: {  	[tilespmem:s2], [sflag:$0x5] =	stream.linear.gather [hbm4b:s9+s2], $0x400, $0x38;
	[tilespmem:$0x1CC00] =	vst v63  }
0x67: {  	s5 =	smov.u32 s24;
	s6 =	sadd.s32 $0x80, s24;
	_ =	swait.ge [sflag:s10], $0x400  }
0x68: {  	p0 =	sne.s32 s24, $0x480;
	s24 =	rddreg [dreg:$0x3];
	[sflag:s10] =	ssyncset.done $0x0  }
0x69: {  	[sflag:s10] =	ssyncadd.s32 $0xFFFFFC00;
	s9 =	sadd.s32 s7, s24  }
0x6a: {  	[tilespmem:s11], [sflag:$0x5] =	stream.linear.gather [hbm4b:s9+s2], $0x400, $0x38;
	[tilespmem:$0x1CC00] =	vst v63  }
0x6b: {  	_ =	swait.ge [sflag:s10], $0x400  }
0x6c: {  	[sflag:s10] =	ssyncset.done $0x0  }
0x6d: {  	[sflag:s10] =	ssyncadd.s32 $0xFFFFFC00  }
0x6e: {  	[tilespmem:s13], [sflag:$0x1] =	stream.indirect.gather [hbm4b:s4+s12], $0x80, s2, s12, $0xb8;
	[tilespmem:$0x1CC00] =	vst v63  }
0x6f: {  	_ = 	snop  }
0x70: {  	[tilespmem:s14], [sflag:$0x2] =	stream.indirect.gather [hbm4b:s4+s12], $0x80, s12, s12, $0xb8;
	[tilespmem:$0x1CC00] =	vst v63  }
0x71: {  	_ =	swait.ge [sflag:s15], $0x4000  }
0x72: {  	[sflag:s15] =	ssyncset.done $0x0  }
0x73: {  	[sflag:s15] =	ssyncadd.s32 $0xFFFFC000  }
0x74: {  	[spmem:s1] =	stream.indirect.scatter.add.f32 [tilespmem:s13], [sflag:$0x3], $0x80, s11, s12, $0xb8;
	[tilespmem:$0x1CC00] =	vst v63  }
0x75: {  	_ =	swait.ge [sflag:s16], $0x4000  }
0x76: {  	[sflag:s16] =	ssyncset.done $0x0  }
0x77: {  	[sflag:s16] =	ssyncadd.s32 $0xFFFFC000  }
0x78: {  	[tilespmem:s13], [sflag:$0x1] =	stream.indirect.gather [hbm4b:s4+s12], $0x80, s17, s12, $0xb8;
	[tilespmem:$0x1CC00] =	vst v63  }
0x79: {  	_ =	swait.ge [sflag:s18], $0x4000  }
0x7a: {  	[sflag:s18] =	ssyncset.done $0x0  }
0x7b: {  	[sflag:s18] =	ssyncadd.s32 $0xFFFFC000  }
0x7c: {  	[spmem:s1] =	stream.indirect.scatter.add.f32 [tilespmem:s14], [sflag:$0x4], $0x80, s19, s12, $0xb8;
	[tilespmem:$0x1CC00] =	vst v63  }
0x7d: {  	_ =	swait.ge [sflag:s20], $0x4000  }
0x7e: {  	[sflag:s20] =	ssyncset.done $0x0  }
0x7f: {  	[sflag:s20] =	ssyncadd.s32 $0xFFFFC000  }
0x80: {  	[tilespmem:s14], [sflag:$0x2] =	stream.indirect.gather [hbm4b:s4+s12], $0x80, s21, s12, $0xb8;
	[tilespmem:$0x1CC00] =	vst v63  }
0x81: {  	_ =	swait.ge [sflag:s15], $0x4000  }
0x82: {  	[sflag:s15] =	ssyncset.done $0x0  }
0x83: {  	[sflag:s15] =	ssyncadd.s32 $0xFFFFC000  }
0x84: {  	[spmem:s1] =	stream.indirect.scatter.add.f32 [tilespmem:s13], [sflag:$0x3], $0x80, s22, s12, $0xb8;
	[tilespmem:$0x1CC00] =	vst v63  }
0x85: {  	_ =	swait.ge [sflag:s16], $0x4000  }
0x86: {  	[sflag:s16] =	ssyncset.done $0x0  }
0x87: {  	[sflag:s16] =	ssyncadd.s32 $0xFFFFC000  }
0x88: {  	[tilespmem:s13], [sflag:$0x1] =	stream.indirect.gather [hbm4b:s4+s12], $0x80, s23, s12, $0xb8;
	[tilespmem:$0x1CC00] =	vst v63  }
0x89: {  	_ =	swait.ge [sflag:s18], $0x4000  }
0x8a: {  	[sflag:s18] =	ssyncset.done $0x0  }
0x8b: {  	[sflag:s18] =	ssyncadd.s32 $0xFFFFC000  }
0x8c: {  	[spmem:s1] =	stream.indirect.scatter.add.f32 [tilespmem:s14], [sflag:$0x4], $0x80, s25, s12, $0xb8;
	[tilespmem:$0x1CC00] =	vst v63  }
0x8d: {  	_ =	swait.ge [sflag:s20], $0x4000  }
0x8e: {  	[sflag:s20] =	ssyncset.done $0x0  }
0x8f: {  	[sflag:s20] =	ssyncadd.s32 $0xFFFFC000  }
0x90: {  	[tilespmem:s14], [sflag:$0x2] =	stream.indirect.gather [hbm4b:s4+s12], $0x80, s26, s12, $0xb8;
	[tilespmem:$0x1CC00] =	vst v63  }
0x91: {  	_ =	swait.ge [sflag:s15], $0x4000  }
0x92: {  	[sflag:s15] =	ssyncset.done $0x0  }
0x93: {  	[sflag:s15] =	ssyncadd.s32 $0xFFFFC000  }
0x94: {  	[spmem:s1] =	stream.indirect.scatter.add.f32 [tilespmem:s13], [sflag:$0x3], $0x80, s28, s12, $0xb8;
	[tilespmem:$0x1CC00] =	vst v63  }
0x95: {  	_ =	swait.ge [sflag:s16], $0x4000  }
0x96: {  	[sflag:s16] =	ssyncset.done $0x0  }
0x97: {  	[sflag:s16] =	ssyncadd.s32 $0xFFFFC000  }
0x98: {  	[tilespmem:s13], [sflag:$0x1] =	stream.indirect.gather [hbm4b:s4+s12], $0x80, s29, s12, $0xb8;
	[tilespmem:$0x1CC00] =	vst v63  }
0x99: {  	_ =	swait.ge [sflag:s18], $0x4000  }
0x9a: {  	[sflag:s18] =	ssyncset.done $0x0  }
0x9b: {  	[sflag:s18] =	ssyncadd.s32 $0xFFFFC000  }
0x9c: {  	[spmem:s1] =	stream.indirect.scatter.add.f32 [tilespmem:s14], [sflag:$0x4], $0x80, s30, s12, $0xb8;
	[tilespmem:$0x1CC00] =	vst v63  }
0x9d: {  	_ =	swait.ge [sflag:s20], $0x4000  }
0x9e: {  	[sflag:s20] =	ssyncset.done $0x0  }
0x9f: {  	[sflag:s20] =	ssyncadd.s32 $0xFFFFC000  }
0xa0: {  	[tilespmem:s14], [sflag:$0x2] =	stream.indirect.gather [hbm4b:s4+s12], $0x80, s31, s12, $0xb8;
	[tilespmem:$0x1CC00] =	vst v63  }
0xa1: {  	_ =	swait.ge [sflag:s15], $0x4000  }
0xa2: {  	[sflag:s15] =	ssyncset.done $0x0  }
0xa3: {  	[sflag:s15] =	ssyncadd.s32 $0xFFFFC000  }
0xa4: {  	[spmem:s1] =	stream.indirect.scatter.add.f32 [tilespmem:s13], [sflag:$0x3], $0x80, s0, s12, $0xb8;
	[tilespmem:$0x1CC00] =	vst v63  }
0xa5: {  	_ =	swait.ge [sflag:s18], $0x4000  }
0xa6: {  	[sflag:s18] =	ssyncset.done $0x0  }
0xa7: {  	[sflag:s18] =	ssyncadd.s32 $0xFFFFC000  }
0xa8: {  	[spmem:s1] =	stream.indirect.scatter.add.f32 [tilespmem:s14], [sflag:$0x4], $0x80, s3, s12, $0xb8;
	[tilespmem:$0x1CC00] =	vst v63  }
.Ltmp0:
0xa9: {  	_ =	swait.ge [sflag:s16], $0x4000;
	(pc) =	sbr.rel @p0 .LBB2_2-.Ltmp0, $4  }
0xaa: {  	[sflag:s16] =	ssyncset.done $0x0  }
0xab: {  	[sflag:s16] =	ssyncadd.s32 $0xFFFFC000  }
0xac: {  	_ =	swait.ge [sflag:s20], $0x4000  }
0xad: {  	s7 =	smov.u32 s5;
	s24 =	smov.u32 s6;
	[sflag:s20] =	ssyncset.done $0x0  }
0xae: {  	s5 =	sadd.s32 s7, s8;
	[sflag:s20] =	ssyncadd.s32 $0xFFFFC000  }
0xaf: {  	[tilespmem:s2], [sflag:$0x5] =	stream.linear.gather [hbm4b:s5+s2], $0x400, $0x38;
	[tilespmem:$0x1CC00] =	vst v63  }
0xb0: {  	_ =	swait.ge [sflag:s10], $0x400  }
0xb1: {  	s6 =	rddreg [dreg:$0x3];
	[sflag:s10] =	ssyncset.done $0x0  }
0xb2: {  	s5 =	sadd.s32 s7, s6;
	[sflag:s10] =	ssyncadd.s32 $0xFFFFFC00  }
0xb3: {  	[tilespmem:s11], [sflag:$0x5] =	stream.linear.gather [hbm4b:s5+s2], $0x400, $0x38;
	[tilespmem:$0x1CC00] =	vst v63  }
0xb4: {  	_ =	swait.ge [sflag:s10], $0x400  }
0xb5: {  	[sflag:s10] =	ssyncset.done $0x0  }
0xb6: {  	[sflag:s10] =	ssyncadd.s32 $0xFFFFFC00  }
0xb7: {  	[tilespmem:s13], [sflag:$0x1] =	stream.indirect.gather [hbm4b:s4+s12], $0x80, s2, s12, $0xb8;
	[tilespmem:$0x1CC00] =	vst v63  }
0xb8: {  	_ = 	snop  }
0xb9: {  	[tilespmem:s14], [sflag:$0x2] =	stream.indirect.gather [hbm4b:s4+s12], $0x80, s12, s12, $0xb8;
	[tilespmem:$0x1CC00] =	vst v63  }
0xba: {  	_ =	swait.ge [sflag:s15], $0x4000  }
0xbb: {  	[sflag:s15] =	ssyncset.done $0x0  }
0xbc: {  	[sflag:s15] =	ssyncadd.s32 $0xFFFFC000  }
0xbd: {  	[spmem:s1] =	stream.indirect.scatter.add.f32 [tilespmem:s13], [sflag:$0x3], $0x80, s11, s12, $0xb8;
	[tilespmem:$0x1CC00] =	vst v63  }
0xbe: {  	_ =	swait.ge [sflag:s16], $0x4000  }
0xbf: {  	[sflag:s16] =	ssyncset.done $0x0  }
0xc0: {  	[sflag:s16] =	ssyncadd.s32 $0xFFFFC000  }
0xc1: {  	[tilespmem:s13], [sflag:$0x1] =	stream.indirect.gather [hbm4b:s4+s12], $0x80, s17, s12, $0xb8;
	[tilespmem:$0x1CC00] =	vst v63  }
0xc2: {  	_ =	swait.ge [sflag:s18], $0x4000  }
0xc3: {  	[sflag:s18] =	ssyncset.done $0x0  }
0xc4: {  	[sflag:s18] =	ssyncadd.s32 $0xFFFFC000  }
0xc5: {  	[spmem:s1] =	stream.indirect.scatter.add.f32 [tilespmem:s14], [sflag:$0x4], $0x80, s19, s12, $0xb8;
	[tilespmem:$0x1CC00] =	vst v63  }
0xc6: {  	_ =	swait.ge [sflag:s20], $0x4000  }
0xc7: {  	[sflag:s20] =	ssyncset.done $0x0  }
0xc8: {  	[sflag:s20] =	ssyncadd.s32 $0xFFFFC000  }
0xc9: {  	[tilespmem:s14], [sflag:$0x2] =	stream.indirect.gather [hbm4b:s4+s12], $0x80, s21, s12, $0xb8;
	[tilespmem:$0x1CC00] =	vst v63  }
0xca: {  	_ =	swait.ge [sflag:s15], $0x4000  }
0xcb: {  	[sflag:s15] =	ssyncset.done $0x0  }
0xcc: {  	[sflag:s15] =	ssyncadd.s32 $0xFFFFC000  }
0xcd: {  	[spmem:s1] =	stream.indirect.scatter.add.f32 [tilespmem:s13], [sflag:$0x3], $0x80, s22, s12, $0xb8;
	[tilespmem:$0x1CC00] =	vst v63  }
0xce: {  	_ =	swait.ge [sflag:s16], $0x4000  }
0xcf: {  	[sflag:s16] =	ssyncset.done $0x0  }
0xd0: {  	[sflag:s16] =	ssyncadd.s32 $0xFFFFC000  }
0xd1: {  	[tilespmem:s13], [sflag:$0x1] =	stream.indirect.gather [hbm4b:s4+s12], $0x80, s23, s12, $0xb8;
	[tilespmem:$0x1CC00] =	vst v63  }
0xd2: {  	_ =	swait.ge [sflag:s18], $0x4000  }
0xd3: {  	[sflag:s18] =	ssyncset.done $0x0  }
0xd4: {  	[sflag:s18] =	ssyncadd.s32 $0xFFFFC000  }
0xd5: {  	[spmem:s1] =	stream.indirect.scatter.add.f32 [tilespmem:s14], [sflag:$0x4], $0x80, s25, s12, $0xb8;
	[tilespmem:$0x1CC00] =	vst v63  }
0xd6: {  	_ =	swait.ge [sflag:s20], $0x4000  }
0xd7: {  	[sflag:s20] =	ssyncset.done $0x0  }
0xd8: {  	[sflag:s20] =	ssyncadd.s32 $0xFFFFC000  }
0xd9: {  	[tilespmem:s14], [sflag:$0x2] =	stream.indirect.gather [hbm4b:s4+s12], $0x80, s26, s12, $0xb8;
	[tilespmem:$0x1CC00] =	vst v63  }
0xda: {  	_ =	swait.ge [sflag:s15], $0x4000  }
0xdb: {  	[sflag:s15] =	ssyncset.done $0x0  }
0xdc: {  	[sflag:s15] =	ssyncadd.s32 $0xFFFFC000  }
0xdd: {  	[spmem:s1] =	stream.indirect.scatter.add.f32 [tilespmem:s13], [sflag:$0x3], $0x80, s28, s12, $0xb8;
	[tilespmem:$0x1CC00] =	vst v63  }
0xde: {  	_ =	swait.ge [sflag:s16], $0x4000  }
0xdf: {  	[sflag:s16] =	ssyncset.done $0x0  }
0xe0: {  	[sflag:s16] =	ssyncadd.s32 $0xFFFFC000  }
0xe1: {  	[tilespmem:s13], [sflag:$0x1] =	stream.indirect.gather [hbm4b:s4+s12], $0x80, s29, s12, $0xb8;
	[tilespmem:$0x1CC00] =	vst v63  }
0xe2: {  	_ =	swait.ge [sflag:s18], $0x4000  }
0xe3: {  	[sflag:s18] =	ssyncset.done $0x0  }
0xe4: {  	[sflag:s18] =	ssyncadd.s32 $0xFFFFC000  }
0xe5: {  	[spmem:s1] =	stream.indirect.scatter.add.f32 [tilespmem:s14], [sflag:$0x4], $0x80, s30, s12, $0xb8;
	[tilespmem:$0x1CC00] =	vst v63  }
0xe6: {  	_ =	swait.ge [sflag:s20], $0x4000  }
0xe7: {  	[sflag:s20] =	ssyncset.done $0x0  }
0xe8: {  	[sflag:s20] =	ssyncadd.s32 $0xFFFFC000  }
0xe9: {  	[tilespmem:s14], [sflag:$0x2] =	stream.indirect.gather [hbm4b:s4+s12], $0x80, s31, s12, $0xb8;
	[tilespmem:$0x1CC00] =	vst v63  }
0xea: {  	_ =	swait.ge [sflag:s15], $0x4000  }
0xeb: {  	[sflag:s15] =	ssyncset.done $0x0  }
0xec: {  	[sflag:s15] =	ssyncadd.s32 $0xFFFFC000  }
0xed: {  	[spmem:s1] =	stream.indirect.scatter.add.f32 [tilespmem:s13], [sflag:$0x3], $0x80, s0, s12, $0xb8;
	[tilespmem:$0x1CC00] =	vst v63  }
0xee: {  	_ =	swait.ge [sflag:s18], $0x4000  }
0xef: {  	[sflag:s18] =	ssyncset.done $0x0  }
0xf0: {  	[sflag:s18] =	ssyncadd.s32 $0xFFFFC000  }
0xf1: {  	[spmem:s1] =	stream.indirect.scatter.add.f32 [tilespmem:s14], [sflag:$0x4], $0x80, s3, s12, $0xb8;
	[tilespmem:$0x1CC00] =	vst v63  }
0xf2: {  	_ =	swait.ge [sflag:s16], $0x4000  }
0xf3: {  	[sflag:s16] =	ssyncset.done $0x0  }
0xf4: {  	[sflag:s16] =	ssyncadd.s32 $0xFFFFC000  }
0xf5: {  	_ =	swait.ge [sflag:s20], $0x4000  }
0xf6: {  	[sflag:s20] =	ssyncset.done $0x0  }
0xf7: {  	[sflag:s20] =	ssyncadd.s32 $0xFFFFC000  }
0xf8: {  	[bflag:$0x0] =	sbarrier.arrive $0xFFFF  }
0xf9: {  	s24 =	rddreg [dreg:$0x5]  }
0xfa: {  	s6 =	rddreg [dreg:$0x7]  }
0xfb: {  	s9 =	rddreg [dreg:$0x8]  }
0xfc: {  	[hbm:s9], [sflag:s24] =	dma.local [spmem:s6], $0x2880  }
0xfd: {  	_ =	swait.ge [sflag:s10], $0x2880  }
0xfe: {  	s5 =	rddreg [dreg:$0x9]  }
0xff: {  	s9 =	rddreg [dreg:$0x6];
	s7 =	sadd.s32 $0x1, s5  }
0x100: {  	p0 =	sne.s32 s7, s9  }
.Ltmp1:
0x101: {  	_ = 	snop;
	(pc) =	sbr.rel @p0 .LBB2_1-.Ltmp1, $3  }
0x102: {  	_ =	sdelay $0x1  }
0x103: {  	[sflag:s10] =	ssyncset.done $0x0  }
0x104: {  	[sflag:s10] =	ssyncadd.s32 $0xFFFFD780  }
0x105: {  	_ =	sfence.sel $0x180000  }
0x106: {  	[bflag:$0x0] =	sbarrier.arrive $0xFFFF  }
0x107: {  	_ =	strace $0x9000004A  }
0x108: {  	s0 =	stileid.u32;
	[bflag:$0x2] =	sbarrier.arrive $0xFFFF  }
0x109: {  	p0 =	sne.s32 s0, $0x0;
	s0 =	rddreg [dreg:$0x2]  }
0x10a: {  	s0 =	sadd.s32 @!p0 $0x100000, s0  }
0x10b: {  	[sflag:s0] =	ssyncadd.tile.s32 @!p0 $0x1;
	_ =	shalt  }
.Lfunc_end2:
_tile_overlayer_lowered:
.L_overlay_start_2:
0x10c: {  	(tag) =	ssettag $0x2  }
0x10d: {  	s0 =	rddreg [dreg:$0x0];
	s2 =	stileid.u32  }
0x10e: {  	s1 =	rddreg [dreg:$0x1];
	p0 =	sne.s32 s2, $0x0  }
0x10f: {  	s3 =	rddreg [dreg:$0x2];
	[bflag:$0x3] =	sbarrier.arrive $0xFFFF;
	s2 =	simm.s32 @!p0 $0x1C05  }
0x110: {  	[timem:s3], [sflag:s2] =	dma.local @!p0 [hbm:s0], s1  }
0x111: {  	s0 =	simm.s32 @!p0 $0x5  }
0x112: {  	_ =	swait.ge @!p0 [sflag:s0], s1  }
0x113: {  	s1 =	ssub.s32 @!p0 $0x0, s1;
	[sflag:s0] =	ssyncset.done @!p0 $0x0  }
0x114: {  	[sflag:s0] =	ssyncadd.s32 @!p0 s1  }
0x115: {  	[bflag:$0x3] =	sbarrier.arrive $0xFFFF  }
0x116: {  	_ =	shalt  }

</sc_bundles>
